<compile_context>
chip_gen: v7x
topology: tpu7x:2x2x1
jax: 0.10.2.dev20260603
libtpu: 0.0.44.dev20260713+nightly
codegen_flags: <defaults>
</compile_context>

<pallas_src>
import jax
import jax.numpy as jnp
from jax import lax
from jax.experimental import pallas as pl
from jax.experimental.pallas import tpu as pltpu
from jax.experimental.pallas import tpu_sc as plsc

NUM_FEATURES = 32
NUM_SAMPLES = 100000
SOURCE_CLASSES = 751
TEMP = 0.05
BATCH = 1024

BN = 10000
NBLK = NUM_SAMPLES // BN

SC_NC = 2
SC_NS = 16
SC_LANES = 16
SC_NW = SC_NC * SC_NS
SC_BPW = BATCH // SC_NW


def _sc_gather_kernel(feat_hbm, tgt_hbm, out_hbm, idx_v, rows_v, sem):
    wid = lax.axis_index("s") * SC_NC + lax.axis_index("c")
    base = wid * SC_BPW
    pltpu.sync_copy(tgt_hbm.at[pl.ds(base, SC_BPW)], idx_v)
    copies = []
    for j in range(SC_BPW // SC_LANES):
        vec = idx_v[pl.ds(j * SC_LANES, SC_LANES)]
        t0 = vec - 1
        t = jnp.where(t0 >= 0, t0, 0)
        t = jnp.where(t == 5554, SOURCE_CLASSES - 1, t)
        for k in range(SC_LANES):
            copies.append(pltpu.async_copy(
                feat_hbm.at[t[k]], rows_v.at[j * SC_LANES + k], sem))
    for c in copies:
        c.wait()
    pltpu.sync_copy(rows_v, out_hbm.at[pl.ds(base, SC_BPW)])


def _sc_gather(features, tgt_flat):
    mesh = plsc.VectorSubcoreMesh(core_axis_name="c", subcore_axis_name="s")
    return pl.kernel(
        _sc_gather_kernel,
        mesh=mesh,
        out_type=jax.ShapeDtypeStruct((BATCH, NUM_FEATURES), jnp.float32),
        scratch_types=[
            pltpu.VMEM((SC_BPW,), jnp.int32),
            pltpu.VMEM((SC_BPW, NUM_FEATURES), jnp.float32),
            pltpu.SemaphoreType.DMA,
        ],
    )(features, tgt_flat)


def _ce_kernel(inputs_ref, targets_ref, feat_ref, gath_ref, out_ref,
               m_ref, s_ref, si_ref):
    i = pl.program_id(0)

    @pl.when(i == 0)
    def _init():
        si = inputs_ref[:] * (1.4426950408889634 / TEMP)
        si_ref[:] = si
        ssq = jax.lax.dot_general(
            jnp.ones((1, NUM_FEATURES), jnp.float32), si * si,
            dimension_numbers=(((1,), (1,)), ((), ())),
            preferred_element_type=jnp.float32,
        )
        m_ref[:] = jnp.sqrt(ssq)
        s_ref[:] = jnp.zeros((1, BATCH), jnp.float32)

    x = jax.lax.dot_general(
        feat_ref[:], si_ref[:],
        dimension_numbers=(((1,), (1,)), ((), ())),
        preferred_element_type=jnp.float32,
    )
    s_ref[:] += jnp.sum(jnp.exp2(x - m_ref[:]), axis=0, keepdims=True)

    @pl.when(i == NBLK - 1)
    def _finalize():
        prod = si_ref[:] * gath_ref[:]
        tl = jax.lax.dot_general(
            jnp.ones((1, NUM_FEATURES), jnp.float32), prod,
            dimension_numbers=(((1,), (1,)), ((), ())),
            preferred_element_type=jnp.float32,
        )
        t0 = targets_ref[:] - 1
        inds = t0 >= 0
        t = jnp.where(inds, t0, 0)
        t = jnp.where(t == 5554, SOURCE_CLASSES - 1, t)
        keep = ((t != SOURCE_CLASSES - 1) & inds).astype(jnp.float32)
        nll = (m_ref[:] + jnp.log2(s_ref[:]) - tl) * 0.6931471805599453
        loss = jnp.sum(nll * keep) / jnp.sum(keep)
        out_ref[:, :] = loss.reshape(1, 1)


@jax.jit
def kernel(inputs, targets, features):
    tgt_flat = targets.reshape(-1).astype(jnp.int32)
    gathered = _sc_gather(features, tgt_flat)

    loss = pl.pallas_call(
        _ce_kernel,
        grid=(NBLK,),
        in_specs=[
            pl.BlockSpec((BATCH, NUM_FEATURES), lambda i: (0, 0)),
            pl.BlockSpec((1, BATCH), lambda i: (0, 0)),
            pl.BlockSpec((BN, NUM_FEATURES), lambda i: (i, 0)),
            pl.BlockSpec((BATCH, NUM_FEATURES), lambda i: (0, 0)),
        ],
        out_specs=pl.BlockSpec((1, 1), lambda i: (0, 0)),
        out_shape=jax.ShapeDtypeStruct((1, 1), jnp.float32),
        scratch_shapes=[
            pltpu.VMEM((1, BATCH), jnp.float32),
            pltpu.VMEM((1, BATCH), jnp.float32),
            pltpu.VMEM((BATCH, NUM_FEATURES), jnp.float32),
        ],
    )(inputs, tgt_flat.reshape(1, BATCH), features, gathered)
    return loss[0, 0]

# --- scband reference (transcript-rebuilt; emitter-appended) ---
"""Pipeline reference for scband-cluster-proxy-memory-5033701671602 (READ-ONLY COPY).

The authoritative reference and input builder live on the scoring server;
editing this copy changes nothing except your own understanding.
"""

import jax, jax.numpy as jnp
import numpy as np

NUM_FEATURES = 32
NUM_SAMPLES = 100000
SOURCE_CLASSES = 751
TEMP = 0.05
BATCH = 1024


def setup_inputs(seed: int = 0) -> dict:
    key = jax.random.key(seed)
    k1, k2, k3 = jax.random.split(key, 3)
    inputs = jax.random.normal(k1, (BATCH, NUM_FEATURES), dtype=jnp.float32)
    targets = jax.random.randint(k2, (BATCH, 1), 0, NUM_SAMPLES)
    # learned/buffer state: cluster proxy memory bank. Registered as zeros in torch,
    # but initialized with normalized random rows here so outputs are non-degenerate.
    features = jax.random.normal(k3, (NUM_SAMPLES, NUM_FEATURES), dtype=jnp.float32)
    features = features / jnp.linalg.norm(features, axis=1, keepdims=True)
    return {"inputs": inputs, "targets": targets, "features": features}


def reference(inputs, targets, features):
    # torch.cat(targets) over a [B, 1] tensor -> flat [B]
    t = targets.reshape(-1)
    t = t - 1
    inds = t >= 0
    t = jnp.where(inds, t, 0)
    # remap sentinel class 5554 -> source_classes - 1 (is_source=True path)
    t = jnp.where(t == 5554, SOURCE_CLASSES - 1, t)
    # inputs[inds.unsqueeze(1).expand_as(inputs)].view(-1, num_features)
    # CM.forward: outputs = inputs.mm(features.t())
    outputs = inputs @ features.T
    outputs = outputs / TEMP
    # F.cross_entropy with ignore_index = source_classes - 1, mean reduction
    logp = jax.nn.log_softmax(outputs, axis=-1)
    nll = -jnp.take_along_axis(logp, t[:, None], axis=1)[:, 0]
    keep = ((t != (SOURCE_CLASSES - 1)) & inds).astype(jnp.float32)
    loss = jnp.sum(nll * keep) / jnp.sum(keep)
    return loss

if __name__ == "__main__":
    import jax
    _d = setup_inputs()
    print(jax.jit(kernel)(*tuple(_d.values())))

</pallas_src>

<mosaic_0001>
#map = affine_map<(d0, d1) -> (0, 0)>
#map1 = affine_map<(d0, d1) -> (0)>
module attributes {stable_mosaic.version = 14 : i64} {
  func.func @_sc_gather_kernel(%arg0: i32, %arg1: i32, %arg2: memref<100000x32xf32, #tpu.memory_space<hbm>>, %arg3: memref<1024xi32, #tpu.memory_space<hbm>>, %arg4: memref<1024x32xf32, #tpu.memory_space<hbm>>, %arg5: memref<32xi32, #tpu.memory_space<vmem>>, %arg6: memref<32x32xf32, #tpu.memory_space<vmem>>, %arg7: memref<!tpu.dma_semaphore, #tpu.memory_space<semaphore_mem>>) attributes {dimension_semantics = [#tpu.dimension_semantics<core_parallel>, #tpu.dimension_semantics<subcore_parallel>], iteration_bounds = array<i64: 2, 16>, scalar_prefetch = 0 : i64, scratch_operands = 3 : i64, tpu.core_type = #tpu.core_type<sc_vector_subcore>, window_params = [{transform_indices = #map}, {transform_indices = #map1}, {transform_indices = #map}]} {
    %mul3A = arith.constant 2 : i32
    %mul3A_0 = arith.muli %arg1, %mul3A : i32
    %add3A = arith.addi %mul3A_0, %arg0 : i32
    %mul3A_1 = arith.constant 32 : i32
    %mul3A_2 = arith.muli %add3A, %mul3A_1 : i32
    "tpu.region"() ({
      %run_scoped3A = tpu.sem_alloc : memref<!tpu.dma_semaphore, #tpu.memory_space<semaphore_mem>>
      %dma_start3A_924 = tpu.memref_slice %arg3[%mul3A_2] : memref<1024xi32, #tpu.memory_space<hbm>> -> memref<32xi32, #tpu.memory_space<hbm>>
      %dma_start3A_925 = tpu.memref_slice %arg3[%mul3A_2] : memref<1024xi32, #tpu.memory_space<hbm>> -> memref<32xi32, #tpu.memory_space<hbm>>
      tpu.enqueue_dma source(%dma_start3A_925 : memref<32xi32, #tpu.memory_space<hbm>>) target(%arg5 : memref<32xi32, #tpu.memory_space<vmem>>) target_semaphore(%run_scoped3A : memref<!tpu.dma_semaphore, #tpu.memory_space<semaphore_mem>>)
      %dma_wait3A_926 = tpu.memref_slice %arg3[%mul3A_2] : memref<1024xi32, #tpu.memory_space<hbm>> -> memref<32xi32, #tpu.memory_space<hbm>>
      %dma_wait3A_927 = tpu.memref_slice %arg3[%mul3A_2] : memref<1024xi32, #tpu.memory_space<hbm>> -> memref<32xi32, #tpu.memory_space<hbm>>
      tpu.wait_dma2 semaphore(%run_scoped3A : memref<!tpu.dma_semaphore, #tpu.memory_space<semaphore_mem>>) src(%dma_wait3A_927 : memref<32xi32, #tpu.memory_space<hbm>>) dst(%arg5 : memref<32xi32, #tpu.memory_space<vmem>>)
      tpu.yield
    }) : () -> ()
    %get3A = arith.constant 0 : index
    %get3A_3 = tpu.vector_load %arg5[%get3A] {strides = array<i32>} : memref<32xi32, #tpu.memory_space<vmem>>, vector<16xi32>,
    %get3A_4 = vector.shape_cast %get3A_3 : vector<16xi32> to vector<16xi32>
    %sub3A = arith.constant 1 : i32
    %sub3A_5 = vector.broadcast %sub3A : i32 to vector<16xi32>
    %sub3A_6 = arith.subi %get3A_4, %sub3A_5 : vector<16xi32>
    %ge3A = arith.constant 0 : i32
    %ge3A_7 = vector.broadcast %ge3A : i32 to vector<16xi32>
    %ge3A_8 = arith.cmpi sge, %sub3A_6, %ge3A_7 : vector<16xi32>
    %jit3A = arith.constant 0 : i32
    %broadcast_in_dim3A = vector.broadcast %jit3A : i32 to vector<16xi32>
    %select_n3A = arith.select %ge3A_8, %sub3A_6, %broadcast_in_dim3A : vector<16xi1>, vector<16xi32>
    %eq3A = arith.constant 5554 : i32
    %eq3A_9 = vector.broadcast %eq3A : i32 to vector<16xi32>
    %eq3A_10 = arith.cmpi eq, %select_n3A, %eq3A_9 : vector<16xi32>
    %jit3A_11 = arith.constant 750 : i32
    %broadcast_in_dim3A_12 = vector.broadcast %jit3A_11 : i32 to vector<16xi32>
    %select_n3A_13 = arith.select %eq3A_10, %broadcast_in_dim3A_12, %select_n3A : vector<16xi1>, vector<16xi32>
    %slice3A = vector.extract_strided_slice %select_n3A_13 {offsets = [0], sizes = [1], strides = [1]} : vector<16xi32> to vector<1xi32>
    %squeeze3A = vector.extract %slice3A[0] : i32 from vector<1xi32>
    %dma_start3A = arith.constant 0 : i32
    %dma_start3A_14 = arith.constant 0 : i32
    %dma_start3A_15 = tpu.memref_slice %arg6[%dma_start3A, %dma_start3A_14] : memref<32x32xf32, #tpu.memory_space<vmem>> -> memref<1x32xf32, #tpu.memory_space<vmem>>
    %dma_start3A_16 = tpu.memref_squeeze %dma_start3A_15 : memref<1x32xf32, #tpu.memory_space<vmem>> -> memref<32xf32, #tpu.memory_space<vmem>>
    %dma_start3A_17 = arith.constant 0 : i32
    %dma_start3A_18 = tpu.memref_slice %arg2[%squeeze3A, %dma_start3A_17] : memref<100000x32xf32, #tpu.memory_space<hbm>> -> memref<1x32xf32, #tpu.memory_space<hbm>>
    %dma_start3A_19 = tpu.memref_squeeze %dma_start3A_18 : memref<1x32xf32, #tpu.memory_space<hbm>> -> memref<32xf32, #tpu.memory_space<hbm>>
    %dma_start3A_20 = arith.constant 0 : i32
    %dma_start3A_21 = tpu.memref_slice %arg6[%dma_start3A, %dma_start3A_20] : memref<32x32xf32, #tpu.memory_space<vmem>> -> memref<1x32xf32, #tpu.memory_space<vmem>>
    %dma_start3A_22 = tpu.memref_squeeze %dma_start3A_21 : memref<1x32xf32, #tpu.memory_space<vmem>> -> memref<32xf32, #tpu.memory_space<vmem>>
    %dma_start3A_23 = arith.constant 0 : i32
    %dma_start3A_24 = tpu.memref_slice %arg2[%squeeze3A, %dma_start3A_23] : memref<100000x32xf32, #tpu.memory_space<hbm>> -> memref<1x32xf32, #tpu.memory_space<hbm>>
    %dma_start3A_25 = tpu.memref_squeeze %dma_start3A_24 : memref<1x32xf32, #tpu.memory_space<hbm>> -> memref<32xf32, #tpu.memory_space<hbm>>
    tpu.enqueue_dma source(%dma_start3A_25 : memref<32xf32, #tpu.memory_space<hbm>>) target(%dma_start3A_22 : memref<32xf32, #tpu.memory_space<vmem>>) target_semaphore(%arg7 : memref<!tpu.dma_semaphore, #tpu.memory_space<semaphore_mem>>)
    %slice3A_26 = vector.extract_strided_slice %select_n3A_13 {offsets = [1], sizes = [1], strides = [1]} : vector<16xi32> to vector<1xi32>
    %squeeze3A_27 = vector.extract %slice3A_26[0] : i32 from vector<1xi32>
    %dma_start3A_28 = arith.constant 1 : i32
    %dma_start3A_29 = arith.constant 0 : i32
    %dma_start3A_30 = tpu.memref_slice %arg6[%dma_start3A_28, %dma_start3A_29] : memref<32x32xf32, #tpu.memory_space<vmem>> -> memref<1x32xf32, #tpu.memory_space<vmem>>
    %dma_start3A_31 = tpu.memref_squeeze %dma_start3A_30 : memref<1x32xf32, #tpu.memory_space<vmem>> -> memref<32xf32, #tpu.memory_space<vmem>>
    %dma_start3A_32 = arith.constant 0 : i32
    %dma_start3A_33 = tpu.memref_slice %arg2[%squeeze3A_27, %dma_start3A_32] : memref<100000x32xf32, #tpu.memory_space<hbm>> -> memref<1x32xf32, #tpu.memory_space<hbm>>
    %dma_start3A_34 = tpu.memref_squeeze %dma_start3A_33 : memref<1x32xf32, #tpu.memory_space<hbm>> -> memref<32xf32, #tpu.memory_space<hbm>>
    %dma_start3A_35 = arith.constant 0 : i32
    %dma_start3A_36 = tpu.memref_slice %arg6[%dma_start3A_28, %dma_start3A_35] : memref<32x32xf32, #tpu.memory_space<vmem>> -> memref<1x32xf32, #tpu.memory_space<vmem>>
    %dma_start3A_37 = tpu.memref_squeeze %dma_start3A_36 : memref<1x32xf32, #tpu.memory_space<vmem>> -> memref<32xf32, #tpu.memory_space<vmem>>
    %dma_start3A_38 = arith.constant 0 : i32
    %dma_start3A_39 = tpu.memref_slice %arg2[%squeeze3A_27, %dma_start3A_38] : memref<100000x32xf32, #tpu.memory_space<hbm>> -> memref<1x32xf32, #tpu.memory_space<hbm>>
    %dma_start3A_40 = tpu.memref_squeeze %dma_start3A_39 : memref<1x32xf32, #tpu.memory_space<hbm>> -> memref<32xf32, #tpu.memory_space<hbm>>
    tpu.enqueue_dma source(%dma_start3A_40 : memref<32xf32, #tpu.memory_space<hbm>>) target(%dma_start3A_37 : memref<32xf32, #tpu.memory_space<vmem>>) target_semaphore(%arg7 : memref<!tpu.dma_semaphore, #tpu.memory_space<semaphore_mem>>)
    %slice3A_41 = vector.extract_strided_slice %select_n3A_13 {offsets = [2], sizes = [1], strides = [1]} : vector<16xi32> to vector<1xi32>
    %squeeze3A_42 = vector.extract %slice3A_41[0] : i32 from vector<1xi32>
    %dma_start3A_43 = arith.constant 2 : i32
    %dma_start3A_44 = arith.constant 0 : i32
    %dma_start3A_45 = tpu.memref_slice %arg6[%dma_start3A_43, %dma_start3A_44] : memref<32x32xf32, #tpu.memory_space<vmem>> -> memref<1x32xf32, #tpu.memory_space<vmem>>
    %dma_start3A_46 = tpu.memref_squeeze %dma_start3A_45 : memref<1x32xf32, #tpu.memory_space<vmem>> -> memref<32xf32, #tpu.memory_space<vmem>>
    %dma_start3A_47 = arith.constant 0 : i32
    %dma_start3A_48 = tpu.memref_slice %arg2[%squeeze3A_42, %dma_start3A_47] : memref<100000x32xf32, #tpu.memory_space<hbm>> -> memref<1x32xf32, #tpu.memory_space<hbm>>
    %dma_start3A_49 = tpu.memref_squeeze %dma_start3A_48 : memref<1x32xf32, #tpu.memory_space<hbm>> -> memref<32xf32, #tpu.memory_space<hbm>>
    %dma_start3A_50 = arith.constant 0 : i32
    %dma_start3A_51 = tpu.memref_slice %arg6[%dma_start3A_43, %dma_start3A_50] : memref<32x32xf32, #tpu.memory_space<vmem>> -> memref<1x32xf32, #tpu.memory_space<vmem>>
    %dma_start3A_52 = tpu.memref_squeeze %dma_start3A_51 : memref<1x32xf32, #tpu.memory_space<vmem>> -> memref<32xf32, #tpu.memory_space<vmem>>
    %dma_start3A_53 = arith.constant 0 : i32
    %dma_start3A_54 = tpu.memref_slice %arg2[%squeeze3A_42, %dma_start3A_53] : memref<100000x32xf32, #tpu.memory_space<hbm>> -> memref<1x32xf32, #tpu.memory_space<hbm>>
    %dma_start3A_55 = tpu.memref_squeeze %dma_start3A_54 : memref<1x32xf32, #tpu.memory_space<hbm>> -> memref<32xf32, #tpu.memory_space<hbm>>
    tpu.enqueue_dma source(%dma_start3A_55 : memref<32xf32, #tpu.memory_space<hbm>>) target(%dma_start3A_52 : memref<32xf32, #tpu.memory_space<vmem>>) target_semaphore(%arg7 : memref<!tpu.dma_semaphore, #tpu.memory_space<semaphore_mem>>)
    %slice3A_56 = vector.extract_strided_slice %select_n3A_13 {offsets = [3], sizes = [1], strides = [1]} : vector<16xi32> to vector<1xi32>
    %squeeze3A_57 = vector.extract %slice3A_56[0] : i32 from vector<1xi32>
    %dma_start3A_58 = arith.constant 3 : i32
    %dma_start3A_59 = arith.constant 0 : i32
    %dma_start3A_60 = tpu.memref_slice %arg6[%dma_start3A_58, %dma_start3A_59] : memref<32x32xf32, #tpu.memory_space<vmem>> -> memref<1x32xf32, #tpu.memory_space<vmem>>
    %dma_start3A_61 = tpu.memref_squeeze %dma_start3A_60 : memref<1x32xf32, #tpu.memory_space<vmem>> -> memref<32xf32, #tpu.memory_space<vmem>>
    %dma_start3A_62 = arith.constant 0 : i32
    %dma_start3A_63 = tpu.memref_slice %arg2[%squeeze3A_57, %dma_start3A_62] : memref<100000x32xf32, #tpu.memory_space<hbm>> -> memref<1x32xf32, #tpu.memory_space<hbm>>
    %dma_start3A_64 = tpu.memref_squeeze %dma_start3A_63 : memref<1x32xf32, #tpu.memory_space<hbm>> -> memref<32xf32, #tpu.memory_space<hbm>>
    %dma_start3A_65 = arith.constant 0 : i32
    %dma_start3A_66 = tpu.memref_slice %arg6[%dma_start3A_58, %dma_start3A_65] : memref<32x32xf32, #tpu.memory_space<vmem>> -> memref<1x32xf32, #tpu.memory_space<vmem>>
    %dma_start3A_67 = tpu.memref_squeeze %dma_start3A_66 : memref<1x32xf32, #tpu.memory_space<vmem>> -> memref<32xf32, #tpu.memory_space<vmem>>
    %dma_start3A_68 = arith.constant 0 : i32
    %dma_start3A_69 = tpu.memref_slice %arg2[%squeeze3A_57, %dma_start3A_68] : memref<100000x32xf32, #tpu.memory_space<hbm>> -> memref<1x32xf32, #tpu.memory_space<hbm>>
    %dma_start3A_70 = tpu.memref_squeeze %dma_start3A_69 : memref<1x32xf32, #tpu.memory_space<hbm>> -> memref<32xf32, #tpu.memory_space<hbm>>
    tpu.enqueue_dma source(%dma_start3A_70 : memref<32xf32, #tpu.memory_space<hbm>>) target(%dma_start3A_67 : memref<32xf32, #tpu.memory_space<vmem>>) target_semaphore(%arg7 : memref<!tpu.dma_semaphore, #tpu.memory_space<semaphore_mem>>)
    %slice3A_71 = vector.extract_strided_slice %select_n3A_13 {offsets = [4], sizes = [1], strides = [1]} : vector<16xi32> to vector<1xi32>
    %squeeze3A_72 = vector.extract %slice3A_71[0] : i32 from vector<1xi32>
    %dma_start3A_73 = arith.constant 4 : i32
    %dma_start3A_74 = arith.constant 0 : i32
    %dma_start3A_75 = tpu.memref_slice %arg6[%dma_start3A_73, %dma_start3A_74] : memref<32x32xf32, #tpu.memory_space<vmem>> -> memref<1x32xf32, #tpu.memory_space<vmem>>
    %dma_start3A_76 = tpu.memref_squeeze %dma_start3A_75 : memref<1x32xf32, #tpu.memory_space<vmem>> -> memref<32xf32, #tpu.memory_space<vmem>>
    %dma_start3A_77 = arith.constant 0 : i32
    %dma_start3A_78 = tpu.memref_slice %arg2[%squeeze3A_72, %dma_start3A_77] : memref<100000x32xf32, #tpu.memory_space<hbm>> -> memref<1x32xf32, #tpu.memory_space<hbm>>
    %dma_start3A_79 = tpu.memref_squeeze %dma_start3A_78 : memref<1x32xf32, #tpu.memory_space<hbm>> -> memref<32xf32, #tpu.memory_space<hbm>>
    %dma_start3A_80 = arith.constant 0 : i32
    %dma_start3A_81 = tpu.memref_slice %arg6[%dma_start3A_73, %dma_start3A_80] : memref<32x32xf32, #tpu.memory_space<vmem>> -> memref<1x32xf32, #tpu.memory_space<vmem>>
    %dma_start3A_82 = tpu.memref_squeeze %dma_start3A_81 : memref<1x32xf32, #tpu.memory_space<vmem>> -> memref<32xf32, #tpu.memory_space<vmem>>
    %dma_start3A_83 = arith.constant 0 : i32
    %dma_start3A_84 = tpu.memref_slice %arg2[%squeeze3A_72, %dma_start3A_83] : memref<100000x32xf32, #tpu.memory_space<hbm>> -> memref<1x32xf32, #tpu.memory_space<hbm>>
    %dma_start3A_85 = tpu.memref_squeeze %dma_start3A_84 : memref<1x32xf32, #tpu.memory_space<hbm>> -> memref<32xf32, #tpu.memory_space<hbm>>
    tpu.enqueue_dma source(%dma_start3A_85 : memref<32xf32, #tpu.memory_space<hbm>>) target(%dma_start3A_82 : memref<32xf32, #tpu.memory_space<vmem>>) target_semaphore(%arg7 : memref<!tpu.dma_semaphore, #tpu.memory_space<semaphore_mem>>)
    %slice3A_86 = vector.extract_strided_slice %select_n3A_13 {offsets = [5], sizes = [1], strides = [1]} : vector<16xi32> to vector<1xi32>
    %squeeze3A_87 = vector.extract %slice3A_86[0] : i32 from vector<1xi32>
    %dma_start3A_88 = arith.constant 5 : i32
    %dma_start3A_89 = arith.constant 0 : i32
    %dma_start3A_90 = tpu.memref_slice %arg6[%dma_start3A_88, %dma_start3A_89] : memref<32x32xf32, #tpu.memory_space<vmem>> -> memref<1x32xf32, #tpu.memory_space<vmem>>
    %dma_start3A_91 = tpu.memref_squeeze %dma_start3A_90 : memref<1x32xf32, #tpu.memory_space<vmem>> -> memref<32xf32, #tpu.memory_space<vmem>>
    %dma_start3A_92 = arith.constant 0 : i32
    %dma_start3A_93 = tpu.memref_slice %arg2[%squeeze3A_87, %dma_start3A_92] : memref<100000x32xf32, #tpu.memory_space<hbm>> -> memref<1x32xf32, #tpu.memory_space<hbm>>
    %dma_start3A_94 = tpu.memref_squeeze %dma_start3A_93 : memref<1x32xf32, #tpu.memory_space<hbm>> -> memref<32xf32, #tpu.memory_space<hbm>>
    %dma_start3A_95 = arith.constant 0 : i32
    %dma_start3A_96 = tpu.memref_slice %arg6[%dma_start3A_88, %dma_start3A_95] : memref<32x32xf32, #tpu.memory_space<vmem>> -> memref<1x32xf32, #tpu.memory_space<vmem>>
    %dma_start3A_97 = tpu.memref_squeeze %dma_start3A_96 : memref<1x32xf32, #tpu.memory_space<vmem>> -> memref<32xf32, #tpu.memory_space<vmem>>
    %dma_start3A_98 = arith.constant 0 : i32
    %dma_start3A_99 = tpu.memref_slice %arg2[%squeeze3A_87, %dma_start3A_98] : memref<100000x32xf32, #tpu.memory_space<hbm>> -> memref<1x32xf32, #tpu.memory_space<hbm>>
    %dma_start3A_100 = tpu.memref_squeeze %dma_start3A_99 : memref<1x32xf32, #tpu.memory_space<hbm>> -> memref<32xf32, #tpu.memory_space<hbm>>
    tpu.enqueue_dma source(%dma_start3A_100 : memref<32xf32, #tpu.memory_space<hbm>>) target(%dma_start3A_97 : memref<32xf32, #tpu.memory_space<vmem>>) target_semaphore(%arg7 : memref<!tpu.dma_semaphore, #tpu.memory_space<semaphore_mem>>)
    %slice3A_101 = vector.extract_strided_slice %select_n3A_13 {offsets = [6], sizes = [1], strides = [1]} : vector<16xi32> to vector<1xi32>
    %squeeze3A_102 = vector.extract %slice3A_101[0] : i32 from vector<1xi32>
    %dma_start3A_103 = arith.constant 6 : i32
    %dma_start3A_104 = arith.constant 0 : i32
    %dma_start3A_105 = tpu.memref_slice %arg6[%dma_start3A_103, %dma_start3A_104] : memref<32x32xf32, #tpu.memory_space<vmem>> -> memref<1x32xf32, #tpu.memory_space<vmem>>
    %dma_start3A_106 = tpu.memref_squeeze %dma_start3A_105 : memref<1x32xf32, #tpu.memory_space<vmem>> -> memref<32xf32, #tpu.memory_space<vmem>>
    %dma_start3A_107 = arith.constant 0 : i32
    %dma_start3A_108 = tpu.memref_slice %arg2[%squeeze3A_102, %dma_start3A_107] : memref<100000x32xf32, #tpu.memory_space<hbm>> -> memref<1x32xf32, #tpu.memory_space<hbm>>
    %dma_start3A_109 = tpu.memref_squeeze %dma_start3A_108 : memref<1x32xf32, #tpu.memory_space<hbm>> -> memref<32xf32, #tpu.memory_space<hbm>>
    %dma_start3A_110 = arith.constant 0 : i32
    %dma_start3A_111 = tpu.memref_slice %arg6[%dma_start3A_103, %dma_start3A_110] : memref<32x32xf32, #tpu.memory_space<vmem>> -> memref<1x32xf32, #tpu.memory_space<vmem>>
    %dma_start3A_112 = tpu.memref_squeeze %dma_start3A_111 : memref<1x32xf32, #tpu.memory_space<vmem>> -> memref<32xf32, #tpu.memory_space<vmem>>
    %dma_start3A_113 = arith.constant 0 : i32
    %dma_start3A_114 = tpu.memref_slice %arg2[%squeeze3A_102, %dma_start3A_113] : memref<100000x32xf32, #tpu.memory_space<hbm>> -> memref<1x32xf32, #tpu.memory_space<hbm>>
    %dma_start3A_115 = tpu.memref_squeeze %dma_start3A_114 : memref<1x32xf32, #tpu.memory_space<hbm>> -> memref<32xf32, #tpu.memory_space<hbm>>
    tpu.enqueue_dma source(%dma_start3A_115 : memref<32xf32, #tpu.memory_space<hbm>>) target(%dma_start3A_112 : memref<32xf32, #tpu.memory_space<vmem>>) target_semaphore(%arg7 : memref<!tpu.dma_semaphore, #tpu.memory_space<semaphore_mem>>)
    %slice3A_116 = vector.extract_strided_slice %select_n3A_13 {offsets = [7], sizes = [1], strides = [1]} : vector<16xi32> to vector<1xi32>
    %squeeze3A_117 = vector.extract %slice3A_116[0] : i32 from vector<1xi32>
    %dma_start3A_118 = arith.constant 7 : i32
    %dma_start3A_119 = arith.constant 0 : i32
    %dma_start3A_120 = tpu.memref_slice %arg6[%dma_start3A_118, %dma_start3A_119] : memref<32x32xf32, #tpu.memory_space<vmem>> -> memref<1x32xf32, #tpu.memory_space<vmem>>
    %dma_start3A_121 = tpu.memref_squeeze %dma_start3A_120 : memref<1x32xf32, #tpu.memory_space<vmem>> -> memref<32xf32, #tpu.memory_space<vmem>>
    %dma_start3A_122 = arith.constant 0 : i32
    %dma_start3A_123 = tpu.memref_slice %arg2[%squeeze3A_117, %dma_start3A_122] : memref<100000x32xf32, #tpu.memory_space<hbm>> -> memref<1x32xf32, #tpu.memory_space<hbm>>
    %dma_start3A_124 = tpu.memref_squeeze %dma_start3A_123 : memref<1x32xf32, #tpu.memory_space<hbm>> -> memref<32xf32, #tpu.memory_space<hbm>>
    %dma_start3A_125 = arith.constant 0 : i32
    %dma_start3A_126 = tpu.memref_slice %arg6[%dma_start3A_118, %dma_start3A_125] : memref<32x32xf32, #tpu.memory_space<vmem>> -> memref<1x32xf32, #tpu.memory_space<vmem>>
    %dma_start3A_127 = tpu.memref_squeeze %dma_start3A_126 : memref<1x32xf32, #tpu.memory_space<vmem>> -> memref<32xf32, #tpu.memory_space<vmem>>
    %dma_start3A_128 = arith.constant 0 : i32
    %dma_start3A_129 = tpu.memref_slice %arg2[%squeeze3A_117, %dma_start3A_128] : memref<100000x32xf32, #tpu.memory_space<hbm>> -> memref<1x32xf32, #tpu.memory_space<hbm>>
    %dma_start3A_130 = tpu.memref_squeeze %dma_start3A_129 : memref<1x32xf32, #tpu.memory_space<hbm>> -> memref<32xf32, #tpu.memory_space<hbm>>
    tpu.enqueue_dma source(%dma_start3A_130 : memref<32xf32, #tpu.memory_space<hbm>>) target(%dma_start3A_127 : memref<32xf32, #tpu.memory_space<vmem>>) target_semaphore(%arg7 : memref<!tpu.dma_semaphore, #tpu.memory_space<semaphore_mem>>)
    %slice3A_131 = vector.extract_strided_slice %select_n3A_13 {offsets = [8], sizes = [1], strides = [1]} : vector<16xi32> to vector<1xi32>
    %squeeze3A_132 = vector.extract %slice3A_131[0] : i32 from vector<1xi32>
    %dma_start3A_133 = arith.constant 8 : i32
    %dma_start3A_134 = arith.constant 0 : i32
    %dma_start3A_135 = tpu.memref_slice %arg6[%dma_start3A_133, %dma_start3A_134] : memref<32x32xf32, #tpu.memory_space<vmem>> -> memref<1x32xf32, #tpu.memory_space<vmem>>
    %dma_start3A_136 = tpu.memref_squeeze %dma_start3A_135 : memref<1x32xf32, #tpu.memory_space<vmem>> -> memref<32xf32, #tpu.memory_space<vmem>>
    %dma_start3A_137 = arith.constant 0 : i32
    %dma_start3A_138 = tpu.memref_slice %arg2[%squeeze3A_132, %dma_start3A_137] : memref<100000x32xf32, #tpu.memory_space<hbm>> -> memref<1x32xf32, #tpu.memory_space<hbm>>
    %dma_start3A_139 = tpu.memref_squeeze %dma_start3A_138 : memref<1x32xf32, #tpu.memory_space<hbm>> -> memref<32xf32, #tpu.memory_space<hbm>>
    %dma_start3A_140 = arith.constant 0 : i32
    %dma_start3A_141 = tpu.memref_slice %arg6[%dma_start3A_133, %dma_start3A_140] : memref<32x32xf32, #tpu.memory_space<vmem>> -> memref<1x32xf32, #tpu.memory_space<vmem>>
    %dma_start3A_142 = tpu.memref_squeeze %dma_start3A_141 : memref<1x32xf32, #tpu.memory_space<vmem>> -> memref<32xf32, #tpu.memory_space<vmem>>
    %dma_start3A_143 = arith.constant 0 : i32
    %dma_start3A_144 = tpu.memref_slice %arg2[%squeeze3A_132, %dma_start3A_143] : memref<100000x32xf32, #tpu.memory_space<hbm>> -> memref<1x32xf32, #tpu.memory_space<hbm>>
    %dma_start3A_145 = tpu.memref_squeeze %dma_start3A_144 : memref<1x32xf32, #tpu.memory_space<hbm>> -> memref<32xf32, #tpu.memory_space<hbm>>
    tpu.enqueue_dma source(%dma_start3A_145 : memref<32xf32, #tpu.memory_space<hbm>>) target(%dma_start3A_142 : memref<32xf32, #tpu.memory_space<vmem>>) target_semaphore(%arg7 : memref<!tpu.dma_semaphore, #tpu.memory_space<semaphore_mem>>)
    %slice3A_146 = vector.extract_strided_slice %select_n3A_13 {offsets = [9], sizes = [1], strides = [1]} : vector<16xi32> to vector<1xi32>
    %squeeze3A_147 = vector.extract %slice3A_146[0] : i32 from vector<1xi32>
    %dma_start3A_148 = arith.constant 9 : i32
    %dma_start3A_149 = arith.constant 0 : i32
    %dma_start3A_150 = tpu.memref_slice %arg6[%dma_start3A_148, %dma_start3A_149] : memref<32x32xf32, #tpu.memory_space<vmem>> -> memref<1x32xf32, #tpu.memory_space<vmem>>
    %dma_start3A_151 = tpu.memref_squeeze %dma_start3A_150 : memref<1x32xf32, #tpu.memory_space<vmem>> -> memref<32xf32, #tpu.memory_space<vmem>>
    %dma_start3A_152 = arith.constant 0 : i32
    %dma_start3A_153 = tpu.memref_slice %arg2[%squeeze3A_147, %dma_start3A_152] : memref<100000x32xf32, #tpu.memory_space<hbm>> -> memref<1x32xf32, #tpu.memory_space<hbm>>
    %dma_start3A_154 = tpu.memref_squeeze %dma_start3A_153 : memref<1x32xf32, #tpu.memory_space<hbm>> -> memref<32xf32, #tpu.memory_space<hbm>>
    %dma_start3A_155 = arith.constant 0 : i32
    %dma_start3A_156 = tpu.memref_slice %arg6[%dma_start3A_148, %dma_start3A_155] : memref<32x32xf32, #tpu.memory_space<vmem>> -> memref<1x32xf32, #tpu.memory_space<vmem>>
    %dma_start3A_157 = tpu.memref_squeeze %dma_start3A_156 : memref<1x32xf32, #tpu.memory_space<vmem>> -> memref<32xf32, #tpu.memory_space<vmem>>
    %dma_start3A_158 = arith.constant 0 : i32
    %dma_start3A_159 = tpu.memref_slice %arg2[%squeeze3A_147, %dma_start3A_158] : memref<100000x32xf32, #tpu.memory_space<hbm>> -> memref<1x32xf32, #tpu.memory_space<hbm>>
    %dma_start3A_160 = tpu.memref_squeeze %dma_start3A_159 : memref<1x32xf32, #tpu.memory_space<hbm>> -> memref<32xf32, #tpu.memory_space<hbm>>
    tpu.enqueue_dma source(%dma_start3A_160 : memref<32xf32, #tpu.memory_space<hbm>>) target(%dma_start3A_157 : memref<32xf32, #tpu.memory_space<vmem>>) target_semaphore(%arg7 : memref<!tpu.dma_semaphore, #tpu.memory_space<semaphore_mem>>)
    %slice3A_161 = vector.extract_strided_slice %select_n3A_13 {offsets = [10], sizes = [1], strides = [1]} : vector<16xi32> to vector<1xi32>
    %squeeze3A_162 = vector.extract %slice3A_161[0] : i32 from vector<1xi32>
    %dma_start3A_163 = arith.constant 10 : i32
    %dma_start3A_164 = arith.constant 0 : i32
    %dma_start3A_165 = tpu.memref_slice %arg6[%dma_start3A_163, %dma_start3A_164] : memref<32x32xf32, #tpu.memory_space<vmem>> -> memref<1x32xf32, #tpu.memory_space<vmem>>
    %dma_start3A_166 = tpu.memref_squeeze %dma_start3A_165 : memref<1x32xf32, #tpu.memory_space<vmem>> -> memref<32xf32, #tpu.memory_space<vmem>>
    %dma_start3A_167 = arith.constant 0 : i32
    %dma_start3A_168 = tpu.memref_slice %arg2[%squeeze3A_162, %dma_start3A_167] : memref<100000x32xf32, #tpu.memory_space<hbm>> -> memref<1x32xf32, #tpu.memory_space<hbm>>
    %dma_start3A_169 = tpu.memref_squeeze %dma_start3A_168 : memref<1x32xf32, #tpu.memory_space<hbm>> -> memref<32xf32, #tpu.memory_space<hbm>>
    %dma_start3A_170 = arith.constant 0 : i32
    %dma_start3A_171 = tpu.memref_slice %arg6[%dma_start3A_163, %dma_start3A_170] : memref<32x32xf32, #tpu.memory_space<vmem>> -> memref<1x32xf32, #tpu.memory_space<vmem>>
    %dma_start3A_172 = tpu.memref_squeeze %dma_start3A_171 : memref<1x32xf32, #tpu.memory_space<vmem>> -> memref<32xf32, #tpu.memory_space<vmem>>
    %dma_start3A_173 = arith.constant 0 : i32
    %dma_start3A_174 = tpu.memref_slice %arg2[%squeeze3A_162, %dma_start3A_173] : memref<100000x32xf32, #tpu.memory_space<hbm>> -> memref<1x32xf32, #tpu.memory_space<hbm>>
    %dma_start3A_175 = tpu.memref_squeeze %dma_start3A_174 : memref<1x32xf32, #tpu.memory_space<hbm>> -> memref<32xf32, #tpu.memory_space<hbm>>
    tpu.enqueue_dma source(%dma_start3A_175 : memref<32xf32, #tpu.memory_space<hbm>>) target(%dma_start3A_172 : memref<32xf32, #tpu.memory_space<vmem>>) target_semaphore(%arg7 : memref<!tpu.dma_semaphore, #tpu.memory_space<semaphore_mem>>)
    %slice3A_176 = vector.extract_strided_slice %select_n3A_13 {offsets = [11], sizes = [1], strides = [1]} : vector<16xi32> to vector<1xi32>
    %squeeze3A_177 = vector.extract %slice3A_176[0] : i32 from vector<1xi32>
    %dma_start3A_178 = arith.constant 11 : i32
    %dma_start3A_179 = arith.constant 0 : i32
    %dma_start3A_180 = tpu.memref_slice %arg6[%dma_start3A_178, %dma_start3A_179] : memref<32x32xf32, #tpu.memory_space<vmem>> -> memref<1x32xf32, #tpu.memory_space<vmem>>
    %dma_start3A_181 = tpu.memref_squeeze %dma_start3A_180 : memref<1x32xf32, #tpu.memory_space<vmem>> -> memref<32xf32, #tpu.memory_space<vmem>>
    %dma_start3A_182 = arith.constant 0 : i32
    %dma_start3A_183 = tpu.memref_slice %arg2[%squeeze3A_177, %dma_start3A_182] : memref<100000x32xf32, #tpu.memory_space<hbm>> -> memref<1x32xf32, #tpu.memory_space<hbm>>
    %dma_start3A_184 = tpu.memref_squeeze %dma_start3A_183 : memref<1x32xf32, #tpu.memory_space<hbm>> -> memref<32xf32, #tpu.memory_space<hbm>>
    %dma_start3A_185 = arith.constant 0 : i32
    %dma_start3A_186 = tpu.memref_slice %arg6[%dma_start3A_178, %dma_start3A_185] : memref<32x32xf32, #tpu.memory_space<vmem>> -> memref<1x32xf32, #tpu.memory_space<vmem>>
    %dma_start3A_187 = tpu.memref_squeeze %dma_start3A_186 : memref<1x32xf32, #tpu.memory_space<vmem>> -> memref<32xf32, #tpu.memory_space<vmem>>
    %dma_start3A_188 = arith.constant 0 : i32
    %dma_start3A_189 = tpu.memref_slice %arg2[%squeeze3A_177, %dma_start3A_188] : memref<100000x32xf32, #tpu.memory_space<hbm>> -> memref<1x32xf32, #tpu.memory_space<hbm>>
    %dma_start3A_190 = tpu.memref_squeeze %dma_start3A_189 : memref<1x32xf32, #tpu.memory_space<hbm>> -> memref<32xf32, #tpu.memory_space<hbm>>
    tpu.enqueue_dma source(%dma_start3A_190 : memref<32xf32, #tpu.memory_space<hbm>>) target(%dma_start3A_187 : memref<32xf32, #tpu.memory_space<vmem>>) target_semaphore(%arg7 : memref<!tpu.dma_semaphore, #tpu.memory_space<semaphore_mem>>)
    %slice3A_191 = vector.extract_strided_slice %select_n3A_13 {offsets = [12], sizes = [1], strides = [1]} : vector<16xi32> to vector<1xi32>
    %squeeze3A_192 = vector.extract %slice3A_191[0] : i32 from vector<1xi32>
    %dma_start3A_193 = arith.constant 12 : i32
    %dma_start3A_194 = arith.constant 0 : i32
    %dma_start3A_195 = tpu.memref_slice %arg6[%dma_start3A_193, %dma_start3A_194] : memref<32x32xf32, #tpu.memory_space<vmem>> -> memref<1x32xf32, #tpu.memory_space<vmem>>
    %dma_start3A_196 = tpu.memref_squeeze %dma_start3A_195 : memref<1x32xf32, #tpu.memory_space<vmem>> -> memref<32xf32, #tpu.memory_space<vmem>>
    %dma_start3A_197 = arith.constant 0 : i32
    %dma_start3A_198 = tpu.memref_slice %arg2[%squeeze3A_192, %dma_start3A_197] : memref<100000x32xf32, #tpu.memory_space<hbm>> -> memref<1x32xf32, #tpu.memory_space<hbm>>
    %dma_start3A_199 = tpu.memref_squeeze %dma_start3A_198 : memref<1x32xf32, #tpu.memory_space<hbm>> -> memref<32xf32, #tpu.memory_space<hbm>>
    %dma_start3A_200 = arith.constant 0 : i32
    %dma_start3A_201 = tpu.memref_slice %arg6[%dma_start3A_193, %dma_start3A_200] : memref<32x32xf32, #tpu.memory_space<vmem>> -> memref<1x32xf32, #tpu.memory_space<vmem>>
    %dma_start3A_202 = tpu.memref_squeeze %dma_start3A_201 : memref<1x32xf32, #tpu.memory_space<vmem>> -> memref<32xf32, #tpu.memory_space<vmem>>
    %dma_start3A_203 = arith.constant 0 : i32
    %dma_start3A_204 = tpu.memref_slice %arg2[%squeeze3A_192, %dma_start3A_203] : memref<100000x32xf32, #tpu.memory_space<hbm>> -> memref<1x32xf32, #tpu.memory_space<hbm>>
    %dma_start3A_205 = tpu.memref_squeeze %dma_start3A_204 : memref<1x32xf32, #tpu.memory_space<hbm>> -> memref<32xf32, #tpu.memory_space<hbm>>
    tpu.enqueue_dma source(%dma_start3A_205 : memref<32xf32, #tpu.memory_space<hbm>>) target(%dma_start3A_202 : memref<32xf32, #tpu.memory_space<vmem>>) target_semaphore(%arg7 : memref<!tpu.dma_semaphore, #tpu.memory_space<semaphore_mem>>)
    %slice3A_206 = vector.extract_strided_slice %select_n3A_13 {offsets = [13], sizes = [1], strides = [1]} : vector<16xi32> to vector<1xi32>
    %squeeze3A_207 = vector.extract %slice3A_206[0] : i32 from vector<1xi32>
    %dma_start3A_208 = arith.constant 13 : i32
    %dma_start3A_209 = arith.constant 0 : i32
    %dma_start3A_210 = tpu.memref_slice %arg6[%dma_start3A_208, %dma_start3A_209] : memref<32x32xf32, #tpu.memory_space<vmem>> -> memref<1x32xf32, #tpu.memory_space<vmem>>
    %dma_start3A_211 = tpu.memref_squeeze %dma_start3A_210 : memref<1x32xf32, #tpu.memory_space<vmem>> -> memref<32xf32, #tpu.memory_space<vmem>>
    %dma_start3A_212 = arith.constant 0 : i32
    %dma_start3A_213 = tpu.memref_slice %arg2[%squeeze3A_207, %dma_start3A_212] : memref<100000x32xf32, #tpu.memory_space<hbm>> -> memref<1x32xf32, #tpu.memory_space<hbm>>
    %dma_start3A_214 = tpu.memref_squeeze %dma_start3A_213 : memref<1x32xf32, #tpu.memory_space<hbm>> -> memref<32xf32, #tpu.memory_space<hbm>>
    %dma_start3A_215 = arith.constant 0 : i32
    %dma_start3A_216 = tpu.memref_slice %arg6[%dma_start3A_208, %dma_start3A_215] : memref<32x32xf32, #tpu.memory_space<vmem>> -> memref<1x32xf32, #tpu.memory_space<vmem>>
    %dma_start3A_217 = tpu.memref_squeeze %dma_start3A_216 : memref<1x32xf32, #tpu.memory_space<vmem>> -> memref<32xf32, #tpu.memory_space<vmem>>
    %dma_start3A_218 = arith.constant 0 : i32
    %dma_start3A_219 = tpu.memref_slice %arg2[%squeeze3A_207, %dma_start3A_218] : memref<100000x32xf32, #tpu.memory_space<hbm>> -> memref<1x32xf32, #tpu.memory_space<hbm>>
    %dma_start3A_220 = tpu.memref_squeeze %dma_start3A_219 : memref<1x32xf32, #tpu.memory_space<hbm>> -> memref<32xf32, #tpu.memory_space<hbm>>
    tpu.enqueue_dma source(%dma_start3A_220 : memref<32xf32, #tpu.memory_space<hbm>>) target(%dma_start3A_217 : memref<32xf32, #tpu.memory_space<vmem>>) target_semaphore(%arg7 : memref<!tpu.dma_semaphore, #tpu.memory_space<semaphore_mem>>)
    %slice3A_221 = vector.extract_strided_slice %select_n3A_13 {offsets = [14], sizes = [1], strides = [1]} : vector<16xi32> to vector<1xi32>
    %squeeze3A_222 = vector.extract %slice3A_221[0] : i32 from vector<1xi32>
    %dma_start3A_223 = arith.constant 14 : i32
    %dma_start3A_224 = arith.constant 0 : i32
    %dma_start3A_225 = tpu.memref_slice %arg6[%dma_start3A_223, %dma_start3A_224] : memref<32x32xf32, #tpu.memory_space<vmem>> -> memref<1x32xf32, #tpu.memory_space<vmem>>
    %dma_start3A_226 = tpu.memref_squeeze %dma_start3A_225 : memref<1x32xf32, #tpu.memory_space<vmem>> -> memref<32xf32, #tpu.memory_space<vmem>>
    %dma_start3A_227 = arith.constant 0 : i32
    %dma_start3A_228 = tpu.memref_slice %arg2[%squeeze3A_222, %dma_start3A_227] : memref<100000x32xf32, #tpu.memory_space<hbm>> -> memref<1x32xf32, #tpu.memory_space<hbm>>
    %dma_start3A_229 = tpu.memref_squeeze %dma_start3A_228 : memref<1x32xf32, #tpu.memory_space<hbm>> -> memref<32xf32, #tpu.memory_space<hbm>>
    %dma_start3A_230 = arith.constant 0 : i32
    %dma_start3A_231 = tpu.memref_slice %arg6[%dma_start3A_223, %dma_start3A_230] : memref<32x32xf32, #tpu.memory_space<vmem>> -> memref<1x32xf32, #tpu.memory_space<vmem>>
    %dma_start3A_232 = tpu.memref_squeeze %dma_start3A_231 : memref<1x32xf32, #tpu.memory_space<vmem>> -> memref<32xf32, #tpu.memory_space<vmem>>
    %dma_start3A_233 = arith.constant 0 : i32
    %dma_start3A_234 = tpu.memref_slice %arg2[%squeeze3A_222, %dma_start3A_233] : memref<100000x32xf32, #tpu.memory_space<hbm>> -> memref<1x32xf32, #tpu.memory_space<hbm>>
    %dma_start3A_235 = tpu.memref_squeeze %dma_start3A_234 : memref<1x32xf32, #tpu.memory_space<hbm>> -> memref<32xf32, #tpu.memory_space<hbm>>
    tpu.enqueue_dma source(%dma_start3A_235 : memref<32xf32, #tpu.memory_space<hbm>>) target(%dma_start3A_232 : memref<32xf32, #tpu.memory_space<vmem>>) target_semaphore(%arg7 : memref<!tpu.dma_semaphore, #tpu.memory_space<semaphore_mem>>)
    %slice3A_236 = vector.extract_strided_slice %select_n3A_13 {offsets = [15], sizes = [1], strides = [1]} : vector<16xi32> to vector<1xi32>
    %squeeze3A_237 = vector.extract %slice3A_236[0] : i32 from vector<1xi32>
    %dma_start3A_238 = arith.constant 15 : i32
    %dma_start3A_239 = arith.constant 0 : i32
    %dma_start3A_240 = tpu.memref_slice %arg6[%dma_start3A_238, %dma_start3A_239] : memref<32x32xf32, #tpu.memory_space<vmem>> -> memref<1x32xf32, #tpu.memory_space<vmem>>
    %dma_start3A_241 = tpu.memref_squeeze %dma_start3A_240 : memref<1x32xf32, #tpu.memory_space<vmem>> -> memref<32xf32, #tpu.memory_space<vmem>>
    %dma_start3A_242 = arith.constant 0 : i32
    %dma_start3A_243 = tpu.memref_slice %arg2[%squeeze3A_237, %dma_start3A_242] : memref<100000x32xf32, #tpu.memory_space<hbm>> -> memref<1x32xf32, #tpu.memory_space<hbm>>
    %dma_start3A_244 = tpu.memref_squeeze %dma_start3A_243 : memref<1x32xf32, #tpu.memory_space<hbm>> -> memref<32xf32, #tpu.memory_space<hbm>>
    %dma_start3A_245 = arith.constant 0 : i32
    %dma_start3A_246 = tpu.memref_slice %arg6[%dma_start3A_238, %dma_start3A_245] : memref<32x32xf32, #tpu.memory_space<vmem>> -> memref<1x32xf32, #tpu.memory_space<vmem>>
    %dma_start3A_247 = tpu.memref_squeeze %dma_start3A_246 : memref<1x32xf32, #tpu.memory_space<vmem>> -> memref<32xf32, #tpu.memory_space<vmem>>
    %dma_start3A_248 = arith.constant 0 : i32
    %dma_start3A_249 = tpu.memref_slice %arg2[%squeeze3A_237, %dma_start3A_248] : memref<100000x32xf32, #tpu.memory_space<hbm>> -> memref<1x32xf32, #tpu.memory_space<hbm>>
    %dma_start3A_250 = tpu.memref_squeeze %dma_start3A_249 : memref<1x32xf32, #tpu.memory_space<hbm>> -> memref<32xf32, #tpu.memory_space<hbm>>
    tpu.enqueue_dma source(%dma_start3A_250 : memref<32xf32, #tpu.memory_space<hbm>>) target(%dma_start3A_247 : memref<32xf32, #tpu.memory_space<vmem>>) target_semaphore(%arg7 : memref<!tpu.dma_semaphore, #tpu.memory_space<semaphore_mem>>)
    %get3A_251 = arith.constant 16 : index
    %get3A_252 = tpu.vector_load %arg5[%get3A_251] {strides = array<i32>} : memref<32xi32, #tpu.memory_space<vmem>>, vector<16xi32>,
    %get3A_253 = vector.shape_cast %get3A_252 : vector<16xi32> to vector<16xi32>
    %sub3A_254 = arith.constant 1 : i32
    %sub3A_255 = vector.broadcast %sub3A_254 : i32 to vector<16xi32>
    %sub3A_256 = arith.subi %get3A_253, %sub3A_255 : vector<16xi32>
    %ge3A_257 = arith.constant 0 : i32
    %ge3A_258 = vector.broadcast %ge3A_257 : i32 to vector<16xi32>
    %ge3A_259 = arith.cmpi sge, %sub3A_256, %ge3A_258 : vector<16xi32>
    %jit3A_260 = arith.constant 0 : i32
    %broadcast_in_dim3A_261 = vector.broadcast %jit3A_260 : i32 to vector<16xi32>
    %select_n3A_262 = arith.select %ge3A_259, %sub3A_256, %broadcast_in_dim3A_261 : vector<16xi1>, vector<16xi32>
    %eq3A_263 = arith.constant 5554 : i32
    %eq3A_264 = vector.broadcast %eq3A_263 : i32 to vector<16xi32>
    %eq3A_265 = arith.cmpi eq, %select_n3A_262, %eq3A_264 : vector<16xi32>
    %jit3A_266 = arith.constant 750 : i32
    %broadcast_in_dim3A_267 = vector.broadcast %jit3A_266 : i32 to vector<16xi32>
    %select_n3A_268 = arith.select %eq3A_265, %broadcast_in_dim3A_267, %select_n3A_262 : vector<16xi1>, vector<16xi32>
    %slice3A_269 = vector.extract_strided_slice %select_n3A_268 {offsets = [0], sizes = [1], strides = [1]} : vector<16xi32> to vector<1xi32>
    %squeeze3A_270 = vector.extract %slice3A_269[0] : i32 from vector<1xi32>
    %dma_start3A_271 = arith.constant 16 : i32
    %dma_start3A_272 = arith.constant 0 : i32
    %dma_start3A_273 = tpu.memref_slice %arg6[%dma_start3A_271, %dma_start3A_272] : memref<32x32xf32, #tpu.memory_space<vmem>> -> memref<1x32xf32, #tpu.memory_space<vmem>>
    %dma_start3A_274 = tpu.memref_squeeze %dma_start3A_273 : memref<1x32xf32, #tpu.memory_space<vmem>> -> memref<32xf32, #tpu.memory_space<vmem>>
    %dma_start3A_275 = arith.constant 0 : i32
    %dma_start3A_276 = tpu.memref_slice %arg2[%squeeze3A_270, %dma_start3A_275] : memref<100000x32xf32, #tpu.memory_space<hbm>> -> memref<1x32xf32, #tpu.memory_space<hbm>>
    %dma_start3A_277 = tpu.memref_squeeze %dma_start3A_276 : memref<1x32xf32, #tpu.memory_space<hbm>> -> memref<32xf32, #tpu.memory_space<hbm>>
    %dma_start3A_278 = arith.constant 0 : i32
    %dma_start3A_279 = tpu.memref_slice %arg6[%dma_start3A_271, %dma_start3A_278] : memref<32x32xf32, #tpu.memory_space<vmem>> -> memref<1x32xf32, #tpu.memory_space<vmem>>
    %dma_start3A_280 = tpu.memref_squeeze %dma_start3A_279 : memref<1x32xf32, #tpu.memory_space<vmem>> -> memref<32xf32, #tpu.memory_space<vmem>>
    %dma_start3A_281 = arith.constant 0 : i32
    %dma_start3A_282 = tpu.memref_slice %arg2[%squeeze3A_270, %dma_start3A_281] : memref<100000x32xf32, #tpu.memory_space<hbm>> -> memref<1x32xf32, #tpu.memory_space<hbm>>
    %dma_start3A_283 = tpu.memref_squeeze %dma_start3A_282 : memref<1x32xf32, #tpu.memory_space<hbm>> -> memref<32xf32, #tpu.memory_space<hbm>>
    tpu.enqueue_dma source(%dma_start3A_283 : memref<32xf32, #tpu.memory_space<hbm>>) target(%dma_start3A_280 : memref<32xf32, #tpu.memory_space<vmem>>) target_semaphore(%arg7 : memref<!tpu.dma_semaphore, #tpu.memory_space<semaphore_mem>>)
    %slice3A_284 = vector.extract_strided_slice %select_n3A_268 {offsets = [1], sizes = [1], strides = [1]} : vector<16xi32> to vector<1xi32>
    %squeeze3A_285 = vector.extract %slice3A_284[0] : i32 from vector<1xi32>
    %dma_start3A_286 = arith.constant 17 : i32
    %dma_start3A_287 = arith.constant 0 : i32
    %dma_start3A_288 = tpu.memref_slice %arg6[%dma_start3A_286, %dma_start3A_287] : memref<32x32xf32, #tpu.memory_space<vmem>> -> memref<1x32xf32, #tpu.memory_space<vmem>>
    %dma_start3A_289 = tpu.memref_squeeze %dma_start3A_288 : memref<1x32xf32, #tpu.memory_space<vmem>> -> memref<32xf32, #tpu.memory_space<vmem>>
    %dma_start3A_290 = arith.constant 0 : i32
    %dma_start3A_291 = tpu.memref_slice %arg2[%squeeze3A_285, %dma_start3A_290] : memref<100000x32xf32, #tpu.memory_space<hbm>> -> memref<1x32xf32, #tpu.memory_space<hbm>>
    %dma_start3A_292 = tpu.memref_squeeze %dma_start3A_291 : memref<1x32xf32, #tpu.memory_space<hbm>> -> memref<32xf32, #tpu.memory_space<hbm>>
    %dma_start3A_293 = arith.constant 0 : i32
    %dma_start3A_294 = tpu.memref_slice %arg6[%dma_start3A_286, %dma_start3A_293] : memref<32x32xf32, #tpu.memory_space<vmem>> -> memref<1x32xf32, #tpu.memory_space<vmem>>
    %dma_start3A_295 = tpu.memref_squeeze %dma_start3A_294 : memref<1x32xf32, #tpu.memory_space<vmem>> -> memref<32xf32, #tpu.memory_space<vmem>>
    %dma_start3A_296 = arith.constant 0 : i32
    %dma_start3A_297 = tpu.memref_slice %arg2[%squeeze3A_285, %dma_start3A_296] : memref<100000x32xf32, #tpu.memory_space<hbm>> -> memref<1x32xf32, #tpu.memory_space<hbm>>
    %dma_start3A_298 = tpu.memref_squeeze %dma_start3A_297 : memref<1x32xf32, #tpu.memory_space<hbm>> -> memref<32xf32, #tpu.memory_space<hbm>>
    tpu.enqueue_dma source(%dma_start3A_298 : memref<32xf32, #tpu.memory_space<hbm>>) target(%dma_start3A_295 : memref<32xf32, #tpu.memory_space<vmem>>) target_semaphore(%arg7 : memref<!tpu.dma_semaphore, #tpu.memory_space<semaphore_mem>>)
    %slice3A_299 = vector.extract_strided_slice %select_n3A_268 {offsets = [2], sizes = [1], strides = [1]} : vector<16xi32> to vector<1xi32>
    %squeeze3A_300 = vector.extract %slice3A_299[0] : i32 from vector<1xi32>
    %dma_start3A_301 = arith.constant 18 : i32
    %dma_start3A_302 = arith.constant 0 : i32
    %dma_start3A_303 = tpu.memref_slice %arg6[%dma_start3A_301, %dma_start3A_302] : memref<32x32xf32, #tpu.memory_space<vmem>> -> memref<1x32xf32, #tpu.memory_space<vmem>>
    %dma_start3A_304 = tpu.memref_squeeze %dma_start3A_303 : memref<1x32xf32, #tpu.memory_space<vmem>> -> memref<32xf32, #tpu.memory_space<vmem>>
    %dma_start3A_305 = arith.constant 0 : i32
    %dma_start3A_306 = tpu.memref_slice %arg2[%squeeze3A_300, %dma_start3A_305] : memref<100000x32xf32, #tpu.memory_space<hbm>> -> memref<1x32xf32, #tpu.memory_space<hbm>>
    %dma_start3A_307 = tpu.memref_squeeze %dma_start3A_306 : memref<1x32xf32, #tpu.memory_space<hbm>> -> memref<32xf32, #tpu.memory_space<hbm>>
    %dma_start3A_308 = arith.constant 0 : i32
    %dma_start3A_309 = tpu.memref_slice %arg6[%dma_start3A_301, %dma_start3A_308] : memref<32x32xf32, #tpu.memory_space<vmem>> -> memref<1x32xf32, #tpu.memory_space<vmem>>
    %dma_start3A_310 = tpu.memref_squeeze %dma_start3A_309 : memref<1x32xf32, #tpu.memory_space<vmem>> -> memref<32xf32, #tpu.memory_space<vmem>>
    %dma_start3A_311 = arith.constant 0 : i32
    %dma_start3A_312 = tpu.memref_slice %arg2[%squeeze3A_300, %dma_start3A_311] : memref<100000x32xf32, #tpu.memory_space<hbm>> -> memref<1x32xf32, #tpu.memory_space<hbm>>
    %dma_start3A_313 = tpu.memref_squeeze %dma_start3A_312 : memref<1x32xf32, #tpu.memory_space<hbm>> -> memref<32xf32, #tpu.memory_space<hbm>>
    tpu.enqueue_dma source(%dma_start3A_313 : memref<32xf32, #tpu.memory_space<hbm>>) target(%dma_start3A_310 : memref<32xf32, #tpu.memory_space<vmem>>) target_semaphore(%arg7 : memref<!tpu.dma_semaphore, #tpu.memory_space<semaphore_mem>>)
    %slice3A_314 = vector.extract_strided_slice %select_n3A_268 {offsets = [3], sizes = [1], strides = [1]} : vector<16xi32> to vector<1xi32>
    %squeeze3A_315 = vector.extract %slice3A_314[0] : i32 from vector<1xi32>
    %dma_start3A_316 = arith.constant 19 : i32
    %dma_start3A_317 = arith.constant 0 : i32
    %dma_start3A_318 = tpu.memref_slice %arg6[%dma_start3A_316, %dma_start3A_317] : memref<32x32xf32, #tpu.memory_space<vmem>> -> memref<1x32xf32, #tpu.memory_space<vmem>>
    %dma_start3A_319 = tpu.memref_squeeze %dma_start3A_318 : memref<1x32xf32, #tpu.memory_space<vmem>> -> memref<32xf32, #tpu.memory_space<vmem>>
    %dma_start3A_320 = arith.constant 0 : i32
    %dma_start3A_321 = tpu.memref_slice %arg2[%squeeze3A_315, %dma_start3A_320] : memref<100000x32xf32, #tpu.memory_space<hbm>> -> memref<1x32xf32, #tpu.memory_space<hbm>>
    %dma_start3A_322 = tpu.memref_squeeze %dma_start3A_321 : memref<1x32xf32, #tpu.memory_space<hbm>> -> memref<32xf32, #tpu.memory_space<hbm>>
    %dma_start3A_323 = arith.constant 0 : i32
    %dma_start3A_324 = tpu.memref_slice %arg6[%dma_start3A_316, %dma_start3A_323] : memref<32x32xf32, #tpu.memory_space<vmem>> -> memref<1x32xf32, #tpu.memory_space<vmem>>
    %dma_start3A_325 = tpu.memref_squeeze %dma_start3A_324 : memref<1x32xf32, #tpu.memory_space<vmem>> -> memref<32xf32, #tpu.memory_space<vmem>>
    %dma_start3A_326 = arith.constant 0 : i32
    %dma_start3A_327 = tpu.memref_slice %arg2[%squeeze3A_315, %dma_start3A_326] : memref<100000x32xf32, #tpu.memory_space<hbm>> -> memref<1x32xf32, #tpu.memory_space<hbm>>
    %dma_start3A_328 = tpu.memref_squeeze %dma_start3A_327 : memref<1x32xf32, #tpu.memory_space<hbm>> -> memref<32xf32, #tpu.memory_space<hbm>>
    tpu.enqueue_dma source(%dma_start3A_328 : memref<32xf32, #tpu.memory_space<hbm>>) target(%dma_start3A_325 : memref<32xf32, #tpu.memory_space<vmem>>) target_semaphore(%arg7 : memref<!tpu.dma_semaphore, #tpu.memory_space<semaphore_mem>>)
    %slice3A_329 = vector.extract_strided_slice %select_n3A_268 {offsets = [4], sizes = [1], strides = [1]} : vector<16xi32> to vector<1xi32>
    %squeeze3A_330 = vector.extract %slice3A_329[0] : i32 from vector<1xi32>
    %dma_start3A_331 = arith.constant 20 : i32
    %dma_start3A_332 = arith.constant 0 : i32
    %dma_start3A_333 = tpu.memref_slice %arg6[%dma_start3A_331, %dma_start3A_332] : memref<32x32xf32, #tpu.memory_space<vmem>> -> memref<1x32xf32, #tpu.memory_space<vmem>>
    %dma_start3A_334 = tpu.memref_squeeze %dma_start3A_333 : memref<1x32xf32, #tpu.memory_space<vmem>> -> memref<32xf32, #tpu.memory_space<vmem>>
    %dma_start3A_335 = arith.constant 0 : i32
    %dma_start3A_336 = tpu.memref_slice %arg2[%squeeze3A_330, %dma_start3A_335] : memref<100000x32xf32, #tpu.memory_space<hbm>> -> memref<1x32xf32, #tpu.memory_space<hbm>>
    %dma_start3A_337 = tpu.memref_squeeze %dma_start3A_336 : memref<1x32xf32, #tpu.memory_space<hbm>> -> memref<32xf32, #tpu.memory_space<hbm>>
    %dma_start3A_338 = arith.constant 0 : i32
    %dma_start3A_339 = tpu.memref_slice %arg6[%dma_start3A_331, %dma_start3A_338] : memref<32x32xf32, #tpu.memory_space<vmem>> -> memref<1x32xf32, #tpu.memory_space<vmem>>
    %dma_start3A_340 = tpu.memref_squeeze %dma_start3A_339 : memref<1x32xf32, #tpu.memory_space<vmem>> -> memref<32xf32, #tpu.memory_space<vmem>>
    %dma_start3A_341 = arith.constant 0 : i32
    %dma_start3A_342 = tpu.memref_slice %arg2[%squeeze3A_330, %dma_start3A_341] : memref<100000x32xf32, #tpu.memory_space<hbm>> -> memref<1x32xf32, #tpu.memory_space<hbm>>
    %dma_start3A_343 = tpu.memref_squeeze %dma_start3A_342 : memref<1x32xf32, #tpu.memory_space<hbm>> -> memref<32xf32, #tpu.memory_space<hbm>>
    tpu.enqueue_dma source(%dma_start3A_343 : memref<32xf32, #tpu.memory_space<hbm>>) target(%dma_start3A_340 : memref<32xf32, #tpu.memory_space<vmem>>) target_semaphore(%arg7 : memref<!tpu.dma_semaphore, #tpu.memory_space<semaphore_mem>>)
    %slice3A_344 = vector.extract_strided_slice %select_n3A_268 {offsets = [5], sizes = [1], strides = [1]} : vector<16xi32> to vector<1xi32>
    %squeeze3A_345 = vector.extract %slice3A_344[0] : i32 from vector<1xi32>
    %dma_start3A_346 = arith.constant 21 : i32
    %dma_start3A_347 = arith.constant 0 : i32
    %dma_start3A_348 = tpu.memref_slice %arg6[%dma_start3A_346, %dma_start3A_347] : memref<32x32xf32, #tpu.memory_space<vmem>> -> memref<1x32xf32, #tpu.memory_space<vmem>>
    %dma_start3A_349 = tpu.memref_squeeze %dma_start3A_348 : memref<1x32xf32, #tpu.memory_space<vmem>> -> memref<32xf32, #tpu.memory_space<vmem>>
    %dma_start3A_350 = arith.constant 0 : i32
    %dma_start3A_351 = tpu.memref_slice %arg2[%squeeze3A_345, %dma_start3A_350] : memref<100000x32xf32, #tpu.memory_space<hbm>> -> memref<1x32xf32, #tpu.memory_space<hbm>>
    %dma_start3A_352 = tpu.memref_squeeze %dma_start3A_351 : memref<1x32xf32, #tpu.memory_space<hbm>> -> memref<32xf32, #tpu.memory_space<hbm>>
    %dma_start3A_353 = arith.constant 0 : i32
    %dma_start3A_354 = tpu.memref_slice %arg6[%dma_start3A_346, %dma_start3A_353] : memref<32x32xf32, #tpu.memory_space<vmem>> -> memref<1x32xf32, #tpu.memory_space<vmem>>
    %dma_start3A_355 = tpu.memref_squeeze %dma_start3A_354 : memref<1x32xf32, #tpu.memory_space<vmem>> -> memref<32xf32, #tpu.memory_space<vmem>>
    %dma_start3A_356 = arith.constant 0 : i32
    %dma_start3A_357 = tpu.memref_slice %arg2[%squeeze3A_345, %dma_start3A_356] : memref<100000x32xf32, #tpu.memory_space<hbm>> -> memref<1x32xf32, #tpu.memory_space<hbm>>
    %dma_start3A_358 = tpu.memref_squeeze %dma_start3A_357 : memref<1x32xf32, #tpu.memory_space<hbm>> -> memref<32xf32, #tpu.memory_space<hbm>>
    tpu.enqueue_dma source(%dma_start3A_358 : memref<32xf32, #tpu.memory_space<hbm>>) target(%dma_start3A_355 : memref<32xf32, #tpu.memory_space<vmem>>) target_semaphore(%arg7 : memref<!tpu.dma_semaphore, #tpu.memory_space<semaphore_mem>>)
    %slice3A_359 = vector.extract_strided_slice %select_n3A_268 {offsets = [6], sizes = [1], strides = [1]} : vector<16xi32> to vector<1xi32>
    %squeeze3A_360 = vector.extract %slice3A_359[0] : i32 from vector<1xi32>
    %dma_start3A_361 = arith.constant 22 : i32
    %dma_start3A_362 = arith.constant 0 : i32
    %dma_start3A_363 = tpu.memref_slice %arg6[%dma_start3A_361, %dma_start3A_362] : memref<32x32xf32, #tpu.memory_space<vmem>> -> memref<1x32xf32, #tpu.memory_space<vmem>>
    %dma_start3A_364 = tpu.memref_squeeze %dma_start3A_363 : memref<1x32xf32, #tpu.memory_space<vmem>> -> memref<32xf32, #tpu.memory_space<vmem>>
    %dma_start3A_365 = arith.constant 0 : i32
    %dma_start3A_366 = tpu.memref_slice %arg2[%squeeze3A_360, %dma_start3A_365] : memref<100000x32xf32, #tpu.memory_space<hbm>> -> memref<1x32xf32, #tpu.memory_space<hbm>>
    %dma_start3A_367 = tpu.memref_squeeze %dma_start3A_366 : memref<1x32xf32, #tpu.memory_space<hbm>> -> memref<32xf32, #tpu.memory_space<hbm>>
    %dma_start3A_368 = arith.constant 0 : i32
    %dma_start3A_369 = tpu.memref_slice %arg6[%dma_start3A_361, %dma_start3A_368] : memref<32x32xf32, #tpu.memory_space<vmem>> -> memref<1x32xf32, #tpu.memory_space<vmem>>
    %dma_start3A_370 = tpu.memref_squeeze %dma_start3A_369 : memref<1x32xf32, #tpu.memory_space<vmem>> -> memref<32xf32, #tpu.memory_space<vmem>>
    %dma_start3A_371 = arith.constant 0 : i32
    %dma_start3A_372 = tpu.memref_slice %arg2[%squeeze3A_360, %dma_start3A_371] : memref<100000x32xf32, #tpu.memory_space<hbm>> -> memref<1x32xf32, #tpu.memory_space<hbm>>
    %dma_start3A_373 = tpu.memref_squeeze %dma_start3A_372 : memref<1x32xf32, #tpu.memory_space<hbm>> -> memref<32xf32, #tpu.memory_space<hbm>>
    tpu.enqueue_dma source(%dma_start3A_373 : memref<32xf32, #tpu.memory_space<hbm>>) target(%dma_start3A_370 : memref<32xf32, #tpu.memory_space<vmem>>) target_semaphore(%arg7 : memref<!tpu.dma_semaphore, #tpu.memory_space<semaphore_mem>>)
    %slice3A_374 = vector.extract_strided_slice %select_n3A_268 {offsets = [7], sizes = [1], strides = [1]} : vector<16xi32> to vector<1xi32>
    %squeeze3A_375 = vector.extract %slice3A_374[0] : i32 from vector<1xi32>
    %dma_start3A_376 = arith.constant 23 : i32
    %dma_start3A_377 = arith.constant 0 : i32
    %dma_start3A_378 = tpu.memref_slice %arg6[%dma_start3A_376, %dma_start3A_377] : memref<32x32xf32, #tpu.memory_space<vmem>> -> memref<1x32xf32, #tpu.memory_space<vmem>>
    %dma_start3A_379 = tpu.memref_squeeze %dma_start3A_378 : memref<1x32xf32, #tpu.memory_space<vmem>> -> memref<32xf32, #tpu.memory_space<vmem>>
    %dma_start3A_380 = arith.constant 0 : i32
    %dma_start3A_381 = tpu.memref_slice %arg2[%squeeze3A_375, %dma_start3A_380] : memref<100000x32xf32, #tpu.memory_space<hbm>> -> memref<1x32xf32, #tpu.memory_space<hbm>>
    %dma_start3A_382 = tpu.memref_squeeze %dma_start3A_381 : memref<1x32xf32, #tpu.memory_space<hbm>> -> memref<32xf32, #tpu.memory_space<hbm>>
    %dma_start3A_383 = arith.constant 0 : i32
    %dma_start3A_384 = tpu.memref_slice %arg6[%dma_start3A_376, %dma_start3A_383] : memref<32x32xf32, #tpu.memory_space<vmem>> -> memref<1x32xf32, #tpu.memory_space<vmem>>
    %dma_start3A_385 = tpu.memref_squeeze %dma_start3A_384 : memref<1x32xf32, #tpu.memory_space<vmem>> -> memref<32xf32, #tpu.memory_space<vmem>>
    %dma_start3A_386 = arith.constant 0 : i32
    %dma_start3A_387 = tpu.memref_slice %arg2[%squeeze3A_375, %dma_start3A_386] : memref<100000x32xf32, #tpu.memory_space<hbm>> -> memref<1x32xf32, #tpu.memory_space<hbm>>
    %dma_start3A_388 = tpu.memref_squeeze %dma_start3A_387 : memref<1x32xf32, #tpu.memory_space<hbm>> -> memref<32xf32, #tpu.memory_space<hbm>>
    tpu.enqueue_dma source(%dma_start3A_388 : memref<32xf32, #tpu.memory_space<hbm>>) target(%dma_start3A_385 : memref<32xf32, #tpu.memory_space<vmem>>) target_semaphore(%arg7 : memref<!tpu.dma_semaphore, #tpu.memory_space<semaphore_mem>>)
    %slice3A_389 = vector.extract_strided_slice %select_n3A_268 {offsets = [8], sizes = [1], strides = [1]} : vector<16xi32> to vector<1xi32>
    %squeeze3A_390 = vector.extract %slice3A_389[0] : i32 from vector<1xi32>
    %dma_start3A_391 = arith.constant 24 : i32
    %dma_start3A_392 = arith.constant 0 : i32
    %dma_start3A_393 = tpu.memref_slice %arg6[%dma_start3A_391, %dma_start3A_392] : memref<32x32xf32, #tpu.memory_space<vmem>> -> memref<1x32xf32, #tpu.memory_space<vmem>>
    %dma_start3A_394 = tpu.memref_squeeze %dma_start3A_393 : memref<1x32xf32, #tpu.memory_space<vmem>> -> memref<32xf32, #tpu.memory_space<vmem>>
    %dma_start3A_395 = arith.constant 0 : i32
    %dma_start3A_396 = tpu.memref_slice %arg2[%squeeze3A_390, %dma_start3A_395] : memref<100000x32xf32, #tpu.memory_space<hbm>> -> memref<1x32xf32, #tpu.memory_space<hbm>>
    %dma_start3A_397 = tpu.memref_squeeze %dma_start3A_396 : memref<1x32xf32, #tpu.memory_space<hbm>> -> memref<32xf32, #tpu.memory_space<hbm>>
    %dma_start3A_398 = arith.constant 0 : i32
    %dma_start3A_399 = tpu.memref_slice %arg6[%dma_start3A_391, %dma_start3A_398] : memref<32x32xf32, #tpu.memory_space<vmem>> -> memref<1x32xf32, #tpu.memory_space<vmem>>
    %dma_start3A_400 = tpu.memref_squeeze %dma_start3A_399 : memref<1x32xf32, #tpu.memory_space<vmem>> -> memref<32xf32, #tpu.memory_space<vmem>>
    %dma_start3A_401 = arith.constant 0 : i32
    %dma_start3A_402 = tpu.memref_slice %arg2[%squeeze3A_390, %dma_start3A_401] : memref<100000x32xf32, #tpu.memory_space<hbm>> -> memref<1x32xf32, #tpu.memory_space<hbm>>
    %dma_start3A_403 = tpu.memref_squeeze %dma_start3A_402 : memref<1x32xf32, #tpu.memory_space<hbm>> -> memref<32xf32, #tpu.memory_space<hbm>>
    tpu.enqueue_dma source(%dma_start3A_403 : memref<32xf32, #tpu.memory_space<hbm>>) target(%dma_start3A_400 : memref<32xf32, #tpu.memory_space<vmem>>) target_semaphore(%arg7 : memref<!tpu.dma_semaphore, #tpu.memory_space<semaphore_mem>>)
    %slice3A_404 = vector.extract_strided_slice %select_n3A_268 {offsets = [9], sizes = [1], strides = [1]} : vector<16xi32> to vector<1xi32>
    %squeeze3A_405 = vector.extract %slice3A_404[0] : i32 from vector<1xi32>
    %dma_start3A_406 = arith.constant 25 : i32
    %dma_start3A_407 = arith.constant 0 : i32
    %dma_start3A_408 = tpu.memref_slice %arg6[%dma_start3A_406, %dma_start3A_407] : memref<32x32xf32, #tpu.memory_space<vmem>> -> memref<1x32xf32, #tpu.memory_space<vmem>>
    %dma_start3A_409 = tpu.memref_squeeze %dma_start3A_408 : memref<1x32xf32, #tpu.memory_space<vmem>> -> memref<32xf32, #tpu.memory_space<vmem>>
    %dma_start3A_410 = arith.constant 0 : i32
    %dma_start3A_411 = tpu.memref_slice %arg2[%squeeze3A_405, %dma_start3A_410] : memref<100000x32xf32, #tpu.memory_space<hbm>> -> memref<1x32xf32, #tpu.memory_space<hbm>>
    %dma_start3A_412 = tpu.memref_squeeze %dma_start3A_411 : memref<1x32xf32, #tpu.memory_space<hbm>> -> memref<32xf32, #tpu.memory_space<hbm>>
    %dma_start3A_413 = arith.constant 0 : i32
    %dma_start3A_414 = tpu.memref_slice %arg6[%dma_start3A_406, %dma_start3A_413] : memref<32x32xf32, #tpu.memory_space<vmem>> -> memref<1x32xf32, #tpu.memory_space<vmem>>
    %dma_start3A_415 = tpu.memref_squeeze %dma_start3A_414 : memref<1x32xf32, #tpu.memory_space<vmem>> -> memref<32xf32, #tpu.memory_space<vmem>>
    %dma_start3A_416 = arith.constant 0 : i32
    %dma_start3A_417 = tpu.memref_slice %arg2[%squeeze3A_405, %dma_start3A_416] : memref<100000x32xf32, #tpu.memory_space<hbm>> -> memref<1x32xf32, #tpu.memory_space<hbm>>
    %dma_start3A_418 = tpu.memref_squeeze %dma_start3A_417 : memref<1x32xf32, #tpu.memory_space<hbm>> -> memref<32xf32, #tpu.memory_space<hbm>>
    tpu.enqueue_dma source(%dma_start3A_418 : memref<32xf32, #tpu.memory_space<hbm>>) target(%dma_start3A_415 : memref<32xf32, #tpu.memory_space<vmem>>) target_semaphore(%arg7 : memref<!tpu.dma_semaphore, #tpu.memory_space<semaphore_mem>>)
    %slice3A_419 = vector.extract_strided_slice %select_n3A_268 {offsets = [10], sizes = [1], strides = [1]} : vector<16xi32> to vector<1xi32>
    %squeeze3A_420 = vector.extract %slice3A_419[0] : i32 from vector<1xi32>
    %dma_start3A_421 = arith.constant 26 : i32
    %dma_start3A_422 = arith.constant 0 : i32
    %dma_start3A_423 = tpu.memref_slice %arg6[%dma_start3A_421, %dma_start3A_422] : memref<32x32xf32, #tpu.memory_space<vmem>> -> memref<1x32xf32, #tpu.memory_space<vmem>>
    %dma_start3A_424 = tpu.memref_squeeze %dma_start3A_423 : memref<1x32xf32, #tpu.memory_space<vmem>> -> memref<32xf32, #tpu.memory_space<vmem>>
    %dma_start3A_425 = arith.constant 0 : i32
    %dma_start3A_426 = tpu.memref_slice %arg2[%squeeze3A_420, %dma_start3A_425] : memref<100000x32xf32, #tpu.memory_space<hbm>> -> memref<1x32xf32, #tpu.memory_space<hbm>>
    %dma_start3A_427 = tpu.memref_squeeze %dma_start3A_426 : memref<1x32xf32, #tpu.memory_space<hbm>> -> memref<32xf32, #tpu.memory_space<hbm>>
    %dma_start3A_428 = arith.constant 0 : i32
    %dma_start3A_429 = tpu.memref_slice %arg6[%dma_start3A_421, %dma_start3A_428] : memref<32x32xf32, #tpu.memory_space<vmem>> -> memref<1x32xf32, #tpu.memory_space<vmem>>
    %dma_start3A_430 = tpu.memref_squeeze %dma_start3A_429 : memref<1x32xf32, #tpu.memory_space<vmem>> -> memref<32xf32, #tpu.memory_space<vmem>>
    %dma_start3A_431 = arith.constant 0 : i32
    %dma_start3A_432 = tpu.memref_slice %arg2[%squeeze3A_420, %dma_start3A_431] : memref<100000x32xf32, #tpu.memory_space<hbm>> -> memref<1x32xf32, #tpu.memory_space<hbm>>
    %dma_start3A_433 = tpu.memref_squeeze %dma_start3A_432 : memref<1x32xf32, #tpu.memory_space<hbm>> -> memref<32xf32, #tpu.memory_space<hbm>>
    tpu.enqueue_dma source(%dma_start3A_433 : memref<32xf32, #tpu.memory_space<hbm>>) target(%dma_start3A_430 : memref<32xf32, #tpu.memory_space<vmem>>) target_semaphore(%arg7 : memref<!tpu.dma_semaphore, #tpu.memory_space<semaphore_mem>>)
    %slice3A_434 = vector.extract_strided_slice %select_n3A_268 {offsets = [11], sizes = [1], strides = [1]} : vector<16xi32> to vector<1xi32>
    %squeeze3A_435 = vector.extract %slice3A_434[0] : i32 from vector<1xi32>
    %dma_start3A_436 = arith.constant 27 : i32
    %dma_start3A_437 = arith.constant 0 : i32
    %dma_start3A_438 = tpu.memref_slice %arg6[%dma_start3A_436, %dma_start3A_437] : memref<32x32xf32, #tpu.memory_space<vmem>> -> memref<1x32xf32, #tpu.memory_space<vmem>>
    %dma_start3A_439 = tpu.memref_squeeze %dma_start3A_438 : memref<1x32xf32, #tpu.memory_space<vmem>> -> memref<32xf32, #tpu.memory_space<vmem>>
    %dma_start3A_440 = arith.constant 0 : i32
    %dma_start3A_441 = tpu.memref_slice %arg2[%squeeze3A_435, %dma_start3A_440] : memref<100000x32xf32, #tpu.memory_space<hbm>> -> memref<1x32xf32, #tpu.memory_space<hbm>>
    %dma_start3A_442 = tpu.memref_squeeze %dma_start3A_441 : memref<1x32xf32, #tpu.memory_space<hbm>> -> memref<32xf32, #tpu.memory_space<hbm>>
    %dma_start3A_443 = arith.constant 0 : i32
    %dma_start3A_444 = tpu.memref_slice %arg6[%dma_start3A_436, %dma_start3A_443] : memref<32x32xf32, #tpu.memory_space<vmem>> -> memref<1x32xf32, #tpu.memory_space<vmem>>
    %dma_start3A_445 = tpu.memref_squeeze %dma_start3A_444 : memref<1x32xf32, #tpu.memory_space<vmem>> -> memref<32xf32, #tpu.memory_space<vmem>>
    %dma_start3A_446 = arith.constant 0 : i32
    %dma_start3A_447 = tpu.memref_slice %arg2[%squeeze3A_435, %dma_start3A_446] : memref<100000x32xf32, #tpu.memory_space<hbm>> -> memref<1x32xf32, #tpu.memory_space<hbm>>
    %dma_start3A_448 = tpu.memref_squeeze %dma_start3A_447 : memref<1x32xf32, #tpu.memory_space<hbm>> -> memref<32xf32, #tpu.memory_space<hbm>>
    tpu.enqueue_dma source(%dma_start3A_448 : memref<32xf32, #tpu.memory_space<hbm>>) target(%dma_start3A_445 : memref<32xf32, #tpu.memory_space<vmem>>) target_semaphore(%arg7 : memref<!tpu.dma_semaphore, #tpu.memory_space<semaphore_mem>>)
    %slice3A_449 = vector.extract_strided_slice %select_n3A_268 {offsets = [12], sizes = [1], strides = [1]} : vector<16xi32> to vector<1xi32>
    %squeeze3A_450 = vector.extract %slice3A_449[0] : i32 from vector<1xi32>
    %dma_start3A_451 = arith.constant 28 : i32
    %dma_start3A_452 = arith.constant 0 : i32
    %dma_start3A_453 = tpu.memref_slice %arg6[%dma_start3A_451, %dma_start3A_452] : memref<32x32xf32, #tpu.memory_space<vmem>> -> memref<1x32xf32, #tpu.memory_space<vmem>>
    %dma_start3A_454 = tpu.memref_squeeze %dma_start3A_453 : memref<1x32xf32, #tpu.memory_space<vmem>> -> memref<32xf32, #tpu.memory_space<vmem>>
    %dma_start3A_455 = arith.constant 0 : i32
    %dma_start3A_456 = tpu.memref_slice %arg2[%squeeze3A_450, %dma_start3A_455] : memref<100000x32xf32, #tpu.memory_space<hbm>> -> memref<1x32xf32, #tpu.memory_space<hbm>>
    %dma_start3A_457 = tpu.memref_squeeze %dma_start3A_456 : memref<1x32xf32, #tpu.memory_space<hbm>> -> memref<32xf32, #tpu.memory_space<hbm>>
    %dma_start3A_458 = arith.constant 0 : i32
    %dma_start3A_459 = tpu.memref_slice %arg6[%dma_start3A_451, %dma_start3A_458] : memref<32x32xf32, #tpu.memory_space<vmem>> -> memref<1x32xf32, #tpu.memory_space<vmem>>
    %dma_start3A_460 = tpu.memref_squeeze %dma_start3A_459 : memref<1x32xf32, #tpu.memory_space<vmem>> -> memref<32xf32, #tpu.memory_space<vmem>>
    %dma_start3A_461 = arith.constant 0 : i32
    %dma_start3A_462 = tpu.memref_slice %arg2[%squeeze3A_450, %dma_start3A_461] : memref<100000x32xf32, #tpu.memory_space<hbm>> -> memref<1x32xf32, #tpu.memory_space<hbm>>
    %dma_start3A_463 = tpu.memref_squeeze %dma_start3A_462 : memref<1x32xf32, #tpu.memory_space<hbm>> -> memref<32xf32, #tpu.memory_space<hbm>>
    tpu.enqueue_dma source(%dma_start3A_463 : memref<32xf32, #tpu.memory_space<hbm>>) target(%dma_start3A_460 : memref<32xf32, #tpu.memory_space<vmem>>) target_semaphore(%arg7 : memref<!tpu.dma_semaphore, #tpu.memory_space<semaphore_mem>>)
    %slice3A_464 = vector.extract_strided_slice %select_n3A_268 {offsets = [13], sizes = [1], strides = [1]} : vector<16xi32> to vector<1xi32>
    %squeeze3A_465 = vector.extract %slice3A_464[0] : i32 from vector<1xi32>
    %dma_start3A_466 = arith.constant 29 : i32
    %dma_start3A_467 = arith.constant 0 : i32
    %dma_start3A_468 = tpu.memref_slice %arg6[%dma_start3A_466, %dma_start3A_467] : memref<32x32xf32, #tpu.memory_space<vmem>> -> memref<1x32xf32, #tpu.memory_space<vmem>>
    %dma_start3A_469 = tpu.memref_squeeze %dma_start3A_468 : memref<1x32xf32, #tpu.memory_space<vmem>> -> memref<32xf32, #tpu.memory_space<vmem>>
    %dma_start3A_470 = arith.constant 0 : i32
    %dma_start3A_471 = tpu.memref_slice %arg2[%squeeze3A_465, %dma_start3A_470] : memref<100000x32xf32, #tpu.memory_space<hbm>> -> memref<1x32xf32, #tpu.memory_space<hbm>>
    %dma_start3A_472 = tpu.memref_squeeze %dma_start3A_471 : memref<1x32xf32, #tpu.memory_space<hbm>> -> memref<32xf32, #tpu.memory_space<hbm>>
    %dma_start3A_473 = arith.constant 0 : i32
    %dma_start3A_474 = tpu.memref_slice %arg6[%dma_start3A_466, %dma_start3A_473] : memref<32x32xf32, #tpu.memory_space<vmem>> -> memref<1x32xf32, #tpu.memory_space<vmem>>
    %dma_start3A_475 = tpu.memref_squeeze %dma_start3A_474 : memref<1x32xf32, #tpu.memory_space<vmem>> -> memref<32xf32, #tpu.memory_space<vmem>>
    %dma_start3A_476 = arith.constant 0 : i32
    %dma_start3A_477 = tpu.memref_slice %arg2[%squeeze3A_465, %dma_start3A_476] : memref<100000x32xf32, #tpu.memory_space<hbm>> -> memref<1x32xf32, #tpu.memory_space<hbm>>
    %dma_start3A_478 = tpu.memref_squeeze %dma_start3A_477 : memref<1x32xf32, #tpu.memory_space<hbm>> -> memref<32xf32, #tpu.memory_space<hbm>>
    tpu.enqueue_dma source(%dma_start3A_478 : memref<32xf32, #tpu.memory_space<hbm>>) target(%dma_start3A_475 : memref<32xf32, #tpu.memory_space<vmem>>) target_semaphore(%arg7 : memref<!tpu.dma_semaphore, #tpu.memory_space<semaphore_mem>>)
    %slice3A_479 = vector.extract_strided_slice %select_n3A_268 {offsets = [14], sizes = [1], strides = [1]} : vector<16xi32> to vector<1xi32>
    %squeeze3A_480 = vector.extract %slice3A_479[0] : i32 from vector<1xi32>
    %dma_start3A_481 = arith.constant 30 : i32
    %dma_start3A_482 = arith.constant 0 : i32
    %dma_start3A_483 = tpu.memref_slice %arg6[%dma_start3A_481, %dma_start3A_482] : memref<32x32xf32, #tpu.memory_space<vmem>> -> memref<1x32xf32, #tpu.memory_space<vmem>>
    %dma_start3A_484 = tpu.memref_squeeze %dma_start3A_483 : memref<1x32xf32, #tpu.memory_space<vmem>> -> memref<32xf32, #tpu.memory_space<vmem>>
    %dma_start3A_485 = arith.constant 0 : i32
    %dma_start3A_486 = tpu.memref_slice %arg2[%squeeze3A_480, %dma_start3A_485] : memref<100000x32xf32, #tpu.memory_space<hbm>> -> memref<1x32xf32, #tpu.memory_space<hbm>>
    %dma_start3A_487 = tpu.memref_squeeze %dma_start3A_486 : memref<1x32xf32, #tpu.memory_space<hbm>> -> memref<32xf32, #tpu.memory_space<hbm>>
    %dma_start3A_488 = arith.constant 0 : i32
    %dma_start3A_489 = tpu.memref_slice %arg6[%dma_start3A_481, %dma_start3A_488] : memref<32x32xf32, #tpu.memory_space<vmem>> -> memref<1x32xf32, #tpu.memory_space<vmem>>
    %dma_start3A_490 = tpu.memref_squeeze %dma_start3A_489 : memref<1x32xf32, #tpu.memory_space<vmem>> -> memref<32xf32, #tpu.memory_space<vmem>>
    %dma_start3A_491 = arith.constant 0 : i32
    %dma_start3A_492 = tpu.memref_slice %arg2[%squeeze3A_480, %dma_start3A_491] : memref<100000x32xf32, #tpu.memory_space<hbm>> -> memref<1x32xf32, #tpu.memory_space<hbm>>
    %dma_start3A_493 = tpu.memref_squeeze %dma_start3A_492 : memref<1x32xf32, #tpu.memory_space<hbm>> -> memref<32xf32, #tpu.memory_space<hbm>>
    tpu.enqueue_dma source(%dma_start3A_493 : memref<32xf32, #tpu.memory_space<hbm>>) target(%dma_start3A_490 : memref<32xf32, #tpu.memory_space<vmem>>) target_semaphore(%arg7 : memref<!tpu.dma_semaphore, #tpu.memory_space<semaphore_mem>>)
    %slice3A_494 = vector.extract_strided_slice %select_n3A_268 {offsets = [15], sizes = [1], strides = [1]} : vector<16xi32> to vector<1xi32>
    %squeeze3A_495 = vector.extract %slice3A_494[0] : i32 from vector<1xi32>
    %dma_start3A_496 = arith.constant 31 : i32
    %dma_start3A_497 = arith.constant 0 : i32
    %dma_start3A_498 = tpu.memref_slice %arg6[%dma_start3A_496, %dma_start3A_497] : memref<32x32xf32, #tpu.memory_space<vmem>> -> memref<1x32xf32, #tpu.memory_space<vmem>>
    %dma_start3A_499 = tpu.memref_squeeze %dma_start3A_498 : memref<1x32xf32, #tpu.memory_space<vmem>> -> memref<32xf32, #tpu.memory_space<vmem>>
    %dma_start3A_500 = arith.constant 0 : i32
    %dma_start3A_501 = tpu.memref_slice %arg2[%squeeze3A_495, %dma_start3A_500] : memref<100000x32xf32, #tpu.memory_space<hbm>> -> memref<1x32xf32, #tpu.memory_space<hbm>>
    %dma_start3A_502 = tpu.memref_squeeze %dma_start3A_501 : memref<1x32xf32, #tpu.memory_space<hbm>> -> memref<32xf32, #tpu.memory_space<hbm>>
    %dma_start3A_503 = arith.constant 0 : i32
    %dma_start3A_504 = tpu.memref_slice %arg6[%dma_start3A_496, %dma_start3A_503] : memref<32x32xf32, #tpu.memory_space<vmem>> -> memref<1x32xf32, #tpu.memory_space<vmem>>
    %dma_start3A_505 = tpu.memref_squeeze %dma_start3A_504 : memref<1x32xf32, #tpu.memory_space<vmem>> -> memref<32xf32, #tpu.memory_space<vmem>>
    %dma_start3A_506 = arith.constant 0 : i32
    %dma_start3A_507 = tpu.memref_slice %arg2[%squeeze3A_495, %dma_start3A_506] : memref<100000x32xf32, #tpu.memory_space<hbm>> -> memref<1x32xf32, #tpu.memory_space<hbm>>
    %dma_start3A_508 = tpu.memref_squeeze %dma_start3A_507 : memref<1x32xf32, #tpu.memory_space<hbm>> -> memref<32xf32, #tpu.memory_space<hbm>>
    tpu.enqueue_dma source(%dma_start3A_508 : memref<32xf32, #tpu.memory_space<hbm>>) target(%dma_start3A_505 : memref<32xf32, #tpu.memory_space<vmem>>) target_semaphore(%arg7 : memref<!tpu.dma_semaphore, #tpu.memory_space<semaphore_mem>>)
    %dma_wait3A = arith.constant 0 : i32
    %dma_wait3A_509 = arith.constant 0 : i32
    %dma_wait3A_510 = tpu.memref_slice %arg6[%dma_wait3A, %dma_wait3A_509] : memref<32x32xf32, #tpu.memory_space<vmem>> -> memref<1x32xf32, #tpu.memory_space<vmem>>
    %dma_wait3A_511 = tpu.memref_squeeze %dma_wait3A_510 : memref<1x32xf32, #tpu.memory_space<vmem>> -> memref<32xf32, #tpu.memory_space<vmem>>
    %dma_wait3A_512 = arith.constant 0 : i32
    %dma_wait3A_513 = tpu.memref_slice %arg2[%squeeze3A, %dma_wait3A_512] : memref<100000x32xf32, #tpu.memory_space<hbm>> -> memref<1x32xf32, #tpu.memory_space<hbm>>
    %dma_wait3A_514 = tpu.memref_squeeze %dma_wait3A_513 : memref<1x32xf32, #tpu.memory_space<hbm>> -> memref<32xf32, #tpu.memory_space<hbm>>
    %dma_wait3A_515 = arith.constant 0 : i32
    %dma_wait3A_516 = tpu.memref_slice %arg6[%dma_wait3A, %dma_wait3A_515] : memref<32x32xf32, #tpu.memory_space<vmem>> -> memref<1x32xf32, #tpu.memory_space<vmem>>
    %dma_wait3A_517 = tpu.memref_squeeze %dma_wait3A_516 : memref<1x32xf32, #tpu.memory_space<vmem>> -> memref<32xf32, #tpu.memory_space<vmem>>
    %dma_wait3A_518 = arith.constant 0 : i32
    %dma_wait3A_519 = tpu.memref_slice %arg2[%squeeze3A, %dma_wait3A_518] : memref<100000x32xf32, #tpu.memory_space<hbm>> -> memref<1x32xf32, #tpu.memory_space<hbm>>
    %dma_wait3A_520 = tpu.memref_squeeze %dma_wait3A_519 : memref<1x32xf32, #tpu.memory_space<hbm>> -> memref<32xf32, #tpu.memory_space<hbm>>
    tpu.wait_dma2 semaphore(%arg7 : memref<!tpu.dma_semaphore, #tpu.memory_space<semaphore_mem>>) src(%dma_wait3A_520 : memref<32xf32, #tpu.memory_space<hbm>>) dst(%dma_wait3A_517 : memref<32xf32, #tpu.memory_space<vmem>>)
    %dma_wait3A_521 = arith.constant 1 : i32
    %dma_wait3A_522 = arith.constant 0 : i32
    %dma_wait3A_523 = tpu.memref_slice %arg6[%dma_wait3A_521, %dma_wait3A_522] : memref<32x32xf32, #tpu.memory_space<vmem>> -> memref<1x32xf32, #tpu.memory_space<vmem>>
    %dma_wait3A_524 = tpu.memref_squeeze %dma_wait3A_523 : memref<1x32xf32, #tpu.memory_space<vmem>> -> memref<32xf32, #tpu.memory_space<vmem>>
    %dma_wait3A_525 = arith.constant 0 : i32
    %dma_wait3A_526 = tpu.memref_slice %arg2[%squeeze3A_27, %dma_wait3A_525] : memref<100000x32xf32, #tpu.memory_space<hbm>> -> memref<1x32xf32, #tpu.memory_space<hbm>>
    %dma_wait3A_527 = tpu.memref_squeeze %dma_wait3A_526 : memref<1x32xf32, #tpu.memory_space<hbm>> -> memref<32xf32, #tpu.memory_space<hbm>>
    %dma_wait3A_528 = arith.constant 0 : i32
    %dma_wait3A_529 = tpu.memref_slice %arg6[%dma_wait3A_521, %dma_wait3A_528] : memref<32x32xf32, #tpu.memory_space<vmem>> -> memref<1x32xf32, #tpu.memory_space<vmem>>
    %dma_wait3A_530 = tpu.memref_squeeze %dma_wait3A_529 : memref<1x32xf32, #tpu.memory_space<vmem>> -> memref<32xf32, #tpu.memory_space<vmem>>
    %dma_wait3A_531 = arith.constant 0 : i32
    %dma_wait3A_532 = tpu.memref_slice %arg2[%squeeze3A_27, %dma_wait3A_531] : memref<100000x32xf32, #tpu.memory_space<hbm>> -> memref<1x32xf32, #tpu.memory_space<hbm>>
    %dma_wait3A_533 = tpu.memref_squeeze %dma_wait3A_532 : memref<1x32xf32, #tpu.memory_space<hbm>> -> memref<32xf32, #tpu.memory_space<hbm>>
    tpu.wait_dma2 semaphore(%arg7 : memref<!tpu.dma_semaphore, #tpu.memory_space<semaphore_mem>>) src(%dma_wait3A_533 : memref<32xf32, #tpu.memory_space<hbm>>) dst(%dma_wait3A_530 : memref<32xf32, #tpu.memory_space<vmem>>)
    %dma_wait3A_534 = arith.constant 2 : i32
    %dma_wait3A_535 = arith.constant 0 : i32
    %dma_wait3A_536 = tpu.memref_slice %arg6[%dma_wait3A_534, %dma_wait3A_535] : memref<32x32xf32, #tpu.memory_space<vmem>> -> memref<1x32xf32, #tpu.memory_space<vmem>>
    %dma_wait3A_537 = tpu.memref_squeeze %dma_wait3A_536 : memref<1x32xf32, #tpu.memory_space<vmem>> -> memref<32xf32, #tpu.memory_space<vmem>>
    %dma_wait3A_538 = arith.constant 0 : i32
    %dma_wait3A_539 = tpu.memref_slice %arg2[%squeeze3A_42, %dma_wait3A_538] : memref<100000x32xf32, #tpu.memory_space<hbm>> -> memref<1x32xf32, #tpu.memory_space<hbm>>
    %dma_wait3A_540 = tpu.memref_squeeze %dma_wait3A_539 : memref<1x32xf32, #tpu.memory_space<hbm>> -> memref<32xf32, #tpu.memory_space<hbm>>
    %dma_wait3A_541 = arith.constant 0 : i32
    %dma_wait3A_542 = tpu.memref_slice %arg6[%dma_wait3A_534, %dma_wait3A_541] : memref<32x32xf32, #tpu.memory_space<vmem>> -> memref<1x32xf32, #tpu.memory_space<vmem>>
    %dma_wait3A_543 = tpu.memref_squeeze %dma_wait3A_542 : memref<1x32xf32, #tpu.memory_space<vmem>> -> memref<32xf32, #tpu.memory_space<vmem>>
    %dma_wait3A_544 = arith.constant 0 : i32
    %dma_wait3A_545 = tpu.memref_slice %arg2[%squeeze3A_42, %dma_wait3A_544] : memref<100000x32xf32, #tpu.memory_space<hbm>> -> memref<1x32xf32, #tpu.memory_space<hbm>>
    %dma_wait3A_546 = tpu.memref_squeeze %dma_wait3A_545 : memref<1x32xf32, #tpu.memory_space<hbm>> -> memref<32xf32, #tpu.memory_space<hbm>>
    tpu.wait_dma2 semaphore(%arg7 : memref<!tpu.dma_semaphore, #tpu.memory_space<semaphore_mem>>) src(%dma_wait3A_546 : memref<32xf32, #tpu.memory_space<hbm>>) dst(%dma_wait3A_543 : memref<32xf32, #tpu.memory_space<vmem>>)
    %dma_wait3A_547 = arith.constant 3 : i32
    %dma_wait3A_548 = arith.constant 0 : i32
    %dma_wait3A_549 = tpu.memref_slice %arg6[%dma_wait3A_547, %dma_wait3A_548] : memref<32x32xf32, #tpu.memory_space<vmem>> -> memref<1x32xf32, #tpu.memory_space<vmem>>
    %dma_wait3A_550 = tpu.memref_squeeze %dma_wait3A_549 : memref<1x32xf32, #tpu.memory_space<vmem>> -> memref<32xf32, #tpu.memory_space<vmem>>
    %dma_wait3A_551 = arith.constant 0 : i32
    %dma_wait3A_552 = tpu.memref_slice %arg2[%squeeze3A_57, %dma_wait3A_551] : memref<100000x32xf32, #tpu.memory_space<hbm>> -> memref<1x32xf32, #tpu.memory_space<hbm>>
    %dma_wait3A_553 = tpu.memref_squeeze %dma_wait3A_552 : memref<1x32xf32, #tpu.memory_space<hbm>> -> memref<32xf32, #tpu.memory_space<hbm>>
    %dma_wait3A_554 = arith.constant 0 : i32
    %dma_wait3A_555 = tpu.memref_slice %arg6[%dma_wait3A_547, %dma_wait3A_554] : memref<32x32xf32, #tpu.memory_space<vmem>> -> memref<1x32xf32, #tpu.memory_space<vmem>>
    %dma_wait3A_556 = tpu.memref_squeeze %dma_wait3A_555 : memref<1x32xf32, #tpu.memory_space<vmem>> -> memref<32xf32, #tpu.memory_space<vmem>>
    %dma_wait3A_557 = arith.constant 0 : i32
    %dma_wait3A_558 = tpu.memref_slice %arg2[%squeeze3A_57, %dma_wait3A_557] : memref<100000x32xf32, #tpu.memory_space<hbm>> -> memref<1x32xf32, #tpu.memory_space<hbm>>
    %dma_wait3A_559 = tpu.memref_squeeze %dma_wait3A_558 : memref<1x32xf32, #tpu.memory_space<hbm>> -> memref<32xf32, #tpu.memory_space<hbm>>
    tpu.wait_dma2 semaphore(%arg7 : memref<!tpu.dma_semaphore, #tpu.memory_space<semaphore_mem>>) src(%dma_wait3A_559 : memref<32xf32, #tpu.memory_space<hbm>>) dst(%dma_wait3A_556 : memref<32xf32, #tpu.memory_space<vmem>>)
    %dma_wait3A_560 = arith.constant 4 : i32
    %dma_wait3A_561 = arith.constant 0 : i32
    %dma_wait3A_562 = tpu.memref_slice %arg6[%dma_wait3A_560, %dma_wait3A_561] : memref<32x32xf32, #tpu.memory_space<vmem>> -> memref<1x32xf32, #tpu.memory_space<vmem>>
    %dma_wait3A_563 = tpu.memref_squeeze %dma_wait3A_562 : memref<1x32xf32, #tpu.memory_space<vmem>> -> memref<32xf32, #tpu.memory_space<vmem>>
    %dma_wait3A_564 = arith.constant 0 : i32
    %dma_wait3A_565 = tpu.memref_slice %arg2[%squeeze3A_72, %dma_wait3A_564] : memref<100000x32xf32, #tpu.memory_space<hbm>> -> memref<1x32xf32, #tpu.memory_space<hbm>>
    %dma_wait3A_566 = tpu.memref_squeeze %dma_wait3A_565 : memref<1x32xf32, #tpu.memory_space<hbm>> -> memref<32xf32, #tpu.memory_space<hbm>>
    %dma_wait3A_567 = arith.constant 0 : i32
    %dma_wait3A_568 = tpu.memref_slice %arg6[%dma_wait3A_560, %dma_wait3A_567] : memref<32x32xf32, #tpu.memory_space<vmem>> -> memref<1x32xf32, #tpu.memory_space<vmem>>
    %dma_wait3A_569 = tpu.memref_squeeze %dma_wait3A_568 : memref<1x32xf32, #tpu.memory_space<vmem>> -> memref<32xf32, #tpu.memory_space<vmem>>
    %dma_wait3A_570 = arith.constant 0 : i32
    %dma_wait3A_571 = tpu.memref_slice %arg2[%squeeze3A_72, %dma_wait3A_570] : memref<100000x32xf32, #tpu.memory_space<hbm>> -> memref<1x32xf32, #tpu.memory_space<hbm>>
    %dma_wait3A_572 = tpu.memref_squeeze %dma_wait3A_571 : memref<1x32xf32, #tpu.memory_space<hbm>> -> memref<32xf32, #tpu.memory_space<hbm>>
    tpu.wait_dma2 semaphore(%arg7 : memref<!tpu.dma_semaphore, #tpu.memory_space<semaphore_mem>>) src(%dma_wait3A_572 : memref<32xf32, #tpu.memory_space<hbm>>) dst(%dma_wait3A_569 : memref<32xf32, #tpu.memory_space<vmem>>)
    %dma_wait3A_573 = arith.constant 5 : i32
    %dma_wait3A_574 = arith.constant 0 : i32
    %dma_wait3A_575 = tpu.memref_slice %arg6[%dma_wait3A_573, %dma_wait3A_574] : memref<32x32xf32, #tpu.memory_space<vmem>> -> memref<1x32xf32, #tpu.memory_space<vmem>>
    %dma_wait3A_576 = tpu.memref_squeeze %dma_wait3A_575 : memref<1x32xf32, #tpu.memory_space<vmem>> -> memref<32xf32, #tpu.memory_space<vmem>>
    %dma_wait3A_577 = arith.constant 0 : i32
    %dma_wait3A_578 = tpu.memref_slice %arg2[%squeeze3A_87, %dma_wait3A_577] : memref<100000x32xf32, #tpu.memory_space<hbm>> -> memref<1x32xf32, #tpu.memory_space<hbm>>
    %dma_wait3A_579 = tpu.memref_squeeze %dma_wait3A_578 : memref<1x32xf32, #tpu.memory_space<hbm>> -> memref<32xf32, #tpu.memory_space<hbm>>
    %dma_wait3A_580 = arith.constant 0 : i32
    %dma_wait3A_581 = tpu.memref_slice %arg6[%dma_wait3A_573, %dma_wait3A_580] : memref<32x32xf32, #tpu.memory_space<vmem>> -> memref<1x32xf32, #tpu.memory_space<vmem>>
    %dma_wait3A_582 = tpu.memref_squeeze %dma_wait3A_581 : memref<1x32xf32, #tpu.memory_space<vmem>> -> memref<32xf32, #tpu.memory_space<vmem>>
    %dma_wait3A_583 = arith.constant 0 : i32
    %dma_wait3A_584 = tpu.memref_slice %arg2[%squeeze3A_87, %dma_wait3A_583] : memref<100000x32xf32, #tpu.memory_space<hbm>> -> memref<1x32xf32, #tpu.memory_space<hbm>>
    %dma_wait3A_585 = tpu.memref_squeeze %dma_wait3A_584 : memref<1x32xf32, #tpu.memory_space<hbm>> -> memref<32xf32, #tpu.memory_space<hbm>>
    tpu.wait_dma2 semaphore(%arg7 : memref<!tpu.dma_semaphore, #tpu.memory_space<semaphore_mem>>) src(%dma_wait3A_585 : memref<32xf32, #tpu.memory_space<hbm>>) dst(%dma_wait3A_582 : memref<32xf32, #tpu.memory_space<vmem>>)
    %dma_wait3A_586 = arith.constant 6 : i32
    %dma_wait3A_587 = arith.constant 0 : i32
    %dma_wait3A_588 = tpu.memref_slice %arg6[%dma_wait3A_586, %dma_wait3A_587] : memref<32x32xf32, #tpu.memory_space<vmem>> -> memref<1x32xf32, #tpu.memory_space<vmem>>
    %dma_wait3A_589 = tpu.memref_squeeze %dma_wait3A_588 : memref<1x32xf32, #tpu.memory_space<vmem>> -> memref<32xf32, #tpu.memory_space<vmem>>
    %dma_wait3A_590 = arith.constant 0 : i32
    %dma_wait3A_591 = tpu.memref_slice %arg2[%squeeze3A_102, %dma_wait3A_590] : memref<100000x32xf32, #tpu.memory_space<hbm>> -> memref<1x32xf32, #tpu.memory_space<hbm>>
    %dma_wait3A_592 = tpu.memref_squeeze %dma_wait3A_591 : memref<1x32xf32, #tpu.memory_space<hbm>> -> memref<32xf32, #tpu.memory_space<hbm>>
    %dma_wait3A_593 = arith.constant 0 : i32
    %dma_wait3A_594 = tpu.memref_slice %arg6[%dma_wait3A_586, %dma_wait3A_593] : memref<32x32xf32, #tpu.memory_space<vmem>> -> memref<1x32xf32, #tpu.memory_space<vmem>>
    %dma_wait3A_595 = tpu.memref_squeeze %dma_wait3A_594 : memref<1x32xf32, #tpu.memory_space<vmem>> -> memref<32xf32, #tpu.memory_space<vmem>>
    %dma_wait3A_596 = arith.constant 0 : i32
    %dma_wait3A_597 = tpu.memref_slice %arg2[%squeeze3A_102, %dma_wait3A_596] : memref<100000x32xf32, #tpu.memory_space<hbm>> -> memref<1x32xf32, #tpu.memory_space<hbm>>
    %dma_wait3A_598 = tpu.memref_squeeze %dma_wait3A_597 : memref<1x32xf32, #tpu.memory_space<hbm>> -> memref<32xf32, #tpu.memory_space<hbm>>
    tpu.wait_dma2 semaphore(%arg7 : memref<!tpu.dma_semaphore, #tpu.memory_space<semaphore_mem>>) src(%dma_wait3A_598 : memref<32xf32, #tpu.memory_space<hbm>>) dst(%dma_wait3A_595 : memref<32xf32, #tpu.memory_space<vmem>>)
    %dma_wait3A_599 = arith.constant 7 : i32
    %dma_wait3A_600 = arith.constant 0 : i32
    %dma_wait3A_601 = tpu.memref_slice %arg6[%dma_wait3A_599, %dma_wait3A_600] : memref<32x32xf32, #tpu.memory_space<vmem>> -> memref<1x32xf32, #tpu.memory_space<vmem>>
    %dma_wait3A_602 = tpu.memref_squeeze %dma_wait3A_601 : memref<1x32xf32, #tpu.memory_space<vmem>> -> memref<32xf32, #tpu.memory_space<vmem>>
    %dma_wait3A_603 = arith.constant 0 : i32
    %dma_wait3A_604 = tpu.memref_slice %arg2[%squeeze3A_117, %dma_wait3A_603] : memref<100000x32xf32, #tpu.memory_space<hbm>> -> memref<1x32xf32, #tpu.memory_space<hbm>>
    %dma_wait3A_605 = tpu.memref_squeeze %dma_wait3A_604 : memref<1x32xf32, #tpu.memory_space<hbm>> -> memref<32xf32, #tpu.memory_space<hbm>>
    %dma_wait3A_606 = arith.constant 0 : i32
    %dma_wait3A_607 = tpu.memref_slice %arg6[%dma_wait3A_599, %dma_wait3A_606] : memref<32x32xf32, #tpu.memory_space<vmem>> -> memref<1x32xf32, #tpu.memory_space<vmem>>
    %dma_wait3A_608 = tpu.memref_squeeze %dma_wait3A_607 : memref<1x32xf32, #tpu.memory_space<vmem>> -> memref<32xf32, #tpu.memory_space<vmem>>
    %dma_wait3A_609 = arith.constant 0 : i32
    %dma_wait3A_610 = tpu.memref_slice %arg2[%squeeze3A_117, %dma_wait3A_609] : memref<100000x32xf32, #tpu.memory_space<hbm>> -> memref<1x32xf32, #tpu.memory_space<hbm>>
    %dma_wait3A_611 = tpu.memref_squeeze %dma_wait3A_610 : memref<1x32xf32, #tpu.memory_space<hbm>> -> memref<32xf32, #tpu.memory_space<hbm>>
    tpu.wait_dma2 semaphore(%arg7 : memref<!tpu.dma_semaphore, #tpu.memory_space<semaphore_mem>>) src(%dma_wait3A_611 : memref<32xf32, #tpu.memory_space<hbm>>) dst(%dma_wait3A_608 : memref<32xf32, #tpu.memory_space<vmem>>)
    %dma_wait3A_612 = arith.constant 8 : i32
    %dma_wait3A_613 = arith.constant 0 : i32
    %dma_wait3A_614 = tpu.memref_slice %arg6[%dma_wait3A_612, %dma_wait3A_613] : memref<32x32xf32, #tpu.memory_space<vmem>> -> memref<1x32xf32, #tpu.memory_space<vmem>>
    %dma_wait3A_615 = tpu.memref_squeeze %dma_wait3A_614 : memref<1x32xf32, #tpu.memory_space<vmem>> -> memref<32xf32, #tpu.memory_space<vmem>>
    %dma_wait3A_616 = arith.constant 0 : i32
    %dma_wait3A_617 = tpu.memref_slice %arg2[%squeeze3A_132, %dma_wait3A_616] : memref<100000x32xf32, #tpu.memory_space<hbm>> -> memref<1x32xf32, #tpu.memory_space<hbm>>
    %dma_wait3A_618 = tpu.memref_squeeze %dma_wait3A_617 : memref<1x32xf32, #tpu.memory_space<hbm>> -> memref<32xf32, #tpu.memory_space<hbm>>
    %dma_wait3A_619 = arith.constant 0 : i32
    %dma_wait3A_620 = tpu.memref_slice %arg6[%dma_wait3A_612, %dma_wait3A_619] : memref<32x32xf32, #tpu.memory_space<vmem>> -> memref<1x32xf32, #tpu.memory_space<vmem>>
    %dma_wait3A_621 = tpu.memref_squeeze %dma_wait3A_620 : memref<1x32xf32, #tpu.memory_space<vmem>> -> memref<32xf32, #tpu.memory_space<vmem>>
    %dma_wait3A_622 = arith.constant 0 : i32
    %dma_wait3A_623 = tpu.memref_slice %arg2[%squeeze3A_132, %dma_wait3A_622] : memref<100000x32xf32, #tpu.memory_space<hbm>> -> memref<1x32xf32, #tpu.memory_space<hbm>>
    %dma_wait3A_624 = tpu.memref_squeeze %dma_wait3A_623 : memref<1x32xf32, #tpu.memory_space<hbm>> -> memref<32xf32, #tpu.memory_space<hbm>>
    tpu.wait_dma2 semaphore(%arg7 : memref<!tpu.dma_semaphore, #tpu.memory_space<semaphore_mem>>) src(%dma_wait3A_624 : memref<32xf32, #tpu.memory_space<hbm>>) dst(%dma_wait3A_621 : memref<32xf32, #tpu.memory_space<vmem>>)
    %dma_wait3A_625 = arith.constant 9 : i32
    %dma_wait3A_626 = arith.constant 0 : i32
    %dma_wait3A_627 = tpu.memref_slice %arg6[%dma_wait3A_625, %dma_wait3A_626] : memref<32x32xf32, #tpu.memory_space<vmem>> -> memref<1x32xf32, #tpu.memory_space<vmem>>
    %dma_wait3A_628 = tpu.memref_squeeze %dma_wait3A_627 : memref<1x32xf32, #tpu.memory_space<vmem>> -> memref<32xf32, #tpu.memory_space<vmem>>
    %dma_wait3A_629 = arith.constant 0 : i32
    %dma_wait3A_630 = tpu.memref_slice %arg2[%squeeze3A_147, %dma_wait3A_629] : memref<100000x32xf32, #tpu.memory_space<hbm>> -> memref<1x32xf32, #tpu.memory_space<hbm>>
    %dma_wait3A_631 = tpu.memref_squeeze %dma_wait3A_630 : memref<1x32xf32, #tpu.memory_space<hbm>> -> memref<32xf32, #tpu.memory_space<hbm>>
    %dma_wait3A_632 = arith.constant 0 : i32
    %dma_wait3A_633 = tpu.memref_slice %arg6[%dma_wait3A_625, %dma_wait3A_632] : memref<32x32xf32, #tpu.memory_space<vmem>> -> memref<1x32xf32, #tpu.memory_space<vmem>>
    %dma_wait3A_634 = tpu.memref_squeeze %dma_wait3A_633 : memref<1x32xf32, #tpu.memory_space<vmem>> -> memref<32xf32, #tpu.memory_space<vmem>>
    %dma_wait3A_635 = arith.constant 0 : i32
    %dma_wait3A_636 = tpu.memref_slice %arg2[%squeeze3A_147, %dma_wait3A_635] : memref<100000x32xf32, #tpu.memory_space<hbm>> -> memref<1x32xf32, #tpu.memory_space<hbm>>
    %dma_wait3A_637 = tpu.memref_squeeze %dma_wait3A_636 : memref<1x32xf32, #tpu.memory_space<hbm>> -> memref<32xf32, #tpu.memory_space<hbm>>
    tpu.wait_dma2 semaphore(%arg7 : memref<!tpu.dma_semaphore, #tpu.memory_space<semaphore_mem>>) src(%dma_wait3A_637 : memref<32xf32, #tpu.memory_space<hbm>>) dst(%dma_wait3A_634 : memref<32xf32, #tpu.memory_space<vmem>>)
    %dma_wait3A_638 = arith.constant 10 : i32
    %dma_wait3A_639 = arith.constant 0 : i32
    %dma_wait3A_640 = tpu.memref_slice %arg6[%dma_wait3A_638, %dma_wait3A_639] : memref<32x32xf32, #tpu.memory_space<vmem>> -> memref<1x32xf32, #tpu.memory_space<vmem>>
    %dma_wait3A_641 = tpu.memref_squeeze %dma_wait3A_640 : memref<1x32xf32, #tpu.memory_space<vmem>> -> memref<32xf32, #tpu.memory_space<vmem>>
    %dma_wait3A_642 = arith.constant 0 : i32
    %dma_wait3A_643 = tpu.memref_slice %arg2[%squeeze3A_162, %dma_wait3A_642] : memref<100000x32xf32, #tpu.memory_space<hbm>> -> memref<1x32xf32, #tpu.memory_space<hbm>>
    %dma_wait3A_644 = tpu.memref_squeeze %dma_wait3A_643 : memref<1x32xf32, #tpu.memory_space<hbm>> -> memref<32xf32, #tpu.memory_space<hbm>>
    %dma_wait3A_645 = arith.constant 0 : i32
    %dma_wait3A_646 = tpu.memref_slice %arg6[%dma_wait3A_638, %dma_wait3A_645] : memref<32x32xf32, #tpu.memory_space<vmem>> -> memref<1x32xf32, #tpu.memory_space<vmem>>
    %dma_wait3A_647 = tpu.memref_squeeze %dma_wait3A_646 : memref<1x32xf32, #tpu.memory_space<vmem>> -> memref<32xf32, #tpu.memory_space<vmem>>
    %dma_wait3A_648 = arith.constant 0 : i32
    %dma_wait3A_649 = tpu.memref_slice %arg2[%squeeze3A_162, %dma_wait3A_648] : memref<100000x32xf32, #tpu.memory_space<hbm>> -> memref<1x32xf32, #tpu.memory_space<hbm>>
    %dma_wait3A_650 = tpu.memref_squeeze %dma_wait3A_649 : memref<1x32xf32, #tpu.memory_space<hbm>> -> memref<32xf32, #tpu.memory_space<hbm>>
    tpu.wait_dma2 semaphore(%arg7 : memref<!tpu.dma_semaphore, #tpu.memory_space<semaphore_mem>>) src(%dma_wait3A_650 : memref<32xf32, #tpu.memory_space<hbm>>) dst(%dma_wait3A_647 : memref<32xf32, #tpu.memory_space<vmem>>)
    %dma_wait3A_651 = arith.constant 11 : i32
    %dma_wait3A_652 = arith.constant 0 : i32
    %dma_wait3A_653 = tpu.memref_slice %arg6[%dma_wait3A_651, %dma_wait3A_652] : memref<32x32xf32, #tpu.memory_space<vmem>> -> memref<1x32xf32, #tpu.memory_space<vmem>>
    %dma_wait3A_654 = tpu.memref_squeeze %dma_wait3A_653 : memref<1x32xf32, #tpu.memory_space<vmem>> -> memref<32xf32, #tpu.memory_space<vmem>>
    %dma_wait3A_655 = arith.constant 0 : i32
    %dma_wait3A_656 = tpu.memref_slice %arg2[%squeeze3A_177, %dma_wait3A_655] : memref<100000x32xf32, #tpu.memory_space<hbm>> -> memref<1x32xf32, #tpu.memory_space<hbm>>
    %dma_wait3A_657 = tpu.memref_squeeze %dma_wait3A_656 : memref<1x32xf32, #tpu.memory_space<hbm>> -> memref<32xf32, #tpu.memory_space<hbm>>
    %dma_wait3A_658 = arith.constant 0 : i32
    %dma_wait3A_659 = tpu.memref_slice %arg6[%dma_wait3A_651, %dma_wait3A_658] : memref<32x32xf32, #tpu.memory_space<vmem>> -> memref<1x32xf32, #tpu.memory_space<vmem>>
    %dma_wait3A_660 = tpu.memref_squeeze %dma_wait3A_659 : memref<1x32xf32, #tpu.memory_space<vmem>> -> memref<32xf32, #tpu.memory_space<vmem>>
    %dma_wait3A_661 = arith.constant 0 : i32
    %dma_wait3A_662 = tpu.memref_slice %arg2[%squeeze3A_177, %dma_wait3A_661] : memref<100000x32xf32, #tpu.memory_space<hbm>> -> memref<1x32xf32, #tpu.memory_space<hbm>>
    %dma_wait3A_663 = tpu.memref_squeeze %dma_wait3A_662 : memref<1x32xf32, #tpu.memory_space<hbm>> -> memref<32xf32, #tpu.memory_space<hbm>>
    tpu.wait_dma2 semaphore(%arg7 : memref<!tpu.dma_semaphore, #tpu.memory_space<semaphore_mem>>) src(%dma_wait3A_663 : memref<32xf32, #tpu.memory_space<hbm>>) dst(%dma_wait3A_660 : memref<32xf32, #tpu.memory_space<vmem>>)
    %dma_wait3A_664 = arith.constant 12 : i32
    %dma_wait3A_665 = arith.constant 0 : i32
    %dma_wait3A_666 = tpu.memref_slice %arg6[%dma_wait3A_664, %dma_wait3A_665] : memref<32x32xf32, #tpu.memory_space<vmem>> -> memref<1x32xf32, #tpu.memory_space<vmem>>
    %dma_wait3A_667 = tpu.memref_squeeze %dma_wait3A_666 : memref<1x32xf32, #tpu.memory_space<vmem>> -> memref<32xf32, #tpu.memory_space<vmem>>
    %dma_wait3A_668 = arith.constant 0 : i32
    %dma_wait3A_669 = tpu.memref_slice %arg2[%squeeze3A_192, %dma_wait3A_668] : memref<100000x32xf32, #tpu.memory_space<hbm>> -> memref<1x32xf32, #tpu.memory_space<hbm>>
    %dma_wait3A_670 = tpu.memref_squeeze %dma_wait3A_669 : memref<1x32xf32, #tpu.memory_space<hbm>> -> memref<32xf32, #tpu.memory_space<hbm>>
    %dma_wait3A_671 = arith.constant 0 : i32
    %dma_wait3A_672 = tpu.memref_slice %arg6[%dma_wait3A_664, %dma_wait3A_671] : memref<32x32xf32, #tpu.memory_space<vmem>> -> memref<1x32xf32, #tpu.memory_space<vmem>>
    %dma_wait3A_673 = tpu.memref_squeeze %dma_wait3A_672 : memref<1x32xf32, #tpu.memory_space<vmem>> -> memref<32xf32, #tpu.memory_space<vmem>>
    %dma_wait3A_674 = arith.constant 0 : i32
    %dma_wait3A_675 = tpu.memref_slice %arg2[%squeeze3A_192, %dma_wait3A_674] : memref<100000x32xf32, #tpu.memory_space<hbm>> -> memref<1x32xf32, #tpu.memory_space<hbm>>
    %dma_wait3A_676 = tpu.memref_squeeze %dma_wait3A_675 : memref<1x32xf32, #tpu.memory_space<hbm>> -> memref<32xf32, #tpu.memory_space<hbm>>
    tpu.wait_dma2 semaphore(%arg7 : memref<!tpu.dma_semaphore, #tpu.memory_space<semaphore_mem>>) src(%dma_wait3A_676 : memref<32xf32, #tpu.memory_space<hbm>>) dst(%dma_wait3A_673 : memref<32xf32, #tpu.memory_space<vmem>>)
    %dma_wait3A_677 = arith.constant 13 : i32
    %dma_wait3A_678 = arith.constant 0 : i32
    %dma_wait3A_679 = tpu.memref_slice %arg6[%dma_wait3A_677, %dma_wait3A_678] : memref<32x32xf32, #tpu.memory_space<vmem>> -> memref<1x32xf32, #tpu.memory_space<vmem>>
    %dma_wait3A_680 = tpu.memref_squeeze %dma_wait3A_679 : memref<1x32xf32, #tpu.memory_space<vmem>> -> memref<32xf32, #tpu.memory_space<vmem>>
    %dma_wait3A_681 = arith.constant 0 : i32
    %dma_wait3A_682 = tpu.memref_slice %arg2[%squeeze3A_207, %dma_wait3A_681] : memref<100000x32xf32, #tpu.memory_space<hbm>> -> memref<1x32xf32, #tpu.memory_space<hbm>>
    %dma_wait3A_683 = tpu.memref_squeeze %dma_wait3A_682 : memref<1x32xf32, #tpu.memory_space<hbm>> -> memref<32xf32, #tpu.memory_space<hbm>>
    %dma_wait3A_684 = arith.constant 0 : i32
    %dma_wait3A_685 = tpu.memref_slice %arg6[%dma_wait3A_677, %dma_wait3A_684] : memref<32x32xf32, #tpu.memory_space<vmem>> -> memref<1x32xf32, #tpu.memory_space<vmem>>
    %dma_wait3A_686 = tpu.memref_squeeze %dma_wait3A_685 : memref<1x32xf32, #tpu.memory_space<vmem>> -> memref<32xf32, #tpu.memory_space<vmem>>
    %dma_wait3A_687 = arith.constant 0 : i32
    %dma_wait3A_688 = tpu.memref_slice %arg2[%squeeze3A_207, %dma_wait3A_687] : memref<100000x32xf32, #tpu.memory_space<hbm>> -> memref<1x32xf32, #tpu.memory_space<hbm>>
    %dma_wait3A_689 = tpu.memref_squeeze %dma_wait3A_688 : memref<1x32xf32, #tpu.memory_space<hbm>> -> memref<32xf32, #tpu.memory_space<hbm>>
    tpu.wait_dma2 semaphore(%arg7 : memref<!tpu.dma_semaphore, #tpu.memory_space<semaphore_mem>>) src(%dma_wait3A_689 : memref<32xf32, #tpu.memory_space<hbm>>) dst(%dma_wait3A_686 : memref<32xf32, #tpu.memory_space<vmem>>)
    %dma_wait3A_690 = arith.constant 14 : i32
    %dma_wait3A_691 = arith.constant 0 : i32
    %dma_wait3A_692 = tpu.memref_slice %arg6[%dma_wait3A_690, %dma_wait3A_691] : memref<32x32xf32, #tpu.memory_space<vmem>> -> memref<1x32xf32, #tpu.memory_space<vmem>>
    %dma_wait3A_693 = tpu.memref_squeeze %dma_wait3A_692 : memref<1x32xf32, #tpu.memory_space<vmem>> -> memref<32xf32, #tpu.memory_space<vmem>>
    %dma_wait3A_694 = arith.constant 0 : i32
    %dma_wait3A_695 = tpu.memref_slice %arg2[%squeeze3A_222, %dma_wait3A_694] : memref<100000x32xf32, #tpu.memory_space<hbm>> -> memref<1x32xf32, #tpu.memory_space<hbm>>
    %dma_wait3A_696 = tpu.memref_squeeze %dma_wait3A_695 : memref<1x32xf32, #tpu.memory_space<hbm>> -> memref<32xf32, #tpu.memory_space<hbm>>
    %dma_wait3A_697 = arith.constant 0 : i32
    %dma_wait3A_698 = tpu.memref_slice %arg6[%dma_wait3A_690, %dma_wait3A_697] : memref<32x32xf32, #tpu.memory_space<vmem>> -> memref<1x32xf32, #tpu.memory_space<vmem>>
    %dma_wait3A_699 = tpu.memref_squeeze %dma_wait3A_698 : memref<1x32xf32, #tpu.memory_space<vmem>> -> memref<32xf32, #tpu.memory_space<vmem>>
    %dma_wait3A_700 = arith.constant 0 : i32
    %dma_wait3A_701 = tpu.memref_slice %arg2[%squeeze3A_222, %dma_wait3A_700] : memref<100000x32xf32, #tpu.memory_space<hbm>> -> memref<1x32xf32, #tpu.memory_space<hbm>>
    %dma_wait3A_702 = tpu.memref_squeeze %dma_wait3A_701 : memref<1x32xf32, #tpu.memory_space<hbm>> -> memref<32xf32, #tpu.memory_space<hbm>>
    tpu.wait_dma2 semaphore(%arg7 : memref<!tpu.dma_semaphore, #tpu.memory_space<semaphore_mem>>) src(%dma_wait3A_702 : memref<32xf32, #tpu.memory_space<hbm>>) dst(%dma_wait3A_699 : memref<32xf32, #tpu.memory_space<vmem>>)
    %dma_wait3A_703 = arith.constant 15 : i32
    %dma_wait3A_704 = arith.constant 0 : i32
    %dma_wait3A_705 = tpu.memref_slice %arg6[%dma_wait3A_703, %dma_wait3A_704] : memref<32x32xf32, #tpu.memory_space<vmem>> -> memref<1x32xf32, #tpu.memory_space<vmem>>
    %dma_wait3A_706 = tpu.memref_squeeze %dma_wait3A_705 : memref<1x32xf32, #tpu.memory_space<vmem>> -> memref<32xf32, #tpu.memory_space<vmem>>
    %dma_wait3A_707 = arith.constant 0 : i32
    %dma_wait3A_708 = tpu.memref_slice %arg2[%squeeze3A_237, %dma_wait3A_707] : memref<100000x32xf32, #tpu.memory_space<hbm>> -> memref<1x32xf32, #tpu.memory_space<hbm>>
    %dma_wait3A_709 = tpu.memref_squeeze %dma_wait3A_708 : memref<1x32xf32, #tpu.memory_space<hbm>> -> memref<32xf32, #tpu.memory_space<hbm>>
    %dma_wait3A_710 = arith.constant 0 : i32
    %dma_wait3A_711 = tpu.memref_slice %arg6[%dma_wait3A_703, %dma_wait3A_710] : memref<32x32xf32, #tpu.memory_space<vmem>> -> memref<1x32xf32, #tpu.memory_space<vmem>>
    %dma_wait3A_712 = tpu.memref_squeeze %dma_wait3A_711 : memref<1x32xf32, #tpu.memory_space<vmem>> -> memref<32xf32, #tpu.memory_space<vmem>>
    %dma_wait3A_713 = arith.constant 0 : i32
    %dma_wait3A_714 = tpu.memref_slice %arg2[%squeeze3A_237, %dma_wait3A_713] : memref<100000x32xf32, #tpu.memory_space<hbm>> -> memref<1x32xf32, #tpu.memory_space<hbm>>
    %dma_wait3A_715 = tpu.memref_squeeze %dma_wait3A_714 : memref<1x32xf32, #tpu.memory_space<hbm>> -> memref<32xf32, #tpu.memory_space<hbm>>
    tpu.wait_dma2 semaphore(%arg7 : memref<!tpu.dma_semaphore, #tpu.memory_space<semaphore_mem>>) src(%dma_wait3A_715 : memref<32xf32, #tpu.memory_space<hbm>>) dst(%dma_wait3A_712 : memref<32xf32, #tpu.memory_space<vmem>>)
    %dma_wait3A_716 = arith.constant 16 : i32
    %dma_wait3A_717 = arith.constant 0 : i32
    %dma_wait3A_718 = tpu.memref_slice %arg6[%dma_wait3A_716, %dma_wait3A_717] : memref<32x32xf32, #tpu.memory_space<vmem>> -> memref<1x32xf32, #tpu.memory_space<vmem>>
    %dma_wait3A_719 = tpu.memref_squeeze %dma_wait3A_718 : memref<1x32xf32, #tpu.memory_space<vmem>> -> memref<32xf32, #tpu.memory_space<vmem>>
    %dma_wait3A_720 = arith.constant 0 : i32
    %dma_wait3A_721 = tpu.memref_slice %arg2[%squeeze3A_270, %dma_wait3A_720] : memref<100000x32xf32, #tpu.memory_space<hbm>> -> memref<1x32xf32, #tpu.memory_space<hbm>>
    %dma_wait3A_722 = tpu.memref_squeeze %dma_wait3A_721 : memref<1x32xf32, #tpu.memory_space<hbm>> -> memref<32xf32, #tpu.memory_space<hbm>>
    %dma_wait3A_723 = arith.constant 0 : i32
    %dma_wait3A_724 = tpu.memref_slice %arg6[%dma_wait3A_716, %dma_wait3A_723] : memref<32x32xf32, #tpu.memory_space<vmem>> -> memref<1x32xf32, #tpu.memory_space<vmem>>
    %dma_wait3A_725 = tpu.memref_squeeze %dma_wait3A_724 : memref<1x32xf32, #tpu.memory_space<vmem>> -> memref<32xf32, #tpu.memory_space<vmem>>
    %dma_wait3A_726 = arith.constant 0 : i32
    %dma_wait3A_727 = tpu.memref_slice %arg2[%squeeze3A_270, %dma_wait3A_726] : memref<100000x32xf32, #tpu.memory_space<hbm>> -> memref<1x32xf32, #tpu.memory_space<hbm>>
    %dma_wait3A_728 = tpu.memref_squeeze %dma_wait3A_727 : memref<1x32xf32, #tpu.memory_space<hbm>> -> memref<32xf32, #tpu.memory_space<hbm>>
    tpu.wait_dma2 semaphore(%arg7 : memref<!tpu.dma_semaphore, #tpu.memory_space<semaphore_mem>>) src(%dma_wait3A_728 : memref<32xf32, #tpu.memory_space<hbm>>) dst(%dma_wait3A_725 : memref<32xf32, #tpu.memory_space<vmem>>)
    %dma_wait3A_729 = arith.constant 17 : i32
    %dma_wait3A_730 = arith.constant 0 : i32
    %dma_wait3A_731 = tpu.memref_slice %arg6[%dma_wait3A_729, %dma_wait3A_730] : memref<32x32xf32, #tpu.memory_space<vmem>> -> memref<1x32xf32, #tpu.memory_space<vmem>>
    %dma_wait3A_732 = tpu.memref_squeeze %dma_wait3A_731 : memref<1x32xf32, #tpu.memory_space<vmem>> -> memref<32xf32, #tpu.memory_space<vmem>>
    %dma_wait3A_733 = arith.constant 0 : i32
    %dma_wait3A_734 = tpu.memref_slice %arg2[%squeeze3A_285, %dma_wait3A_733] : memref<100000x32xf32, #tpu.memory_space<hbm>> -> memref<1x32xf32, #tpu.memory_space<hbm>>
    %dma_wait3A_735 = tpu.memref_squeeze %dma_wait3A_734 : memref<1x32xf32, #tpu.memory_space<hbm>> -> memref<32xf32, #tpu.memory_space<hbm>>
    %dma_wait3A_736 = arith.constant 0 : i32
    %dma_wait3A_737 = tpu.memref_slice %arg6[%dma_wait3A_729, %dma_wait3A_736] : memref<32x32xf32, #tpu.memory_space<vmem>> -> memref<1x32xf32, #tpu.memory_space<vmem>>
    %dma_wait3A_738 = tpu.memref_squeeze %dma_wait3A_737 : memref<1x32xf32, #tpu.memory_space<vmem>> -> memref<32xf32, #tpu.memory_space<vmem>>
    %dma_wait3A_739 = arith.constant 0 : i32
    %dma_wait3A_740 = tpu.memref_slice %arg2[%squeeze3A_285, %dma_wait3A_739] : memref<100000x32xf32, #tpu.memory_space<hbm>> -> memref<1x32xf32, #tpu.memory_space<hbm>>
    %dma_wait3A_741 = tpu.memref_squeeze %dma_wait3A_740 : memref<1x32xf32, #tpu.memory_space<hbm>> -> memref<32xf32, #tpu.memory_space<hbm>>
    tpu.wait_dma2 semaphore(%arg7 : memref<!tpu.dma_semaphore, #tpu.memory_space<semaphore_mem>>) src(%dma_wait3A_741 : memref<32xf32, #tpu.memory_space<hbm>>) dst(%dma_wait3A_738 : memref<32xf32, #tpu.memory_space<vmem>>)
    %dma_wait3A_742 = arith.constant 18 : i32
    %dma_wait3A_743 = arith.constant 0 : i32
    %dma_wait3A_744 = tpu.memref_slice %arg6[%dma_wait3A_742, %dma_wait3A_743] : memref<32x32xf32, #tpu.memory_space<vmem>> -> memref<1x32xf32, #tpu.memory_space<vmem>>
    %dma_wait3A_745 = tpu.memref_squeeze %dma_wait3A_744 : memref<1x32xf32, #tpu.memory_space<vmem>> -> memref<32xf32, #tpu.memory_space<vmem>>
    %dma_wait3A_746 = arith.constant 0 : i32
    %dma_wait3A_747 = tpu.memref_slice %arg2[%squeeze3A_300, %dma_wait3A_746] : memref<100000x32xf32, #tpu.memory_space<hbm>> -> memref<1x32xf32, #tpu.memory_space<hbm>>
    %dma_wait3A_748 = tpu.memref_squeeze %dma_wait3A_747 : memref<1x32xf32, #tpu.memory_space<hbm>> -> memref<32xf32, #tpu.memory_space<hbm>>
    %dma_wait3A_749 = arith.constant 0 : i32
    %dma_wait3A_750 = tpu.memref_slice %arg6[%dma_wait3A_742, %dma_wait3A_749] : memref<32x32xf32, #tpu.memory_space<vmem>> -> memref<1x32xf32, #tpu.memory_space<vmem>>
    %dma_wait3A_751 = tpu.memref_squeeze %dma_wait3A_750 : memref<1x32xf32, #tpu.memory_space<vmem>> -> memref<32xf32, #tpu.memory_space<vmem>>
    %dma_wait3A_752 = arith.constant 0 : i32
    %dma_wait3A_753 = tpu.memref_slice %arg2[%squeeze3A_300, %dma_wait3A_752] : memref<100000x32xf32, #tpu.memory_space<hbm>> -> memref<1x32xf32, #tpu.memory_space<hbm>>
    %dma_wait3A_754 = tpu.memref_squeeze %dma_wait3A_753 : memref<1x32xf32, #tpu.memory_space<hbm>> -> memref<32xf32, #tpu.memory_space<hbm>>
    tpu.wait_dma2 semaphore(%arg7 : memref<!tpu.dma_semaphore, #tpu.memory_space<semaphore_mem>>) src(%dma_wait3A_754 : memref<32xf32, #tpu.memory_space<hbm>>) dst(%dma_wait3A_751 : memref<32xf32, #tpu.memory_space<vmem>>)
    %dma_wait3A_755 = arith.constant 19 : i32
    %dma_wait3A_756 = arith.constant 0 : i32
    %dma_wait3A_757 = tpu.memref_slice %arg6[%dma_wait3A_755, %dma_wait3A_756] : memref<32x32xf32, #tpu.memory_space<vmem>> -> memref<1x32xf32, #tpu.memory_space<vmem>>
    %dma_wait3A_758 = tpu.memref_squeeze %dma_wait3A_757 : memref<1x32xf32, #tpu.memory_space<vmem>> -> memref<32xf32, #tpu.memory_space<vmem>>
    %dma_wait3A_759 = arith.constant 0 : i32
    %dma_wait3A_760 = tpu.memref_slice %arg2[%squeeze3A_315, %dma_wait3A_759] : memref<100000x32xf32, #tpu.memory_space<hbm>> -> memref<1x32xf32, #tpu.memory_space<hbm>>
    %dma_wait3A_761 = tpu.memref_squeeze %dma_wait3A_760 : memref<1x32xf32, #tpu.memory_space<hbm>> -> memref<32xf32, #tpu.memory_space<hbm>>
    %dma_wait3A_762 = arith.constant 0 : i32
    %dma_wait3A_763 = tpu.memref_slice %arg6[%dma_wait3A_755, %dma_wait3A_762] : memref<32x32xf32, #tpu.memory_space<vmem>> -> memref<1x32xf32, #tpu.memory_space<vmem>>
    %dma_wait3A_764 = tpu.memref_squeeze %dma_wait3A_763 : memref<1x32xf32, #tpu.memory_space<vmem>> -> memref<32xf32, #tpu.memory_space<vmem>>
    %dma_wait3A_765 = arith.constant 0 : i32
    %dma_wait3A_766 = tpu.memref_slice %arg2[%squeeze3A_315, %dma_wait3A_765] : memref<100000x32xf32, #tpu.memory_space<hbm>> -> memref<1x32xf32, #tpu.memory_space<hbm>>
    %dma_wait3A_767 = tpu.memref_squeeze %dma_wait3A_766 : memref<1x32xf32, #tpu.memory_space<hbm>> -> memref<32xf32, #tpu.memory_space<hbm>>
    tpu.wait_dma2 semaphore(%arg7 : memref<!tpu.dma_semaphore, #tpu.memory_space<semaphore_mem>>) src(%dma_wait3A_767 : memref<32xf32, #tpu.memory_space<hbm>>) dst(%dma_wait3A_764 : memref<32xf32, #tpu.memory_space<vmem>>)
    %dma_wait3A_768 = arith.constant 20 : i32
    %dma_wait3A_769 = arith.constant 0 : i32
    %dma_wait3A_770 = tpu.memref_slice %arg6[%dma_wait3A_768, %dma_wait3A_769] : memref<32x32xf32, #tpu.memory_space<vmem>> -> memref<1x32xf32, #tpu.memory_space<vmem>>
    %dma_wait3A_771 = tpu.memref_squeeze %dma_wait3A_770 : memref<1x32xf32, #tpu.memory_space<vmem>> -> memref<32xf32, #tpu.memory_space<vmem>>
    %dma_wait3A_772 = arith.constant 0 : i32
    %dma_wait3A_773 = tpu.memref_slice %arg2[%squeeze3A_330, %dma_wait3A_772] : memref<100000x32xf32, #tpu.memory_space<hbm>> -> memref<1x32xf32, #tpu.memory_space<hbm>>
    %dma_wait3A_774 = tpu.memref_squeeze %dma_wait3A_773 : memref<1x32xf32, #tpu.memory_space<hbm>> -> memref<32xf32, #tpu.memory_space<hbm>>
    %dma_wait3A_775 = arith.constant 0 : i32
    %dma_wait3A_776 = tpu.memref_slice %arg6[%dma_wait3A_768, %dma_wait3A_775] : memref<32x32xf32, #tpu.memory_space<vmem>> -> memref<1x32xf32, #tpu.memory_space<vmem>>
    %dma_wait3A_777 = tpu.memref_squeeze %dma_wait3A_776 : memref<1x32xf32, #tpu.memory_space<vmem>> -> memref<32xf32, #tpu.memory_space<vmem>>
    %dma_wait3A_778 = arith.constant 0 : i32
    %dma_wait3A_779 = tpu.memref_slice %arg2[%squeeze3A_330, %dma_wait3A_778] : memref<100000x32xf32, #tpu.memory_space<hbm>> -> memref<1x32xf32, #tpu.memory_space<hbm>>
    %dma_wait3A_780 = tpu.memref_squeeze %dma_wait3A_779 : memref<1x32xf32, #tpu.memory_space<hbm>> -> memref<32xf32, #tpu.memory_space<hbm>>
    tpu.wait_dma2 semaphore(%arg7 : memref<!tpu.dma_semaphore, #tpu.memory_space<semaphore_mem>>) src(%dma_wait3A_780 : memref<32xf32, #tpu.memory_space<hbm>>) dst(%dma_wait3A_777 : memref<32xf32, #tpu.memory_space<vmem>>)
    %dma_wait3A_781 = arith.constant 21 : i32
    %dma_wait3A_782 = arith.constant 0 : i32
    %dma_wait3A_783 = tpu.memref_slice %arg6[%dma_wait3A_781, %dma_wait3A_782] : memref<32x32xf32, #tpu.memory_space<vmem>> -> memref<1x32xf32, #tpu.memory_space<vmem>>
    %dma_wait3A_784 = tpu.memref_squeeze %dma_wait3A_783 : memref<1x32xf32, #tpu.memory_space<vmem>> -> memref<32xf32, #tpu.memory_space<vmem>>
    %dma_wait3A_785 = arith.constant 0 : i32
    %dma_wait3A_786 = tpu.memref_slice %arg2[%squeeze3A_345, %dma_wait3A_785] : memref<100000x32xf32, #tpu.memory_space<hbm>> -> memref<1x32xf32, #tpu.memory_space<hbm>>
    %dma_wait3A_787 = tpu.memref_squeeze %dma_wait3A_786 : memref<1x32xf32, #tpu.memory_space<hbm>> -> memref<32xf32, #tpu.memory_space<hbm>>
    %dma_wait3A_788 = arith.constant 0 : i32
    %dma_wait3A_789 = tpu.memref_slice %arg6[%dma_wait3A_781, %dma_wait3A_788] : memref<32x32xf32, #tpu.memory_space<vmem>> -> memref<1x32xf32, #tpu.memory_space<vmem>>
    %dma_wait3A_790 = tpu.memref_squeeze %dma_wait3A_789 : memref<1x32xf32, #tpu.memory_space<vmem>> -> memref<32xf32, #tpu.memory_space<vmem>>
    %dma_wait3A_791 = arith.constant 0 : i32
    %dma_wait3A_792 = tpu.memref_slice %arg2[%squeeze3A_345, %dma_wait3A_791] : memref<100000x32xf32, #tpu.memory_space<hbm>> -> memref<1x32xf32, #tpu.memory_space<hbm>>
    %dma_wait3A_793 = tpu.memref_squeeze %dma_wait3A_792 : memref<1x32xf32, #tpu.memory_space<hbm>> -> memref<32xf32, #tpu.memory_space<hbm>>
    tpu.wait_dma2 semaphore(%arg7 : memref<!tpu.dma_semaphore, #tpu.memory_space<semaphore_mem>>) src(%dma_wait3A_793 : memref<32xf32, #tpu.memory_space<hbm>>) dst(%dma_wait3A_790 : memref<32xf32, #tpu.memory_space<vmem>>)
    %dma_wait3A_794 = arith.constant 22 : i32
    %dma_wait3A_795 = arith.constant 0 : i32
    %dma_wait3A_796 = tpu.memref_slice %arg6[%dma_wait3A_794, %dma_wait3A_795] : memref<32x32xf32, #tpu.memory_space<vmem>> -> memref<1x32xf32, #tpu.memory_space<vmem>>
    %dma_wait3A_797 = tpu.memref_squeeze %dma_wait3A_796 : memref<1x32xf32, #tpu.memory_space<vmem>> -> memref<32xf32, #tpu.memory_space<vmem>>
    %dma_wait3A_798 = arith.constant 0 : i32
    %dma_wait3A_799 = tpu.memref_slice %arg2[%squeeze3A_360, %dma_wait3A_798] : memref<100000x32xf32, #tpu.memory_space<hbm>> -> memref<1x32xf32, #tpu.memory_space<hbm>>
    %dma_wait3A_800 = tpu.memref_squeeze %dma_wait3A_799 : memref<1x32xf32, #tpu.memory_space<hbm>> -> memref<32xf32, #tpu.memory_space<hbm>>
    %dma_wait3A_801 = arith.constant 0 : i32
    %dma_wait3A_802 = tpu.memref_slice %arg6[%dma_wait3A_794, %dma_wait3A_801] : memref<32x32xf32, #tpu.memory_space<vmem>> -> memref<1x32xf32, #tpu.memory_space<vmem>>
    %dma_wait3A_803 = tpu.memref_squeeze %dma_wait3A_802 : memref<1x32xf32, #tpu.memory_space<vmem>> -> memref<32xf32, #tpu.memory_space<vmem>>
    %dma_wait3A_804 = arith.constant 0 : i32
    %dma_wait3A_805 = tpu.memref_slice %arg2[%squeeze3A_360, %dma_wait3A_804] : memref<100000x32xf32, #tpu.memory_space<hbm>> -> memref<1x32xf32, #tpu.memory_space<hbm>>
    %dma_wait3A_806 = tpu.memref_squeeze %dma_wait3A_805 : memref<1x32xf32, #tpu.memory_space<hbm>> -> memref<32xf32, #tpu.memory_space<hbm>>
    tpu.wait_dma2 semaphore(%arg7 : memref<!tpu.dma_semaphore, #tpu.memory_space<semaphore_mem>>) src(%dma_wait3A_806 : memref<32xf32, #tpu.memory_space<hbm>>) dst(%dma_wait3A_803 : memref<32xf32, #tpu.memory_space<vmem>>)
    %dma_wait3A_807 = arith.constant 23 : i32
    %dma_wait3A_808 = arith.constant 0 : i32
    %dma_wait3A_809 = tpu.memref_slice %arg6[%dma_wait3A_807, %dma_wait3A_808] : memref<32x32xf32, #tpu.memory_space<vmem>> -> memref<1x32xf32, #tpu.memory_space<vmem>>
    %dma_wait3A_810 = tpu.memref_squeeze %dma_wait3A_809 : memref<1x32xf32, #tpu.memory_space<vmem>> -> memref<32xf32, #tpu.memory_space<vmem>>
    %dma_wait3A_811 = arith.constant 0 : i32
    %dma_wait3A_812 = tpu.memref_slice %arg2[%squeeze3A_375, %dma_wait3A_811] : memref<100000x32xf32, #tpu.memory_space<hbm>> -> memref<1x32xf32, #tpu.memory_space<hbm>>
    %dma_wait3A_813 = tpu.memref_squeeze %dma_wait3A_812 : memref<1x32xf32, #tpu.memory_space<hbm>> -> memref<32xf32, #tpu.memory_space<hbm>>
    %dma_wait3A_814 = arith.constant 0 : i32
    %dma_wait3A_815 = tpu.memref_slice %arg6[%dma_wait3A_807, %dma_wait3A_814] : memref<32x32xf32, #tpu.memory_space<vmem>> -> memref<1x32xf32, #tpu.memory_space<vmem>>
    %dma_wait3A_816 = tpu.memref_squeeze %dma_wait3A_815 : memref<1x32xf32, #tpu.memory_space<vmem>> -> memref<32xf32, #tpu.memory_space<vmem>>
    %dma_wait3A_817 = arith.constant 0 : i32
    %dma_wait3A_818 = tpu.memref_slice %arg2[%squeeze3A_375, %dma_wait3A_817] : memref<100000x32xf32, #tpu.memory_space<hbm>> -> memref<1x32xf32, #tpu.memory_space<hbm>>
    %dma_wait3A_819 = tpu.memref_squeeze %dma_wait3A_818 : memref<1x32xf32, #tpu.memory_space<hbm>> -> memref<32xf32, #tpu.memory_space<hbm>>
    tpu.wait_dma2 semaphore(%arg7 : memref<!tpu.dma_semaphore, #tpu.memory_space<semaphore_mem>>) src(%dma_wait3A_819 : memref<32xf32, #tpu.memory_space<hbm>>) dst(%dma_wait3A_816 : memref<32xf32, #tpu.memory_space<vmem>>)
    %dma_wait3A_820 = arith.constant 24 : i32
    %dma_wait3A_821 = arith.constant 0 : i32
    %dma_wait3A_822 = tpu.memref_slice %arg6[%dma_wait3A_820, %dma_wait3A_821] : memref<32x32xf32, #tpu.memory_space<vmem>> -> memref<1x32xf32, #tpu.memory_space<vmem>>
    %dma_wait3A_823 = tpu.memref_squeeze %dma_wait3A_822 : memref<1x32xf32, #tpu.memory_space<vmem>> -> memref<32xf32, #tpu.memory_space<vmem>>
    %dma_wait3A_824 = arith.constant 0 : i32
    %dma_wait3A_825 = tpu.memref_slice %arg2[%squeeze3A_390, %dma_wait3A_824] : memref<100000x32xf32, #tpu.memory_space<hbm>> -> memref<1x32xf32, #tpu.memory_space<hbm>>
    %dma_wait3A_826 = tpu.memref_squeeze %dma_wait3A_825 : memref<1x32xf32, #tpu.memory_space<hbm>> -> memref<32xf32, #tpu.memory_space<hbm>>
    %dma_wait3A_827 = arith.constant 0 : i32
    %dma_wait3A_828 = tpu.memref_slice %arg6[%dma_wait3A_820, %dma_wait3A_827] : memref<32x32xf32, #tpu.memory_space<vmem>> -> memref<1x32xf32, #tpu.memory_space<vmem>>
    %dma_wait3A_829 = tpu.memref_squeeze %dma_wait3A_828 : memref<1x32xf32, #tpu.memory_space<vmem>> -> memref<32xf32, #tpu.memory_space<vmem>>
    %dma_wait3A_830 = arith.constant 0 : i32
    %dma_wait3A_831 = tpu.memref_slice %arg2[%squeeze3A_390, %dma_wait3A_830] : memref<100000x32xf32, #tpu.memory_space<hbm>> -> memref<1x32xf32, #tpu.memory_space<hbm>>
    %dma_wait3A_832 = tpu.memref_squeeze %dma_wait3A_831 : memref<1x32xf32, #tpu.memory_space<hbm>> -> memref<32xf32, #tpu.memory_space<hbm>>
    tpu.wait_dma2 semaphore(%arg7 : memref<!tpu.dma_semaphore, #tpu.memory_space<semaphore_mem>>) src(%dma_wait3A_832 : memref<32xf32, #tpu.memory_space<hbm>>) dst(%dma_wait3A_829 : memref<32xf32, #tpu.memory_space<vmem>>)
    %dma_wait3A_833 = arith.constant 25 : i32
    %dma_wait3A_834 = arith.constant 0 : i32
    %dma_wait3A_835 = tpu.memref_slice %arg6[%dma_wait3A_833, %dma_wait3A_834] : memref<32x32xf32, #tpu.memory_space<vmem>> -> memref<1x32xf32, #tpu.memory_space<vmem>>
    %dma_wait3A_836 = tpu.memref_squeeze %dma_wait3A_835 : memref<1x32xf32, #tpu.memory_space<vmem>> -> memref<32xf32, #tpu.memory_space<vmem>>
    %dma_wait3A_837 = arith.constant 0 : i32
    %dma_wait3A_838 = tpu.memref_slice %arg2[%squeeze3A_405, %dma_wait3A_837] : memref<100000x32xf32, #tpu.memory_space<hbm>> -> memref<1x32xf32, #tpu.memory_space<hbm>>
    %dma_wait3A_839 = tpu.memref_squeeze %dma_wait3A_838 : memref<1x32xf32, #tpu.memory_space<hbm>> -> memref<32xf32, #tpu.memory_space<hbm>>
    %dma_wait3A_840 = arith.constant 0 : i32
    %dma_wait3A_841 = tpu.memref_slice %arg6[%dma_wait3A_833, %dma_wait3A_840] : memref<32x32xf32, #tpu.memory_space<vmem>> -> memref<1x32xf32, #tpu.memory_space<vmem>>
    %dma_wait3A_842 = tpu.memref_squeeze %dma_wait3A_841 : memref<1x32xf32, #tpu.memory_space<vmem>> -> memref<32xf32, #tpu.memory_space<vmem>>
    %dma_wait3A_843 = arith.constant 0 : i32
    %dma_wait3A_844 = tpu.memref_slice %arg2[%squeeze3A_405, %dma_wait3A_843] : memref<100000x32xf32, #tpu.memory_space<hbm>> -> memref<1x32xf32, #tpu.memory_space<hbm>>
    %dma_wait3A_845 = tpu.memref_squeeze %dma_wait3A_844 : memref<1x32xf32, #tpu.memory_space<hbm>> -> memref<32xf32, #tpu.memory_space<hbm>>
    tpu.wait_dma2 semaphore(%arg7 : memref<!tpu.dma_semaphore, #tpu.memory_space<semaphore_mem>>) src(%dma_wait3A_845 : memref<32xf32, #tpu.memory_space<hbm>>) dst(%dma_wait3A_842 : memref<32xf32, #tpu.memory_space<vmem>>)
    %dma_wait3A_846 = arith.constant 26 : i32
    %dma_wait3A_847 = arith.constant 0 : i32
    %dma_wait3A_848 = tpu.memref_slice %arg6[%dma_wait3A_846, %dma_wait3A_847] : memref<32x32xf32, #tpu.memory_space<vmem>> -> memref<1x32xf32, #tpu.memory_space<vmem>>
    %dma_wait3A_849 = tpu.memref_squeeze %dma_wait3A_848 : memref<1x32xf32, #tpu.memory_space<vmem>> -> memref<32xf32, #tpu.memory_space<vmem>>
    %dma_wait3A_850 = arith.constant 0 : i32
    %dma_wait3A_851 = tpu.memref_slice %arg2[%squeeze3A_420, %dma_wait3A_850] : memref<100000x32xf32, #tpu.memory_space<hbm>> -> memref<1x32xf32, #tpu.memory_space<hbm>>
    %dma_wait3A_852 = tpu.memref_squeeze %dma_wait3A_851 : memref<1x32xf32, #tpu.memory_space<hbm>> -> memref<32xf32, #tpu.memory_space<hbm>>
    %dma_wait3A_853 = arith.constant 0 : i32
    %dma_wait3A_854 = tpu.memref_slice %arg6[%dma_wait3A_846, %dma_wait3A_853] : memref<32x32xf32, #tpu.memory_space<vmem>> -> memref<1x32xf32, #tpu.memory_space<vmem>>
    %dma_wait3A_855 = tpu.memref_squeeze %dma_wait3A_854 : memref<1x32xf32, #tpu.memory_space<vmem>> -> memref<32xf32, #tpu.memory_space<vmem>>
    %dma_wait3A_856 = arith.constant 0 : i32
    %dma_wait3A_857 = tpu.memref_slice %arg2[%squeeze3A_420, %dma_wait3A_856] : memref<100000x32xf32, #tpu.memory_space<hbm>> -> memref<1x32xf32, #tpu.memory_space<hbm>>
    %dma_wait3A_858 = tpu.memref_squeeze %dma_wait3A_857 : memref<1x32xf32, #tpu.memory_space<hbm>> -> memref<32xf32, #tpu.memory_space<hbm>>
    tpu.wait_dma2 semaphore(%arg7 : memref<!tpu.dma_semaphore, #tpu.memory_space<semaphore_mem>>) src(%dma_wait3A_858 : memref<32xf32, #tpu.memory_space<hbm>>) dst(%dma_wait3A_855 : memref<32xf32, #tpu.memory_space<vmem>>)
    %dma_wait3A_859 = arith.constant 27 : i32
    %dma_wait3A_860 = arith.constant 0 : i32
    %dma_wait3A_861 = tpu.memref_slice %arg6[%dma_wait3A_859, %dma_wait3A_860] : memref<32x32xf32, #tpu.memory_space<vmem>> -> memref<1x32xf32, #tpu.memory_space<vmem>>
    %dma_wait3A_862 = tpu.memref_squeeze %dma_wait3A_861 : memref<1x32xf32, #tpu.memory_space<vmem>> -> memref<32xf32, #tpu.memory_space<vmem>>
    %dma_wait3A_863 = arith.constant 0 : i32
    %dma_wait3A_864 = tpu.memref_slice %arg2[%squeeze3A_435, %dma_wait3A_863] : memref<100000x32xf32, #tpu.memory_space<hbm>> -> memref<1x32xf32, #tpu.memory_space<hbm>>
    %dma_wait3A_865 = tpu.memref_squeeze %dma_wait3A_864 : memref<1x32xf32, #tpu.memory_space<hbm>> -> memref<32xf32, #tpu.memory_space<hbm>>
    %dma_wait3A_866 = arith.constant 0 : i32
    %dma_wait3A_867 = tpu.memref_slice %arg6[%dma_wait3A_859, %dma_wait3A_866] : memref<32x32xf32, #tpu.memory_space<vmem>> -> memref<1x32xf32, #tpu.memory_space<vmem>>
    %dma_wait3A_868 = tpu.memref_squeeze %dma_wait3A_867 : memref<1x32xf32, #tpu.memory_space<vmem>> -> memref<32xf32, #tpu.memory_space<vmem>>
    %dma_wait3A_869 = arith.constant 0 : i32
    %dma_wait3A_870 = tpu.memref_slice %arg2[%squeeze3A_435, %dma_wait3A_869] : memref<100000x32xf32, #tpu.memory_space<hbm>> -> memref<1x32xf32, #tpu.memory_space<hbm>>
    %dma_wait3A_871 = tpu.memref_squeeze %dma_wait3A_870 : memref<1x32xf32, #tpu.memory_space<hbm>> -> memref<32xf32, #tpu.memory_space<hbm>>
    tpu.wait_dma2 semaphore(%arg7 : memref<!tpu.dma_semaphore, #tpu.memory_space<semaphore_mem>>) src(%dma_wait3A_871 : memref<32xf32, #tpu.memory_space<hbm>>) dst(%dma_wait3A_868 : memref<32xf32, #tpu.memory_space<vmem>>)
    %dma_wait3A_872 = arith.constant 28 : i32
    %dma_wait3A_873 = arith.constant 0 : i32
    %dma_wait3A_874 = tpu.memref_slice %arg6[%dma_wait3A_872, %dma_wait3A_873] : memref<32x32xf32, #tpu.memory_space<vmem>> -> memref<1x32xf32, #tpu.memory_space<vmem>>
    %dma_wait3A_875 = tpu.memref_squeeze %dma_wait3A_874 : memref<1x32xf32, #tpu.memory_space<vmem>> -> memref<32xf32, #tpu.memory_space<vmem>>
    %dma_wait3A_876 = arith.constant 0 : i32
    %dma_wait3A_877 = tpu.memref_slice %arg2[%squeeze3A_450, %dma_wait3A_876] : memref<100000x32xf32, #tpu.memory_space<hbm>> -> memref<1x32xf32, #tpu.memory_space<hbm>>
    %dma_wait3A_878 = tpu.memref_squeeze %dma_wait3A_877 : memref<1x32xf32, #tpu.memory_space<hbm>> -> memref<32xf32, #tpu.memory_space<hbm>>
    %dma_wait3A_879 = arith.constant 0 : i32
    %dma_wait3A_880 = tpu.memref_slice %arg6[%dma_wait3A_872, %dma_wait3A_879] : memref<32x32xf32, #tpu.memory_space<vmem>> -> memref<1x32xf32, #tpu.memory_space<vmem>>
    %dma_wait3A_881 = tpu.memref_squeeze %dma_wait3A_880 : memref<1x32xf32, #tpu.memory_space<vmem>> -> memref<32xf32, #tpu.memory_space<vmem>>
    %dma_wait3A_882 = arith.constant 0 : i32
    %dma_wait3A_883 = tpu.memref_slice %arg2[%squeeze3A_450, %dma_wait3A_882] : memref<100000x32xf32, #tpu.memory_space<hbm>> -> memref<1x32xf32, #tpu.memory_space<hbm>>
    %dma_wait3A_884 = tpu.memref_squeeze %dma_wait3A_883 : memref<1x32xf32, #tpu.memory_space<hbm>> -> memref<32xf32, #tpu.memory_space<hbm>>
    tpu.wait_dma2 semaphore(%arg7 : memref<!tpu.dma_semaphore, #tpu.memory_space<semaphore_mem>>) src(%dma_wait3A_884 : memref<32xf32, #tpu.memory_space<hbm>>) dst(%dma_wait3A_881 : memref<32xf32, #tpu.memory_space<vmem>>)
    %dma_wait3A_885 = arith.constant 29 : i32
    %dma_wait3A_886 = arith.constant 0 : i32
    %dma_wait3A_887 = tpu.memref_slice %arg6[%dma_wait3A_885, %dma_wait3A_886] : memref<32x32xf32, #tpu.memory_space<vmem>> -> memref<1x32xf32, #tpu.memory_space<vmem>>
    %dma_wait3A_888 = tpu.memref_squeeze %dma_wait3A_887 : memref<1x32xf32, #tpu.memory_space<vmem>> -> memref<32xf32, #tpu.memory_space<vmem>>
    %dma_wait3A_889 = arith.constant 0 : i32
    %dma_wait3A_890 = tpu.memref_slice %arg2[%squeeze3A_465, %dma_wait3A_889] : memref<100000x32xf32, #tpu.memory_space<hbm>> -> memref<1x32xf32, #tpu.memory_space<hbm>>
    %dma_wait3A_891 = tpu.memref_squeeze %dma_wait3A_890 : memref<1x32xf32, #tpu.memory_space<hbm>> -> memref<32xf32, #tpu.memory_space<hbm>>
    %dma_wait3A_892 = arith.constant 0 : i32
    %dma_wait3A_893 = tpu.memref_slice %arg6[%dma_wait3A_885, %dma_wait3A_892] : memref<32x32xf32, #tpu.memory_space<vmem>> -> memref<1x32xf32, #tpu.memory_space<vmem>>
    %dma_wait3A_894 = tpu.memref_squeeze %dma_wait3A_893 : memref<1x32xf32, #tpu.memory_space<vmem>> -> memref<32xf32, #tpu.memory_space<vmem>>
    %dma_wait3A_895 = arith.constant 0 : i32
    %dma_wait3A_896 = tpu.memref_slice %arg2[%squeeze3A_465, %dma_wait3A_895] : memref<100000x32xf32, #tpu.memory_space<hbm>> -> memref<1x32xf32, #tpu.memory_space<hbm>>
    %dma_wait3A_897 = tpu.memref_squeeze %dma_wait3A_896 : memref<1x32xf32, #tpu.memory_space<hbm>> -> memref<32xf32, #tpu.memory_space<hbm>>
    tpu.wait_dma2 semaphore(%arg7 : memref<!tpu.dma_semaphore, #tpu.memory_space<semaphore_mem>>) src(%dma_wait3A_897 : memref<32xf32, #tpu.memory_space<hbm>>) dst(%dma_wait3A_894 : memref<32xf32, #tpu.memory_space<vmem>>)
    %dma_wait3A_898 = arith.constant 30 : i32
    %dma_wait3A_899 = arith.constant 0 : i32
    %dma_wait3A_900 = tpu.memref_slice %arg6[%dma_wait3A_898, %dma_wait3A_899] : memref<32x32xf32, #tpu.memory_space<vmem>> -> memref<1x32xf32, #tpu.memory_space<vmem>>
    %dma_wait3A_901 = tpu.memref_squeeze %dma_wait3A_900 : memref<1x32xf32, #tpu.memory_space<vmem>> -> memref<32xf32, #tpu.memory_space<vmem>>
    %dma_wait3A_902 = arith.constant 0 : i32
    %dma_wait3A_903 = tpu.memref_slice %arg2[%squeeze3A_480, %dma_wait3A_902] : memref<100000x32xf32, #tpu.memory_space<hbm>> -> memref<1x32xf32, #tpu.memory_space<hbm>>
    %dma_wait3A_904 = tpu.memref_squeeze %dma_wait3A_903 : memref<1x32xf32, #tpu.memory_space<hbm>> -> memref<32xf32, #tpu.memory_space<hbm>>
    %dma_wait3A_905 = arith.constant 0 : i32
    %dma_wait3A_906 = tpu.memref_slice %arg6[%dma_wait3A_898, %dma_wait3A_905] : memref<32x32xf32, #tpu.memory_space<vmem>> -> memref<1x32xf32, #tpu.memory_space<vmem>>
    %dma_wait3A_907 = tpu.memref_squeeze %dma_wait3A_906 : memref<1x32xf32, #tpu.memory_space<vmem>> -> memref<32xf32, #tpu.memory_space<vmem>>
    %dma_wait3A_908 = arith.constant 0 : i32
    %dma_wait3A_909 = tpu.memref_slice %arg2[%squeeze3A_480, %dma_wait3A_908] : memref<100000x32xf32, #tpu.memory_space<hbm>> -> memref<1x32xf32, #tpu.memory_space<hbm>>
    %dma_wait3A_910 = tpu.memref_squeeze %dma_wait3A_909 : memref<1x32xf32, #tpu.memory_space<hbm>> -> memref<32xf32, #tpu.memory_space<hbm>>
    tpu.wait_dma2 semaphore(%arg7 : memref<!tpu.dma_semaphore, #tpu.memory_space<semaphore_mem>>) src(%dma_wait3A_910 : memref<32xf32, #tpu.memory_space<hbm>>) dst(%dma_wait3A_907 : memref<32xf32, #tpu.memory_space<vmem>>)
    %dma_wait3A_911 = arith.constant 31 : i32
    %dma_wait3A_912 = arith.constant 0 : i32
    %dma_wait3A_913 = tpu.memref_slice %arg6[%dma_wait3A_911, %dma_wait3A_912] : memref<32x32xf32, #tpu.memory_space<vmem>> -> memref<1x32xf32, #tpu.memory_space<vmem>>
    %dma_wait3A_914 = tpu.memref_squeeze %dma_wait3A_913 : memref<1x32xf32, #tpu.memory_space<vmem>> -> memref<32xf32, #tpu.memory_space<vmem>>
    %dma_wait3A_915 = arith.constant 0 : i32
    %dma_wait3A_916 = tpu.memref_slice %arg2[%squeeze3A_495, %dma_wait3A_915] : memref<100000x32xf32, #tpu.memory_space<hbm>> -> memref<1x32xf32, #tpu.memory_space<hbm>>
    %dma_wait3A_917 = tpu.memref_squeeze %dma_wait3A_916 : memref<1x32xf32, #tpu.memory_space<hbm>> -> memref<32xf32, #tpu.memory_space<hbm>>
    %dma_wait3A_918 = arith.constant 0 : i32
    %dma_wait3A_919 = tpu.memref_slice %arg6[%dma_wait3A_911, %dma_wait3A_918] : memref<32x32xf32, #tpu.memory_space<vmem>> -> memref<1x32xf32, #tpu.memory_space<vmem>>
    %dma_wait3A_920 = tpu.memref_squeeze %dma_wait3A_919 : memref<1x32xf32, #tpu.memory_space<vmem>> -> memref<32xf32, #tpu.memory_space<vmem>>
    %dma_wait3A_921 = arith.constant 0 : i32
    %dma_wait3A_922 = tpu.memref_slice %arg2[%squeeze3A_495, %dma_wait3A_921] : memref<100000x32xf32, #tpu.memory_space<hbm>> -> memref<1x32xf32, #tpu.memory_space<hbm>>
    %dma_wait3A_923 = tpu.memref_squeeze %dma_wait3A_922 : memref<1x32xf32, #tpu.memory_space<hbm>> -> memref<32xf32, #tpu.memory_space<hbm>>
    tpu.wait_dma2 semaphore(%arg7 : memref<!tpu.dma_semaphore, #tpu.memory_space<semaphore_mem>>) src(%dma_wait3A_923 : memref<32xf32, #tpu.memory_space<hbm>>) dst(%dma_wait3A_920 : memref<32xf32, #tpu.memory_space<vmem>>)
    "tpu.region"() ({
      %run_scoped3A = tpu.sem_alloc : memref<!tpu.dma_semaphore, #tpu.memory_space<semaphore_mem>>
      %dma_start3A_924 = arith.constant 0 : i32
      %dma_start3A_925 = tpu.memref_slice %arg4[%mul3A_2, %dma_start3A_924] : memref<1024x32xf32, #tpu.memory_space<hbm>> -> memref<32x32xf32, #tpu.memory_space<hbm>>
      %dma_start3A_926 = arith.constant 0 : i32
      %dma_start3A_927 = tpu.memref_slice %arg4[%mul3A_2, %dma_start3A_926] : memref<1024x32xf32, #tpu.memory_space<hbm>> -> memref<32x32xf32, #tpu.memory_space<hbm>>
      tpu.enqueue_dma source(%arg6 : memref<32x32xf32, #tpu.memory_space<vmem>>) target(%dma_start3A_927 : memref<32x32xf32, #tpu.memory_space<hbm>>) target_semaphore(%run_scoped3A : memref<!tpu.dma_semaphore, #tpu.memory_space<semaphore_mem>>)
      %dma_wait3A_928 = arith.constant 0 : i32
      %dma_wait3A_929 = tpu.memref_slice %arg4[%mul3A_2, %dma_wait3A_928] : memref<1024x32xf32, #tpu.memory_space<hbm>> -> memref<32x32xf32, #tpu.memory_space<hbm>>
      %dma_wait3A_930 = arith.constant 0 : i32
      %dma_wait3A_931 = tpu.memref_slice %arg4[%mul3A_2, %dma_wait3A_930] : memref<1024x32xf32, #tpu.memory_space<hbm>> -> memref<32x32xf32, #tpu.memory_space<hbm>>
      tpu.wait_dma2 semaphore(%run_scoped3A : memref<!tpu.dma_semaphore, #tpu.memory_space<semaphore_mem>>) src(%arg6 : memref<32x32xf32, #tpu.memory_space<vmem>>) dst(%dma_wait3A_931 : memref<32x32xf32, #tpu.memory_space<hbm>>)
      tpu.yield
    }) : () -> ()
    return
  }
}

module attributes {stable_mosaic.version = 14 : i64} {
  func.func @_ce_kernel(%arg0: i32, %arg1: memref<1024x32xf32, #tpu.memory_space<vmem>>, %arg2: memref<1x1024xi32, #tpu.memory_space<vmem>>, %arg3: memref<10000x32xf32, #tpu.memory_space<vmem>>, %arg4: memref<1024x32xf32, #tpu.memory_space<vmem>>, %arg5: memref<1x1xf32, #tpu.memory_space<vmem>>, %arg6: memref<1x1024xf32, #tpu.memory_space<vmem>>, %arg7: memref<1x1024xf32, #tpu.memory_space<vmem>>, %arg8: memref<1024x32xf32, #tpu.memory_space<vmem>>) attributes {dimension_semantics = [#tpu.dimension_semantics<arbitrary>], iteration_bounds = array<i64: 10>, scalar_prefetch = 0 : i64, scratch_operands = 3 : i64, tpu.core_type = #tpu.core_type<tc>, window_params = [{pipeline_mode = #tpu.pipeline_mode<synchronous>, transform_indices = @transform_0, window_bounds = array<i64: 1024, 32>}, {pipeline_mode = #tpu.pipeline_mode<synchronous>, transform_indices = @transform_1, window_bounds = array<i64: 1, 1024>}, {transform_indices = @transform_2, window_bounds = array<i64: 10000, 32>}, {pipeline_mode = #tpu.pipeline_mode<synchronous>, transform_indices = @transform_3, window_bounds = array<i64: 1024, 32>}, {pipeline_mode = #tpu.pipeline_mode<synchronous>, transform_indices = @transform_4, window_bounds = array<i64: 1, 1>}]} {
    %eq3A = arith.constant 0 : i32
    %eq3A_0 = arith.cmpi eq, %arg0, %eq3A : i32
    %convert_element_type3A = arith.extui %eq3A_0 : i1 to i32
    %cond3A = arith.constant 0 : i32
    %cond3A_1 = arith.cmpi ne, %convert_element_type3A, %cond3A : i32
    scf.if %cond3A_1 {
      %get3A_23 = arith.constant 0 : index
      %get3A_24 = arith.constant 0 : index
      %get3A_25 = vector.load %arg1[%get3A_23, %get3A_24] : memref<1024x32xf32, #tpu.memory_space<vmem>>, vector<1024x32xf32>
      %mul3A = arith.constant 2.885390e+01 : f32
      %mul3A_26 = vector.broadcast %mul3A : f32 to vector<1024x32xf32>
      %mul3A_27 = arith.mulf %get3A_25, %mul3A_26 : vector<1024x32xf32>
      %swap3A_28 = arith.constant 0 : index
      %swap3A_29 = arith.constant 0 : index
      %swap3A_30 = vector.load %arg8[%swap3A_28, %swap3A_29] : memref<1024x32xf32, #tpu.memory_space<vmem>>, vector<1024x32xf32>
      tpu.vector_store %arg8[%swap3A_28, %swap3A_29], %mul3A_27 {strides = array<i32>} : memref<1024x32xf32, #tpu.memory_space<vmem>>, vector<1024x32xf32>,
      %broadcast_in_dim3A_31 = arith.constant 1.000000e+00 : f32
      %broadcast_in_dim3A_32 = vector.broadcast %broadcast_in_dim3A_31 : f32 to vector<1x32xf32>
      %mul3A_33 = arith.mulf %mul3A_27, %mul3A_27 : vector<1024x32xf32>
      %dot_general3A_34 = arith.constant dense<0.000000e+00> : vector<1x1024xf32>
      %dot_general3A_35 = tpu.matmul %broadcast_in_dim3A_32, %mul3A_33, %dot_general3A_34 {dimension_numbers = #tpu.dot_dimension_numbers<[1], [1], [0], [0], [0, 0, 1, 0], [], []>, transpose_lhs_hint = false} : vector<1x32xf32>, vector<1024x32xf32>, vector<1x1024xf32> -> vector<1x1024xf32>
      %sqrt3A = math.sqrt %dot_general3A_35 : vector<1x1024xf32>
      %swap3A_36 = arith.constant 0 : index
      %swap3A_37 = arith.constant 0 : index
      %swap3A_38 = vector.load %arg6[%swap3A_36, %swap3A_37] : memref<1x1024xf32, #tpu.memory_space<vmem>>, vector<1x1024xf32>
      tpu.vector_store %arg6[%swap3A_36, %swap3A_37], %sqrt3A {strides = array<i32>} : memref<1x1024xf32, #tpu.memory_space<vmem>>, vector<1x1024xf32>,
      %broadcast_in_dim3A_39 = arith.constant 0.000000e+00 : f32
      %broadcast_in_dim3A_40 = vector.broadcast %broadcast_in_dim3A_39 : f32 to vector<1x1024xf32>
      %swap3A_41 = arith.constant 0 : index
      %swap3A_42 = arith.constant 0 : index
      %swap3A_43 = vector.load %arg7[%swap3A_41, %swap3A_42] : memref<1x1024xf32, #tpu.memory_space<vmem>>, vector<1x1024xf32>
      tpu.vector_store %arg7[%swap3A_41, %swap3A_42], %broadcast_in_dim3A_40 {strides = array<i32>} : memref<1x1024xf32, #tpu.memory_space<vmem>>, vector<1x1024xf32>,
    } else {
    }
    %get3A = arith.constant 0 : index
    %get3A_2 = arith.constant 0 : index
    %get3A_3 = vector.load %arg3[%get3A, %get3A_2] : memref<10000x32xf32, #tpu.memory_space<vmem>>, vector<10000x32xf32>
    %get3A_4 = arith.constant 0 : index
    %get3A_5 = arith.constant 0 : index
    %get3A_6 = vector.load %arg8[%get3A_4, %get3A_5] : memref<1024x32xf32, #tpu.memory_space<vmem>>, vector<1024x32xf32>
    %dot_general3A = arith.constant dense<0.000000e+00> : vector<10000x1024xf32>
    %dot_general3A_7 = tpu.matmul %get3A_3, %get3A_6, %dot_general3A {dimension_numbers = #tpu.dot_dimension_numbers<[1], [1], [0], [0], [0, 0, 1, 0], [], []>, transpose_lhs_hint = false} : vector<10000x32xf32>, vector<1024x32xf32>, vector<10000x1024xf32> -> vector<10000x1024xf32>
    %get3A_8 = arith.constant 0 : index
    %get3A_9 = arith.constant 0 : index
    %get3A_10 = vector.load %arg7[%get3A_8, %get3A_9] : memref<1x1024xf32, #tpu.memory_space<vmem>>, vector<1x1024xf32>
    %get3A_11 = arith.constant 0 : index
    %get3A_12 = arith.constant 0 : index
    %get3A_13 = vector.load %arg6[%get3A_11, %get3A_12] : memref<1x1024xf32, #tpu.memory_space<vmem>>, vector<1x1024xf32>
    %sub3A = vector.broadcast %get3A_13 : vector<1x1024xf32> to vector<10000x1024xf32>
    %sub3A_14 = arith.subf %dot_general3A_7, %sub3A : vector<10000x1024xf32>
    %exp23A = math.exp2 %sub3A_14 : vector<10000x1024xf32>
    %reduce_sum3A = arith.constant dense<0.000000e+00> : vector<1024xf32>
    %reduce_sum3A_15 = vector.multi_reduction <add>, %exp23A, %reduce_sum3A [0] : vector<10000x1024xf32> to vector<1024xf32>
    %broadcast_in_dim3A = vector.shape_cast %reduce_sum3A_15 : vector<1024xf32> to vector<1x1024xf32>
    %add3A = arith.addf %get3A_10, %broadcast_in_dim3A : vector<1x1024xf32>
    %swap3A = arith.constant 0 : index
    %swap3A_16 = arith.constant 0 : index
    %swap3A_17 = vector.load %arg7[%swap3A, %swap3A_16] : memref<1x1024xf32, #tpu.memory_space<vmem>>, vector<1x1024xf32>
    tpu.vector_store %arg7[%swap3A, %swap3A_16], %add3A {strides = array<i32>} : memref<1x1024xf32, #tpu.memory_space<vmem>>, vector<1x1024xf32>,
    %eq3A_18 = arith.constant 9 : i32
    %eq3A_19 = arith.cmpi eq, %arg0, %eq3A_18 : i32
    %convert_element_type3A_20 = arith.extui %eq3A_19 : i1 to i32
    %cond3A_21 = arith.constant 0 : i32
    %cond3A_22 = arith.cmpi ne, %convert_element_type3A_20, %cond3A_21 : i32
    scf.if %cond3A_22 {
      %get3A_23 = arith.constant 0 : index
      %get3A_24 = arith.constant 0 : index
      %get3A_25 = vector.load %arg8[%get3A_23, %get3A_24] : memref<1024x32xf32, #tpu.memory_space<vmem>>, vector<1024x32xf32>
      %get3A_26 = arith.constant 0 : index
      %get3A_27 = arith.constant 0 : index
      %get3A_28 = vector.load %arg4[%get3A_26, %get3A_27] : memref<1024x32xf32, #tpu.memory_space<vmem>>, vector<1024x32xf32>
      %mul3A = arith.mulf %get3A_25, %get3A_28 : vector<1024x32xf32>
      %broadcast_in_dim3A_29 = arith.constant 1.000000e+00 : f32
      %broadcast_in_dim3A_30 = vector.broadcast %broadcast_in_dim3A_29 : f32 to vector<1x32xf32>
      %dot_general3A_31 = arith.constant dense<0.000000e+00> : vector<1x1024xf32>
      %dot_general3A_32 = tpu.matmul %broadcast_in_dim3A_30, %mul3A, %dot_general3A_31 {dimension_numbers = #tpu.dot_dimension_numbers<[1], [1], [0], [0], [0, 0, 1, 0], [], []>, transpose_lhs_hint = false} : vector<1x32xf32>, vector<1024x32xf32>, vector<1x1024xf32> -> vector<1x1024xf32>
      %get3A_33 = arith.constant 0 : index
      %get3A_34 = arith.constant 0 : index
      %get3A_35 = vector.load %arg2[%get3A_33, %get3A_34] : memref<1x1024xi32, #tpu.memory_space<vmem>>, vector<1x1024xi32>
      %sub3A_36 = arith.constant 1 : i32
      %sub3A_37 = vector.broadcast %sub3A_36 : i32 to vector<1x1024xi32>
      %sub3A_38 = arith.subi %get3A_35, %sub3A_37 : vector<1x1024xi32>
      %ge3A = arith.constant 0 : i32
      %ge3A_39 = vector.broadcast %ge3A : i32 to vector<1x1024xi32>
      %ge3A_40 = arith.cmpi sge, %sub3A_38, %ge3A_39 : vector<1x1024xi32>
      %jit3A = arith.constant 0 : i32
      %broadcast_in_dim3A_41 = vector.broadcast %jit3A : i32 to vector<1x1024xi32>
      %select_n3A = arith.select %ge3A_40, %sub3A_38, %broadcast_in_dim3A_41 : vector<1x1024xi1>, vector<1x1024xi32>
      %eq3A_42 = arith.constant 5554 : i32
      %eq3A_43 = vector.broadcast %eq3A_42 : i32 to vector<1x1024xi32>
      %eq3A_44 = arith.cmpi eq, %select_n3A, %eq3A_43 : vector<1x1024xi32>
      %jit3A_45 = arith.constant 750 : i32
      %broadcast_in_dim3A_46 = vector.broadcast %jit3A_45 : i32 to vector<1x1024xi32>
      %select_n3A_47 = arith.select %eq3A_44, %broadcast_in_dim3A_46, %select_n3A : vector<1x1024xi1>, vector<1x1024xi32>
      %ne3A = arith.constant 750 : i32
      %ne3A_48 = vector.broadcast %ne3A : i32 to vector<1x1024xi32>
      %ne3A_49 = arith.cmpi ne, %select_n3A_47, %ne3A_48 : vector<1x1024xi32>
      %and3A = arith.andi %ne3A_49, %ge3A_40 : vector<1x1024xi1>
      %convert_element_type3A_50 = arith.extui %and3A : vector<1x1024xi1> to vector<1x1024xi32>
      %convert_element_type3A_51 = arith.sitofp %convert_element_type3A_50 : vector<1x1024xi32> to vector<1x1024xf32>
      %get3A_52 = arith.constant 0 : index
      %get3A_53 = arith.constant 0 : index
      %get3A_54 = vector.load %arg6[%get3A_52, %get3A_53] : memref<1x1024xf32, #tpu.memory_space<vmem>>, vector<1x1024xf32>
      %get3A_55 = arith.constant 0 : index
      %get3A_56 = arith.constant 0 : index
      %get3A_57 = vector.load %arg7[%get3A_55, %get3A_56] : memref<1x1024xf32, #tpu.memory_space<vmem>>, vector<1x1024xf32>
      %log3A = math.log %get3A_57 : vector<1x1024xf32>
      %log3A_58 = arith.constant 2.000000e+00 : f32
      %log3A_59 = math.log %log3A_58 : f32
      %div3A = vector.broadcast %log3A_59 : f32 to vector<1x1024xf32>
      %div3A_60 = arith.divf %log3A, %div3A : vector<1x1024xf32>
      %add3A_61 = arith.addf %get3A_54, %div3A_60 : vector<1x1024xf32>
      %sub3A_62 = arith.subf %add3A_61, %dot_general3A_32 : vector<1x1024xf32>
      %mul3A_63 = arith.constant 0.693147182 : f32
      %mul3A_64 = vector.broadcast %mul3A_63 : f32 to vector<1x1024xf32>
      %mul3A_65 = arith.mulf %sub3A_62, %mul3A_64 : vector<1x1024xf32>
      %mul3A_66 = arith.mulf %mul3A_65, %convert_element_type3A_51 : vector<1x1024xf32>
      %reduce_sum3A_67 = vector.shape_cast %mul3A_66 : vector<1x1024xf32> to vector<1x1x1024xf32>
      %reduce_sum3A_68 = arith.constant dense<0.000000e+00> : vector<1xf32>
      %reduce_sum3A_69 = vector.multi_reduction <add>, %reduce_sum3A_67, %reduce_sum3A_68 [1, 2] : vector<1x1x1024xf32> to vector<1xf32>
      %reduce_sum3A_70 = vector.shape_cast %reduce_sum3A_69 : vector<1xf32> to vector<1x1x1xf32>
      %reduce_sum3A_71 = vector.extract %reduce_sum3A_70[0, 0, 0] : f32 from vector<1x1x1xf32>
      %reduce_sum3A_72 = vector.shape_cast %convert_element_type3A_51 : vector<1x1024xf32> to vector<1x1x1024xf32>
      %reduce_sum3A_73 = arith.constant dense<0.000000e+00> : vector<1xf32>
      %reduce_sum3A_74 = vector.multi_reduction <add>, %reduce_sum3A_72, %reduce_sum3A_73 [1, 2] : vector<1x1x1024xf32> to vector<1xf32>
      %reduce_sum3A_75 = vector.shape_cast %reduce_sum3A_74 : vector<1xf32> to vector<1x1x1xf32>
      %reduce_sum3A_76 = vector.extract %reduce_sum3A_75[0, 0, 0] : f32 from vector<1x1x1xf32>
      %div3A_77 = arith.divf %reduce_sum3A_71, %reduce_sum3A_76 : f32
      %reshape3A = vector.broadcast %div3A_77 : f32 to vector<1x1xf32>
      %swap3A_78 = arith.constant 0 : index
      %swap3A_79 = arith.constant 0 : index
      %swap3A_80 = vector.load %arg5[%swap3A_78, %swap3A_79] : memref<1x1xf32, #tpu.memory_space<vmem>>, vector<1x1xf32>
      tpu.vector_store %arg5[%swap3A_78, %swap3A_79], %reshape3A {strides = array<i32>} : memref<1x1xf32, #tpu.memory_space<vmem>>, vector<1x1xf32>,
    } else {
    }
    return
  }
  func.func @transform_0(%arg0: i32) -> (i32, i32) {
    %c0_i32 = arith.constant 0 : i32
    %c0_i32_0 = arith.constant 0 : i32
    %c0_i32_1 = arith.constant 0 : i32
    return %c0_i32, %c0_i32_0 : i32, i32
  }
  func.func @transform_1(%arg0: i32) -> (i32, i32) {
    %c0_i32 = arith.constant 0 : i32
    %c0_i32_0 = arith.constant 0 : i32
    %c0_i32_1 = arith.constant 0 : i32
    return %c0_i32, %c0_i32_0 : i32, i32
  }
  func.func @transform_2(%arg0: i32) -> (i32, i32) {
    %c0_i32 = arith.constant 0 : i32
    %c0_i32_0 = arith.constant 0 : i32
    return %arg0, %c0_i32 : i32, i32
  }
  func.func @transform_3(%arg0: i32) -> (i32, i32) {
    %c0_i32 = arith.constant 0 : i32
    %c0_i32_0 = arith.constant 0 : i32
    %c0_i32_1 = arith.constant 0 : i32
    return %c0_i32, %c0_i32_0 : i32, i32
  }
  func.func @transform_4(%arg0: i32) -> (i32, i32) {
    %c0_i32 = arith.constant 0 : i32
    %c0_i32_0 = arith.constant 0 : i32
    %c0_i32_1 = arith.constant 0 : i32
    return %c0_i32, %c0_i32_0 : i32, i32
  }
}

</mosaic_0001>

<sc_bundles>
// kernel: kernel.4.cloned.1.call-start
scs
__scs_entry_jumppad:
0x0: {  	(pc) =	sbr.rel $0x88, $3  }
0x1: {  	(tag) =	ssettag $0x0;
	lr =	simm.s32 $0x1  }
0x2: {  	[smem:$0x3F9E] =	sst lr;
	_ =	strace $0xD0000000  }
0x3: {  	_ = 	snop  }
0x4: {  	_ = 	snop  }
0x5: {  	_ = 	snop  }
0x6: {  	_ = 	snop  }
0x7: {  	_ = 	snop  }
__scs_overlays_trampoline_lowered:
0x8: {  	[smem:$0x3FAD] =	sst s0  }
0x9: {  	[smem:$0x3FAE] =	sst s1  }
0xa: {  	[smem:$0x3FAF] =	sst s2  }
0xb: {  	[smem:$0x3FB0] =	sst s3  }
0xc: {  	[smem:$0x3FB1] =	sst s4  }
0xd: {  	[smem:$0x3FB2] =	sst s5  }
0xe: {  	[smem:$0x3FB3] =	sst s6  }
0xf: {  	[smem:$0x3FB4] =	sst s7  }
0x10: {  	[smem:$0x3FB5] =	sst s8  }
0x11: {  	[smem:$0x3FB6] =	sst s9;
	s0 =	simm.s32 @!p0 $0x0  }
0x12: {  	s1 =	sld [smem:$0x3F9C];
	s0 =	simm.s32 @p0 $0x1  }
0x13: {  	[smem:$0x3FB7] =	sst s0;
	s0 =	simm.s32 @!p1 $0x0  }
0x14: {  	s2 =	sld [smem:$0x3F9B];
	s0 =	simm.s32 @p1 $0x1  }
0x15: {  	[smem:$0x3FB8] =	sst s0;
	s0 =	simm.s32 @!p2 $0x0  }
0x16: {  	s3 =	sld [smem:$0x3FDB];
	s0 =	simm.s32 @p2 $0x1  }
0x17: {  	s4 =	simm.s32 $0x1BF5;
	[smem:$0x3FBA] =	sst s0  }
0x18: {  	s0 =	sld [smem:$0x3F9D];
	_ =	swait.ge [sflag:s4], $0x0  }
0x19: {  	s7 =	sld [smem:$0x3F9E]  }
0x1a: {  	s8 =	sadd.s32 $0xFFFFE003, lr  }
0x1b: {  	s9 =	sadd.s32 $0xFFFFFEF7, lr;
	s5 =	simm.s32 $0xFFFFFFFF;
	p2 =	slt.u32 s8, $0xFFFFF086  }
0x1c: {  	p1 =	slt.u32 s9, $0xF7A;
	s5 =	simm.s32 @!p2 $0x0  }
0x1d: {  	s5 =	simm.s32 @p1 $0x1;
	p0 =	seq.s32 s7, s2  }
0x1e: {  	s7 =	smul.u32 @!p0 $0xF7A, s2;
	p2 =	seq.s32 @!p0 s5, $0x0  }
0x1f: {  	s9 =	smul.u32 $0xF7A, s1;
	s8 =	simm.s32 @!p0 $0x1BF5;
	p2 =	por !p2, p0  }
0x20: {  	[sflag:s8] =	ssyncset.s32 @!p0 $0xFFFFF086;
	s6 =	sadd.s32 @!p0 s3, s7;
	s7 =	simm.s32 @!p0 $0x108  }
0x21: {  	s3 =	sadd.s32 s3, s9;
	s6 =	sadd.s32 @!p0 $0x88, s6;
	s7 =	simm.s32 @p2 $0x1082  }
0x22: {  	[simem:s7], [sflag:s8] =	dma.local @!p0 [hbm:s6], $0xF7A  }
0x23: {  	s9 =	sor.u32 $0xD0000000, s2;
	s6 =	simm.s32 $0x108;
	_ =	swait.ge @!p0 [sflag:s8], $0x0  }
0x24: {  	s3 =	sadd.s32 $0x88, s3;
	s6 =	simm.s32 @!p1 $0x1082;
	[sflag:s4] =	ssyncset.s32 $0xFFFFF086  }
0x25: {  	[simem:s6], [sflag:s4] =	dma.local [hbm:s3], $0xF7A  }
0x26: {  	[smem:$0x3F9E] =	sst s1;
	(tag) =	ssettag s2;
	_ =	strace s9  }
0x27: {  	s1 =	sld [smem:$0x3FAE]  }
0x28: {  	s2 =	sld [smem:$0x3FAF]  }
0x29: {  	s4 =	sld [smem:$0x3FB1]  }
0x2a: {  	p0 =	seq.s32 s5, $0x0;
	s5 =	sld [smem:$0x3FB2]  }
0x2b: {  	s6 =	sld [smem:$0x3FB3]  }
0x2c: {  	s7 =	sld [smem:$0x3FB4]  }
0x2d: {  	s3 =	simm.s32 $0x108;
	s8 =	sld [smem:$0x3FB5]  }
0x2e: {  	s3 =	simm.s32 @!p0 $0x1082;
	s9 =	sld [smem:$0x3FB6]  }
0x2f: {  	lr =	sadd.s32 s0, s3;
	s0 =	sld [smem:$0x3FAD]  }
0x30: {  	s3 =	sld [smem:$0x3FB0]  }
0x31: {  	[smem:$0x3FB9] =	sst s10  }
0x32: {  	s10 =	sld [smem:$0x3FB7];
	_ =	sdelay $0x3  }
0x33: {  	p0 =	seq.s32 s10, $0x1;
	s10 =	sld [smem:$0x3FB9];
	_ =	sdelay $0x3  }
0x34: {  	[smem:$0x3FB9] =	sst s10  }
0x35: {  	s10 =	sld [smem:$0x3FB8];
	_ =	sdelay $0x3  }
0x36: {  	p1 =	seq.s32 s10, $0x1;
	s10 =	sld [smem:$0x3FB9];
	_ =	sdelay $0x3  }
0x37: {  	[smem:$0x3FB9] =	sst s10  }
0x38: {  	s10 =	sld [smem:$0x3FBA]  }
0x39: {  	_ = 	snop;
	(pc) =	sbr.ind lr, $3  }
0x3a: {  	_ = 	snop  }
0x3b: {  	_ = 	snop  }
0x3c: {  	p2 =	seq.s32 s10, $0x1;
	s10 =	sld [smem:$0x3FB9]  }
0x3d: {  	_ =	shalt  }
0x3e: {  	_ =	shalt  }
0x3f: {  	_ =	shalt  }
0x40: {  	_ =	shalt  }
0x41: {  	_ =	shalt  }
0x42: {  	_ =	shalt  }
0x43: {  	_ =	shalt  }
0x44: {  	_ =	shalt  }
0x45: {  	_ =	shalt  }
0x46: {  	_ =	shalt  }
0x47: {  	_ =	shalt  }
0x48: {  	_ =	shalt  }
0x49: {  	_ =	shalt  }
0x4a: {  	_ =	shalt  }
0x4b: {  	_ =	shalt  }
0x4c: {  	_ =	shalt  }
0x4d: {  	_ =	shalt  }
0x4e: {  	_ =	shalt  }
0x4f: {  	_ =	shalt  }
0x50: {  	_ =	shalt  }
0x51: {  	_ =	shalt  }
0x52: {  	_ =	shalt  }
0x53: {  	_ =	shalt  }
0x54: {  	_ =	shalt  }
0x55: {  	_ =	shalt  }
0x56: {  	_ =	shalt  }
0x57: {  	_ =	shalt  }
0x58: {  	_ =	shalt  }
0x59: {  	_ =	shalt  }
0x5a: {  	_ =	shalt  }
0x5b: {  	_ =	shalt  }
0x5c: {  	_ =	shalt  }
0x5d: {  	_ =	shalt  }
0x5e: {  	_ =	shalt  }
0x5f: {  	_ =	shalt  }
0x60: {  	_ =	shalt  }
0x61: {  	_ =	shalt  }
0x62: {  	_ =	shalt  }
0x63: {  	_ =	shalt  }
0x64: {  	_ =	shalt  }
0x65: {  	_ =	shalt  }
0x66: {  	_ =	shalt  }
0x67: {  	_ =	shalt  }
0x68: {  	_ =	shalt  }
0x69: {  	_ =	shalt  }
0x6a: {  	_ =	shalt  }
0x6b: {  	_ =	shalt  }
0x6c: {  	_ =	shalt  }
0x6d: {  	_ =	shalt  }
0x6e: {  	_ =	shalt  }
0x6f: {  	_ =	shalt  }
0x70: {  	_ =	shalt  }
0x71: {  	_ =	shalt  }
0x72: {  	_ =	shalt  }
0x73: {  	_ =	shalt  }
0x74: {  	_ =	shalt  }
0x75: {  	_ =	shalt  }
0x76: {  	_ =	shalt  }
0x77: {  	_ =	shalt  }
0x78: {  	_ =	shalt  }
0x79: {  	_ =	shalt  }
0x7a: {  	_ =	shalt  }
0x7b: {  	_ =	shalt  }
0x7c: {  	_ =	shalt  }
0x7d: {  	_ =	shalt  }
0x7e: {  	_ =	shalt  }
0x7f: {  	_ =	shalt  }
0x80: {  	_ =	shalt  }
0x81: {  	_ =	shalt  }
0x82: {  	_ =	shalt  }
0x83: {  	_ =	shalt  }
0x84: {  	_ =	shalt  }
0x85: {  	_ =	shalt  }
0x86: {  	_ =	shalt  }
0x87: {  	_ =	shalt  }
.Lfunc_end0:
.L_simem_size_0:
called_computation_lowered:
.L_overlay_start_0:
0x88: {  	s2 =	sld [smem:$0x3FD9]  }
0x89: {  	s3 =	sld [smem:$0x3FFE];
	_ =	sdelay $0x1  }
0x8a: {  	s1 =	srdreg.scid  }
0x8b: {  	s0 =	sand.u32 $0x1, s1  }
0x8c: {  	s17 =	sshll.u32 s0, $0xA;
	s2 =	sadd.s32 s3, s2  }
0x8d: {  	s2 =	sadd.s32 s2, s17  }
0x8e: {  	[smem:$0x3FC5] =	sst s2  }
0x8f: {  	_ = 	snop  }
0x90: {  	s2 =	sld [smem:$0x3FC8];
	(tm) =	ssettm $0x1  }
0x91: {  	s18 =	sld [smem:$0x3FFB];
	_ =	sdelay $0x3  }
0x92: {  	_ =	strace s18  }
0x93: {  	s3 =	sld [smem:$0x3FFC];
	_ =	sdelay $0x3  }
0x94: {  	_ =	strace s3  }
0x95: {  	s3 =	sld [smem:$0x3FFD];
	_ =	sdelay $0x3  }
0x96: {  	_ =	strace s3  }
0x97: {  	_ =	strace $0x8FFFFFFF  }
0x98: {  	s19 =	sld [smem:$0x3FDB];
	_ =	sdelay $0x1  }
0x99: {  	s4 =	simm.s32 $_scs_section_size  }
0x9a: {  	s5 =	simm.s32 $_size__tile_overlayer_lowered;
	s6 =	simm.s32 $_tile_overlayer_lowered  }
0x9b: {  	s22 =	simm.s32 $0x1BFF;
	s21 =	sshll.u32 s6, $0x1;
	s3 =	sadd.s32 s4, s19  }
0x9c: {  	s7 =	simm.s32 $0x0;
	s20 =	sshll.u32 s5, $0x1;
	s5 =	sadd.s32 s21, s3  }
0x9d: {  	[timem:s7], [sflag:s22] =	dma.local [hbm:s5], s20  }
0x9e: {  	_ =	swait.ge [sflag:s22], s20  }
0x9f: {  	s4 =	ssub.s32 $0x0, s20;
	[sflag:s22] =	ssyncset.done $0x0  }
0xa0: {  	[sflag:s22] =	ssyncadd.s32 s4;
	_ =	sdelay $0x1  }
0xa1: {  	s23 =	simm.s32 $0x1B8B  }
0xa2: {  	_ =	swait.ge [sflag:s23], $0x1  }
0xa3: {  	[sflag:s23] =	ssyncset.done $0x0  }
0xa4: {  	s25 =	simm.s32 $0x1B8E;
	s24 =	sld [smem:$0x3FFE];
	[sflag:s23] =	ssyncadd.s32 $0xFFFFFFFF  }
0xa5: {  	s26 =	simm.s32 $execute0_lowered;
	[smem:$0x3FD2] =	sst s25  }
0xa6: {  	s5 =	sshll.u32 s26, $0x1;
	_ =	strace $0x80000046;
	[dreg:$0x1] =	wrdreg $0xFFFFFFFF  }
0xa7: {  	s28 =	simm.s32 $_size_execute0_lowered;
	s3 =	sadd.s32 s3, s5;
	[dreg:$0x0] =	wrdreg $0x0  }
0xa8: {  	s5 =	sshll.u32 s28, $0x1;
	[dreg:$0x2] =	wrdreg s3  }
0xa9: {  	[dreg:$0x3] =	wrdreg s5  }
0xaa: {  	[dreg:$0x4] =	wrdreg $0xC0  }
0xab: {  	_ =	task [dreg:s7], $0x5FFFF  }
0xac: {  	[dreg:$0x1] =	wrdreg $0xFFFFFFFF  }
0xad: {  	[dreg:$0x0] =	wrdreg $0x60  }
0xae: {  	[dreg:$0x2] =	wrdreg s24  }
0xaf: {  	[dreg:$0x3] =	wrdreg s2  }
0xb0: {  	[dreg:$0x4] =	wrdreg $0x9  }
0xb1: {  	_ =	task.clear_ibuf [dreg:s7], $0x5FFFF;
	_ =	strace $0x90000046  }
0xb2: {  	s29 =	simm.s32 $0x9;
	_ =	strace $0x80000048  }
0xb3: {  	_ =	swait.ge [sflag:s29], $0x1  }
0xb4: {  	[sflag:s29] =	ssyncadd.s32 $0xFFFFFFFF  }
0xb5: {  	_ =	strace $0x90000048  }
0xb6: {  	_ =	sfence  }
0xb7: {  	s30 =	sld [smem:$0x0];
	_ =	sdelay $0x2  }
0xb8: {  	s31 =	sshll.u32 s1, $0xD;
	s1 =	sshrl.u32 s1, $0x2  }
0xb9: {  	s3 =	sand.u32 $0x4000, s31;
	s1 =	sadd.s32 s1, s30  }
0xba: {  	s0 =	sor.u32 s3, s0;
	s1 =	sshll.u32 s1, $0x11  }
0xbb: {  	s0 =	sor.u32 s1, s0  }
0xbc: {  	s0 =	sadd.s32 $0x8F2B, s0  }
0xbd: {  	[sflag:s0] =	ssyncadd.remote.s32 $0x1  }
0xbe: {  	_ =	sfence.sel $0xFFFF  }
0xbf: {  	[dreg:$0x0] =	wrdreg $0xFFFFFFFF;
	(pc) =	sbr.abs _section_cstart, $3  }
0xc0: {  	[dreg:$0x1] =	wrdreg $0xFFFFFFFF  }
0xc1: {  	_ =	task.clear_ibuf [dreg:s7], $0x2FFFF;
	_ =	strace $0x9FFFFFFF  }
0xc2: {  	(tm) =	ssettm $0x7FFFFFFF  }
0xc3: {  	_ =	shalt  }
tec
execute0_lowered:
.L_overlay_start_1:
0x0: {  	(tag) =	ssettag $0x1  }
0x1: {  	s4 =	rddreg [dreg:$0x0]  }
0x2: {  	s1 =	srdreg.scid;
	s5 =	rddreg [dreg:$0x1]  }
0x3: {  	s2 =	simm.s32 $0x0;
	s3 =	sand.u32 $0x1, s1;
	s1 =	rddreg [dreg:$0x2]  }
0x4: {  	s23 =	simm.s32 $0x100;
	[smem:$0x7FF] =	sst s2  }
0x5: {  	s24 =	simm.s32 $0x180;
	_ =	strace $0x80000047;
	[dreg:$0x5] =	wrdreg s23  }
0x6: {  	s25 =	simm.s32 $0x200;
	[dreg:$0x6] =	wrdreg s24  }
0x7: {  	s26 =	simm.s32 $0x280;
	[dreg:$0x7] =	wrdreg s25  }
0x8: {  	s28 =	simm.s32 $0x300;
	[dreg:$0x8] =	wrdreg s26  }
0x9: {  	s29 =	simm.s32 $0x380;
	[dreg:$0x9] =	wrdreg s28  }
0xa: {  	s30 =	simm.s32 $0x400;
	[dreg:$0xa] =	wrdreg s29  }
0xb: {  	s31 =	simm.s32 $0x480;
	[dreg:$0xb] =	wrdreg s30  }
0xc: {  	s8 =	simm.s32 $0x600;
	[dreg:$0xc] =	wrdreg s31  }
0xd: {  	s9 =	simm.s32 $0x680;
	[dreg:$0xf] =	wrdreg s8  }
0xe: {  	s10 =	simm.s32 $0x700;
	[dreg:$0x10] =	wrdreg s9  }
0xf: {  	s11 =	simm.s32 $0x780;
	[dreg:$0x11] =	wrdreg s10  }
0x10: {  	s12 =	simm.s32 $0x800;
	[dreg:$0x12] =	wrdreg s11  }
0x11: {  	s13 =	simm.s32 $0x880;
	[dreg:$0x13] =	wrdreg s12  }
0x12: {  	s14 =	simm.s32 $0x900;
	[dreg:$0x14] =	wrdreg s13  }
0x13: {  	s15 =	simm.s32 $0x980;
	[dreg:$0x15] =	wrdreg s14  }
0x14: {  	s16 =	simm.s32 $0xA00;
	[dreg:$0x16] =	wrdreg s15  }
0x15: {  	s17 =	simm.s32 $0xA80;
	[dreg:$0x17] =	wrdreg s16  }
0x16: {  	s18 =	simm.s32 $0xB00;
	[dreg:$0x18] =	wrdreg s17  }
0x17: {  	s19 =	simm.s32 $0xB80;
	[dreg:$0x19] =	wrdreg s18  }
0x18: {  	s20 =	simm.s32 $0xC00;
	[dreg:$0x1a] =	wrdreg s19  }
0x19: {  	s21 =	simm.s32 $0xC80;
	[dreg:$0x1b] =	wrdreg s20  }
0x1a: {  	[dreg:$0x1c] =	wrdreg s21;
	s23 =	simm.s32 $0xD80  }
0x1b: {  	s25 =	simm.s32 $0xE00;
	[dreg:$0x1e] =	wrdreg s23  }
0x1c: {  	s0 =	stileid.u32;
	s26 =	simm.s32 $0xE80;
	[dreg:$0x1f] =	wrdreg s25  }
0x1d: {  	s6 =	sshll.u32 s0, $0x6;
	s29 =	simm.s32 $0xF00;
	[smem:$0x7FA] =	sst s26  }
0x1e: {  	s7 =	sshll.u32 s3, $0x5;
	s30 =	simm.s32 $0xF80;
	[smem:$0x7FB] =	sst s29  }
0x1f: {  	s3 =	ssub.s32 $0x2, s3;
	s31 =	simm.s32 $0x1000;
	[smem:$0x7FC] =	sst s30  }
0x20: {  	s6 =	sor.u32 s7, s6;
	s24 =	sshrl.u32 s3, $0x1;
	[smem:$0x7FD] =	sst s31  }
0x21: {  	s7 =	sshll.u32 s6, $0x4;
	s6 =	sshrl.u32 s6, $0x3;
	s3 =	ssub.s32 s3, s24  }
0x22: {  	s7 =	sadd.s32 s7, s4;
	s5 =	sadd.s32 s5, s6;
	s28 =	smax.u32 s3, $0x1  }
0x23: {  	s6 =	simm.s32 $0x500;
	[dreg:$0x3] =	wrdreg s5;
	p1 =	sne.s32 s28, $0x1  }
.Ltmp0:
0x24: {  	s22 =	sadd.s32 $0x187400, s7;
	[dreg:$0xd] =	wrdreg s6;
	(pc) =	sbr.rel @!p1 .LBB2_3-.Ltmp0, $4  }
0x25: {  	p0 =	por $0x0, $0x0;
	s7 =	simm.s32 $0x580;
	[dreg:$0x4] =	wrdreg s22  }
0x26: {  	s3 =	simm.s32 $0x2;
	s6 =	sadd.s32 $0xA00, s4;
	[dreg:$0xe] =	wrdreg s7  }
0x27: {  	s4 =	simm.s32 $0x80;
	s22 =	simm.s32 $0xD00;
	s8 =	rddreg [dreg:$0x3]  }
0x28: {  	s5 =	simm.s32 $0x1;
	s7 =	sadd.s32 $0xFFFFFFFF, s28;
	[dreg:$0x1d] =	wrdreg s22  }
0x29: {  	[tilespmem:s2], [sflag:$0x2] =	stream.linear.gather [hbm4b:s8+s2], $0x20, $0x38;
	[tilespmem:$0x1080] =	vst v63  }
0x2a: {  	_ =	swait.ge [sflag:s3], $0x20  }
0x2b: {  	[sflag:s3] =	ssyncset.done $0x0  }
0x2c: {  	[sflag:s3] =	ssyncadd.s32 $0xFFFFFFE0  }
0x2d: {  	v0 =	vld [tilespmem:$0x0];
	_ =	sdelay $0x4  }
0x2e: {  	v0 =	vadd.s32 $0xFFFFFFFF, v0  }
0x2f: {  	vm0 =	vgt.s32 v0, $0x0  }
0x30: {  	vm13 =	veq.s32 v0, $0x15B2;
	v1 =	vnsel vm0, $0x0, v0  }
0x31: {  	v0 =	vsel vm13, $0x2EE, v1  }
0x32: {  	v0 =	vshll.u32 v0, $0x4  }
0x33: {  	(v2sf) =	vpush v0, $0x0  }
0x34: {  	(v2sf) =	vpush v0, $0x1  }
0x35: {  	(v2sf) =	vpush v0, $0x2;
	_ =	sdelay $0x1  }
0x36: {  	s9 =	rddreg [dreg:$0x11];
	(v2sf) =	vpush v0, $0x3  }
0x37: {  	s10 =	rddreg [dreg:$0x10]  }
0x38: {  	s11 =	rddreg [dreg:$0xf];
	(v2sf) =	vpush v0, $0x4  }
0x39: {  	s12 =	rddreg [dreg:$0xe]  }
0x3a: {  	s13 =	rddreg [dreg:$0xd];
	(v2sf) =	vpush v0, $0x5  }
0x3b: {  	s14 =	rddreg [dreg:$0xc]  }
0x3c: {  	s15 =	rddreg [dreg:$0xb];
	(v2sf) =	vpush v0, $0x6  }
0x3d: {  	s16 =	rddreg [dreg:$0xa]  }
0x3e: {  	s17 =	rddreg [dreg:$0x9];
	(v2sf) =	vpush v0, $0x7  }
0x3f: {  	s18 =	rddreg [dreg:$0x8]  }
0x40: {  	s19 =	rddreg [dreg:$0x7];
	(v2sf) =	vpush v0, $0x8  }
0x41: {  	s20 =	rddreg [dreg:$0x6];
	s21 =	spop (v2sf)  }
0x42: {  	s22 =	rddreg [dreg:$0x5];
	s21 =	sand.u32 $0x1FFFFFF0, s21;
	s23 =	spop (v2sf);
	(v2sf) =	vpush v0, $0x9  }
0x43: {  	s21 =	sadd.s32 s6, s21;
	s23 =	sand.u32 $0x1FFFFFF0, s23;
	s24 =	spop (v2sf)  }
0x44: {  	(v2sf) =	vpush v0, $0xA;
	[tilespmem:s4], [sflag:$0x1] =	stream.linear.gather [hbm4b:s21+s2], $0x80, $0x38;
	[tilespmem:$0x1080] =	vst v63  }
0x45: {  	s29 =	sadd.s32 s6, s23;
	s30 =	sand.u32 $0x1FFFFFF0, s24;
	s31 =	spop (v2sf)  }
0x46: {  	(v2sf) =	vpush v0, $0xB;
	[tilespmem:s22], [sflag:$0x1] =	stream.linear.gather [hbm4b:s29+s2], $0x80, $0x38;
	[tilespmem:$0x1080] =	vst v63  }
0x47: {  	s25 =	sadd.s32 s6, s30;
	s26 =	sand.u32 $0x1FFFFFF0, s31;
	s28 =	spop (v2sf)  }
0x48: {  	(v2sf) =	vpush v0, $0xC;
	[tilespmem:s20], [sflag:$0x1] =	stream.linear.gather [hbm4b:s25+s2], $0x80, $0x38;
	[tilespmem:$0x1080] =	vst v63  }
0x49: {  	s29 =	sadd.s32 s6, s26;
	s30 =	sand.u32 $0x1FFFFFF0, s28;
	s31 =	spop (v2sf)  }
0x4a: {  	(v2sf) =	vpush v0, $0xD;
	[tilespmem:s19], [sflag:$0x1] =	stream.linear.gather [hbm4b:s29+s2], $0x80, $0x38;
	[tilespmem:$0x1080] =	vst v63  }
0x4b: {  	s21 =	sadd.s32 s6, s30;
	s23 =	sand.u32 $0x1FFFFFF0, s31;
	s24 =	spop (v2sf)  }
0x4c: {  	(v2sf) =	vpush v0, $0xE;
	[tilespmem:s18], [sflag:$0x1] =	stream.linear.gather [hbm4b:s21+s2], $0x80, $0x38;
	[tilespmem:$0x1080] =	vst v63  }
0x4d: {  	s25 =	sadd.s32 s6, s23;
	s26 =	sand.u32 $0x1FFFFFF0, s24;
	s28 =	spop (v2sf)  }
0x4e: {  	(v2sf) =	vpush v0, $0xF;
	[tilespmem:s17], [sflag:$0x1] =	stream.linear.gather [hbm4b:s25+s2], $0x80, $0x38;
	[tilespmem:$0x1080] =	vst v63  }
0x4f: {  	s30 =	sand.u32 $0x1FFFFFF0, s28;
	s31 =	spop (v2sf);
	s29 =	sadd.s32 s6, s26  }
0x50: {  	[tilespmem:s16], [sflag:$0x1] =	stream.linear.gather [hbm4b:s29+s2], $0x80, $0x38;
	[tilespmem:$0x1080] =	vst v63  }
0x51: {  	s20 =	sand.u32 $0x1FFFFFF0, s31;
	s18 =	sadd.s32 s6, s30;
	s21 =	spop (v2sf)  }
0x52: {  	[tilespmem:s15], [sflag:$0x1] =	stream.linear.gather [hbm4b:s18+s2], $0x80, $0x38;
	[tilespmem:$0x1080] =	vst v63  }
0x53: {  	s22 =	sadd.s32 s6, s20;
	s23 =	sand.u32 $0x1FFFFFF0, s21;
	s24 =	spop (v2sf)  }
0x54: {  	[tilespmem:s14], [sflag:$0x1] =	stream.linear.gather [hbm4b:s22+s2], $0x80, $0x38;
	[tilespmem:$0x1080] =	vst v63  }
0x55: {  	s25 =	sadd.s32 s6, s23;
	s26 =	sand.u32 $0x1FFFFFF0, s24;
	s28 =	spop (v2sf)  }
0x56: {  	[tilespmem:s13], [sflag:$0x1] =	stream.linear.gather [hbm4b:s25+s2], $0x80, $0x38;
	[tilespmem:$0x1080] =	vst v63  }
0x57: {  	s29 =	sadd.s32 s6, s26;
	s30 =	sand.u32 $0x1FFFFFF0, s28;
	s31 =	spop (v2sf)  }
0x58: {  	[tilespmem:s12], [sflag:$0x1] =	stream.linear.gather [hbm4b:s29+s2], $0x80, $0x38;
	[tilespmem:$0x1080] =	vst v63  }
0x59: {  	s14 =	sadd.s32 s6, s30;
	s15 =	sand.u32 $0x1FFFFFF0, s31;
	s16 =	spop (v2sf)  }
0x5a: {  	[tilespmem:s11], [sflag:$0x1] =	stream.linear.gather [hbm4b:s14+s2], $0x80, $0x38;
	[tilespmem:$0x1080] =	vst v63  }
0x5b: {  	s17 =	sadd.s32 s6, s15;
	s18 =	sand.u32 $0x1FFFFFF0, s16;
	s19 =	spop (v2sf)  }
0x5c: {  	[tilespmem:s10], [sflag:$0x1] =	stream.linear.gather [hbm4b:s17+s2], $0x80, $0x38;
	[tilespmem:$0x1080] =	vst v63  }
0x5d: {  	s20 =	sadd.s32 s6, s18;
	s21 =	sand.u32 $0x1FFFFFF0, s19;
	s22 =	spop (v2sf)  }
0x5e: {  	[tilespmem:s9], [sflag:$0x1] =	stream.linear.gather [hbm4b:s20+s2], $0x80, $0x38;
	[tilespmem:$0x1080] =	vst v63  }
0x5f: {  	s8 =	rddreg [dreg:$0x12];
	s23 =	sadd.s32 s6, s21;
	s24 =	sand.u32 $0x1FFFFFF0, s22  }
0x60: {  	[tilespmem:s8], [sflag:$0x1] =	stream.linear.gather [hbm4b:s23+s2], $0x80, $0x38;
	[tilespmem:$0x1080] =	vst v63  }
0x61: {  	s25 =	rddreg [dreg:$0x13];
	s26 =	sadd.s32 s6, s24  }
0x62: {  	[tilespmem:s25], [sflag:$0x1] =	stream.linear.gather [hbm4b:s26+s2], $0x80, $0x38;
	[tilespmem:$0x1080] =	vst v63  }
0x63: {  	v62 =	vld [tilespmem:$0x10];
	_ =	sdelay $0x4  }
0x64: {  	v0 =	vadd.s32 $0xFFFFFFFF, v62  }
0x65: {  	vm14 =	vgt.s32 v0, $0x0  }
0x66: {  	vm15 =	veq.s32 v0, $0x15B2;
	v63 =	vnsel vm14, $0x0, v0  }
0x67: {  	v0 =	vsel vm15, $0x2EE, v63  }
0x68: {  	v0 =	vshll.u32 v0, $0x4  }
0x69: {  	(v2sf) =	vpush v0, $0x0  }
0x6a: {  	(v2sf) =	vpush v0, $0x1  }
0x6b: {  	s28 =	rddreg [dreg:$0x14];
	(v2sf) =	vpush v0, $0x2  }
0x6c: {  	s30 =	rddreg [dreg:$0x15]  }
0x6d: {  	s13 =	rddreg [dreg:$0x1d];
	(v2sf) =	vpush v0, $0x3  }
0x6e: {  	s15 =	rddreg [dreg:$0x1b]  }
0x6f: {  	s16 =	rddreg [dreg:$0x1a];
	(v2sf) =	vpush v0, $0x4  }
0x70: {  	s18 =	rddreg [dreg:$0x18]  }
0x71: {  	s19 =	rddreg [dreg:$0x17];
	(v2sf) =	vpush v0, $0x5  }
0x72: {  	s12 =	rddreg [dreg:$0x1e]  }
0x73: {  	s11 =	rddreg [dreg:$0x1f];
	(v2sf) =	vpush v0, $0x6  }
0x74: {  	s14 =	rddreg [dreg:$0x1c]  }
0x75: {  	s10 =	sld [smem:$0x7FA];
	(v2sf) =	vpush v0, $0x7  }
0x76: {  	s17 =	rddreg [dreg:$0x19]  }
0x77: {  	s9 =	sld [smem:$0x7FB];
	(v2sf) =	vpush v0, $0x8  }
0x78: {  	s20 =	rddreg [dreg:$0x16];
	s29 =	spop (v2sf)  }
0x79: {  	s8 =	sld [smem:$0x7FC];
	(v2sf) =	vpush v0, $0x9;
	s22 =	sand.u32 $0x1FFFFFF0, s29;
	s31 =	spop (v2sf)  }
0x7a: {  	s22 =	sadd.s32 s6, s22;
	s24 =	sand.u32 $0x1FFFFFF0, s31;
	s25 =	spop (v2sf)  }
0x7b: {  	(v2sf) =	vpush v0, $0xA;
	[tilespmem:s28], [sflag:$0x1] =	stream.linear.gather [hbm4b:s22+s2], $0x80, $0x38;
	[tilespmem:$0x1080] =	vst v63  }
0x7c: {  	s24 =	sadd.s32 s6, s24;
	s26 =	sand.u32 $0x1FFFFFF0, s25;
	s28 =	spop (v2sf)  }
0x7d: {  	(v2sf) =	vpush v0, $0xB;
	[tilespmem:s30], [sflag:$0x1] =	stream.linear.gather [hbm4b:s24+s2], $0x80, $0x38;
	[tilespmem:$0x1080] =	vst v63  }
0x7e: {  	s29 =	sadd.s32 s6, s26;
	s31 =	spop (v2sf);
	s30 =	sand.u32 $0x1FFFFFF0, s28  }
0x7f: {  	(v2sf) =	vpush v0, $0xC;
	[tilespmem:s20], [sflag:$0x1] =	stream.linear.gather [hbm4b:s29+s2], $0x80, $0x38;
	[tilespmem:$0x1080] =	vst v63  }
0x80: {  	s23 =	sand.u32 $0x1FFFFFF0, s31;
	s24 =	spop (v2sf);
	s22 =	sadd.s32 s6, s30  }
0x81: {  	(v2sf) =	vpush v0, $0xD;
	[tilespmem:s19], [sflag:$0x1] =	stream.linear.gather [hbm4b:s22+s2], $0x80, $0x38;
	[tilespmem:$0x1080] =	vst v63  }
0x82: {  	s25 =	sadd.s32 s6, s23;
	s26 =	sand.u32 $0x1FFFFFF0, s24;
	s28 =	spop (v2sf)  }
0x83: {  	(v2sf) =	vpush v0, $0xE;
	[tilespmem:s18], [sflag:$0x1] =	stream.linear.gather [hbm4b:s25+s2], $0x80, $0x38;
	[tilespmem:$0x1080] =	vst v63  }
0x84: {  	s29 =	sadd.s32 s6, s26;
	s30 =	sand.u32 $0x1FFFFFF0, s28;
	s31 =	spop (v2sf)  }
0x85: {  	(v2sf) =	vpush v0, $0xF;
	[tilespmem:s17], [sflag:$0x1] =	stream.linear.gather [hbm4b:s29+s2], $0x80, $0x38;
	[tilespmem:$0x1080] =	vst v63  }
0x86: {  	s20 =	sand.u32 $0x1FFFFFF0, s31;
	s21 =	spop (v2sf);
	s19 =	sadd.s32 s6, s30  }
0x87: {  	[tilespmem:s16], [sflag:$0x1] =	stream.linear.gather [hbm4b:s19+s2], $0x80, $0x38;
	[tilespmem:$0x1080] =	vst v63  }
0x88: {  	s22 =	sadd.s32 s6, s20;
	s23 =	sand.u32 $0x1FFFFFF0, s21;
	s24 =	spop (v2sf)  }
0x89: {  	[tilespmem:s15], [sflag:$0x1] =	stream.linear.gather [hbm4b:s22+s2], $0x80, $0x38;
	[tilespmem:$0x1080] =	vst v63  }
0x8a: {  	s25 =	sadd.s32 s6, s23;
	s26 =	sand.u32 $0x1FFFFFF0, s24;
	s28 =	spop (v2sf)  }
0x8b: {  	[tilespmem:s14], [sflag:$0x1] =	stream.linear.gather [hbm4b:s25+s2], $0x80, $0x38;
	[tilespmem:$0x1080] =	vst v63  }
0x8c: {  	s29 =	sadd.s32 s6, s26;
	s30 =	sand.u32 $0x1FFFFFF0, s28;
	s31 =	spop (v2sf)  }
0x8d: {  	[tilespmem:s13], [sflag:$0x1] =	stream.linear.gather [hbm4b:s29+s2], $0x80, $0x38;
	[tilespmem:$0x1080] =	vst v63  }
0x8e: {  	s15 =	sand.u32 $0x1FFFFFF0, s31;
	s16 =	spop (v2sf);
	s14 =	sadd.s32 s6, s30  }
0x8f: {  	[tilespmem:s12], [sflag:$0x1] =	stream.linear.gather [hbm4b:s14+s2], $0x80, $0x38;
	[tilespmem:$0x1080] =	vst v63  }
0x90: {  	s17 =	sadd.s32 s6, s15;
	s18 =	sand.u32 $0x1FFFFFF0, s16;
	s19 =	spop (v2sf)  }
0x91: {  	[tilespmem:s11], [sflag:$0x1] =	stream.linear.gather [hbm4b:s17+s2], $0x80, $0x38;
	[tilespmem:$0x1080] =	vst v63  }
0x92: {  	s20 =	sadd.s32 s6, s18;
	s21 =	sand.u32 $0x1FFFFFF0, s19;
	s22 =	spop (v2sf)  }
0x93: {  	[tilespmem:s10], [sflag:$0x1] =	stream.linear.gather [hbm4b:s20+s2], $0x80, $0x38;
	[tilespmem:$0x1080] =	vst v63  }
0x94: {  	s23 =	sadd.s32 s6, s21;
	s24 =	sand.u32 $0x1FFFFFF0, s22;
	s25 =	spop (v2sf)  }
0x95: {  	[tilespmem:s9], [sflag:$0x1] =	stream.linear.gather [hbm4b:s23+s2], $0x80, $0x38;
	[tilespmem:$0x1080] =	vst v63  }
0x96: {  	s29 =	sld [smem:$0x7FD];
	s26 =	sadd.s32 s6, s24;
	s28 =	sand.u32 $0x1FFFFFF0, s25  }
0x97: {  	[tilespmem:s8], [sflag:$0x1] =	stream.linear.gather [hbm4b:s26+s2], $0x80, $0x38;
	[tilespmem:$0x1080] =	vst v63  }
0x98: {  	s30 =	sadd.s32 s6, s28  }
0x99: {  	[tilespmem:s29], [sflag:$0x1] =	stream.linear.gather [hbm4b:s30+s2], $0x80, $0x38;
	[tilespmem:$0x1080] =	vst v63  }
0x9a: {  	_ =	swait.ge [sflag:s5], $0x80  }
0x9b: {  	[sflag:s5] =	ssyncset.done $0x0  }
0x9c: {  	[sflag:s5] =	ssyncadd.s32 $0xFFFFFF80  }
0x9d: {  	_ =	swait.ge [sflag:s5], $0x80  }
0x9e: {  	[sflag:s5] =	ssyncset.done $0x0  }
0x9f: {  	[sflag:s5] =	ssyncadd.s32 $0xFFFFFF80  }
0xa0: {  	_ =	swait.ge [sflag:s5], $0x80  }
0xa1: {  	[sflag:s5] =	ssyncset.done $0x0  }
0xa2: {  	[sflag:s5] =	ssyncadd.s32 $0xFFFFFF80  }
0xa3: {  	_ =	swait.ge [sflag:s5], $0x80  }
0xa4: {  	[sflag:s5] =	ssyncset.done $0x0  }
0xa5: {  	[sflag:s5] =	ssyncadd.s32 $0xFFFFFF80  }
0xa6: {  	_ =	swait.ge [sflag:s5], $0x80  }
0xa7: {  	[sflag:s5] =	ssyncset.done $0x0  }
0xa8: {  	[sflag:s5] =	ssyncadd.s32 $0xFFFFFF80  }
0xa9: {  	_ =	swait.ge [sflag:s5], $0x80  }
0xaa: {  	[sflag:s5] =	ssyncset.done $0x0  }
0xab: {  	[sflag:s5] =	ssyncadd.s32 $0xFFFFFF80  }
0xac: {  	_ =	swait.ge [sflag:s5], $0x80  }
0xad: {  	[sflag:s5] =	ssyncset.done $0x0  }
0xae: {  	[sflag:s5] =	ssyncadd.s32 $0xFFFFFF80  }
0xaf: {  	_ =	swait.ge [sflag:s5], $0x80  }
0xb0: {  	[sflag:s5] =	ssyncset.done $0x0  }
0xb1: {  	[sflag:s5] =	ssyncadd.s32 $0xFFFFFF80  }
0xb2: {  	_ =	swait.ge [sflag:s5], $0x80  }
0xb3: {  	[sflag:s5] =	ssyncset.done $0x0  }
0xb4: {  	[sflag:s5] =	ssyncadd.s32 $0xFFFFFF80  }
0xb5: {  	_ =	swait.ge [sflag:s5], $0x80  }
0xb6: {  	[sflag:s5] =	ssyncset.done $0x0  }
0xb7: {  	[sflag:s5] =	ssyncadd.s32 $0xFFFFFF80  }
0xb8: {  	_ =	swait.ge [sflag:s5], $0x80  }
0xb9: {  	[sflag:s5] =	ssyncset.done $0x0  }
0xba: {  	[sflag:s5] =	ssyncadd.s32 $0xFFFFFF80  }
0xbb: {  	_ =	swait.ge [sflag:s5], $0x80  }
0xbc: {  	[sflag:s5] =	ssyncset.done $0x0  }
0xbd: {  	[sflag:s5] =	ssyncadd.s32 $0xFFFFFF80  }
0xbe: {  	_ =	swait.ge [sflag:s5], $0x80  }
0xbf: {  	[sflag:s5] =	ssyncset.done $0x0  }
0xc0: {  	[sflag:s5] =	ssyncadd.s32 $0xFFFFFF80  }
0xc1: {  	_ =	swait.ge [sflag:s5], $0x80  }
0xc2: {  	[sflag:s5] =	ssyncset.done $0x0  }
0xc3: {  	[sflag:s5] =	ssyncadd.s32 $0xFFFFFF80  }
0xc4: {  	_ =	swait.ge [sflag:s5], $0x80  }
0xc5: {  	[sflag:s5] =	ssyncset.done $0x0  }
0xc6: {  	[sflag:s5] =	ssyncadd.s32 $0xFFFFFF80  }
0xc7: {  	_ =	swait.ge [sflag:s5], $0x80  }
0xc8: {  	[sflag:s5] =	ssyncset.done $0x0  }
0xc9: {  	[sflag:s5] =	ssyncadd.s32 $0xFFFFFF80  }
0xca: {  	_ =	swait.ge [sflag:s5], $0x80  }
0xcb: {  	[sflag:s5] =	ssyncset.done $0x0  }
0xcc: {  	[sflag:s5] =	ssyncadd.s32 $0xFFFFFF80  }
0xcd: {  	_ =	swait.ge [sflag:s5], $0x80  }
0xce: {  	[sflag:s5] =	ssyncset.done $0x0  }
0xcf: {  	[sflag:s5] =	ssyncadd.s32 $0xFFFFFF80  }
0xd0: {  	_ =	swait.ge [sflag:s5], $0x80  }
0xd1: {  	[sflag:s5] =	ssyncset.done $0x0  }
0xd2: {  	[sflag:s5] =	ssyncadd.s32 $0xFFFFFF80  }
0xd3: {  	_ =	swait.ge [sflag:s5], $0x80  }
0xd4: {  	[sflag:s5] =	ssyncset.done $0x0  }
0xd5: {  	[sflag:s5] =	ssyncadd.s32 $0xFFFFFF80  }
0xd6: {  	_ =	swait.ge [sflag:s5], $0x80  }
0xd7: {  	[sflag:s5] =	ssyncset.done $0x0  }
0xd8: {  	[sflag:s5] =	ssyncadd.s32 $0xFFFFFF80  }
0xd9: {  	_ =	swait.ge [sflag:s5], $0x80  }
0xda: {  	[sflag:s5] =	ssyncset.done $0x0  }
0xdb: {  	[sflag:s5] =	ssyncadd.s32 $0xFFFFFF80  }
0xdc: {  	_ =	swait.ge [sflag:s5], $0x80  }
0xdd: {  	[sflag:s5] =	ssyncset.done $0x0  }
0xde: {  	[sflag:s5] =	ssyncadd.s32 $0xFFFFFF80  }
0xdf: {  	_ =	swait.ge [sflag:s5], $0x80  }
0xe0: {  	[sflag:s5] =	ssyncset.done $0x0  }
0xe1: {  	[sflag:s5] =	ssyncadd.s32 $0xFFFFFF80  }
0xe2: {  	_ =	swait.ge [sflag:s5], $0x80  }
0xe3: {  	[sflag:s5] =	ssyncset.done $0x0  }
0xe4: {  	[sflag:s5] =	ssyncadd.s32 $0xFFFFFF80  }
0xe5: {  	_ =	swait.ge [sflag:s5], $0x80  }
0xe6: {  	[sflag:s5] =	ssyncset.done $0x0  }
0xe7: {  	[sflag:s5] =	ssyncadd.s32 $0xFFFFFF80  }
0xe8: {  	_ =	swait.ge [sflag:s5], $0x80  }
0xe9: {  	[sflag:s5] =	ssyncset.done $0x0  }
0xea: {  	[sflag:s5] =	ssyncadd.s32 $0xFFFFFF80  }
0xeb: {  	_ =	swait.ge [sflag:s5], $0x80  }
0xec: {  	[sflag:s5] =	ssyncset.done $0x0  }
0xed: {  	[sflag:s5] =	ssyncadd.s32 $0xFFFFFF80  }
0xee: {  	_ =	swait.ge [sflag:s5], $0x80  }
0xef: {  	[sflag:s5] =	ssyncset.done $0x0  }
0xf0: {  	[sflag:s5] =	ssyncadd.s32 $0xFFFFFF80  }
0xf1: {  	_ =	swait.ge [sflag:s5], $0x80  }
0xf2: {  	[sflag:s5] =	ssyncset.done $0x0  }
0xf3: {  	[sflag:s5] =	ssyncadd.s32 $0xFFFFFF80  }
0xf4: {  	_ =	swait.ge [sflag:s5], $0x80  }
0xf5: {  	[sflag:s5] =	ssyncset.done $0x0  }
0xf6: {  	[sflag:s5] =	ssyncadd.s32 $0xFFFFFF80  }
0xf7: {  	p1 =	sne.s32 s7, $0x1;
	_ =	swait.ge [sflag:s5], $0x80  }
.Ltmp1:
0xf8: {  	[sflag:s5] =	ssyncset.done $0x0;
	(pc) =	sbr.rel @!p1 .LBB2_3-.Ltmp1, $4  }
0xf9: {  	s31 =	rddreg [dreg:$0x4];
	[sflag:s5] =	ssyncadd.s32 $0xFFFFFF80  }
0xfa: {  	[hbm4b:s31+s2] =	stream.linear.scatter [tilespmem:s4], [sflag:$0x2], $0x1000, $0x38;
	[tilespmem:$0x1080] =	vst v63  }
0xfb: {  	s7 =	sadd.s32 $0xFFFFFFFF, s7;
	_ =	swait.ge [sflag:s3], $0x1000  }
0xfc: {  	p0 =	por $0x1, $0x1;
	s8 =	rddreg [dreg:$0x3];
	[sflag:s3] =	ssyncset.done $0x0  }
.LBB2_2:
0xfd: {  	[sflag:s3] =	ssyncadd.s32 $0xFFFFF000  }
0xfe: {  	[tilespmem:s2], [sflag:$0x2] =	stream.linear.gather [hbm4b:s8+s2], $0x20, $0x38;
	[tilespmem:$0x1080] =	vst v63  }
0xff: {  	_ =	swait.ge [sflag:s3], $0x20  }
0x100: {  	[sflag:s3] =	ssyncset.done $0x0  }
0x101: {  	[sflag:s3] =	ssyncadd.s32 $0xFFFFFFE0  }
0x102: {  	v0 =	vld [tilespmem:$0x0];
	_ =	sdelay $0x4  }
0x103: {  	v0 =	vadd.s32 $0xFFFFFFFF, v0  }
0x104: {  	vm0 =	vgt.s32 v0, $0x0  }
0x105: {  	vm13 =	veq.s32 v0, $0x15B2;
	v1 =	vnsel vm0, $0x0, v0  }
0x106: {  	v0 =	vsel vm13, $0x2EE, v1  }
0x107: {  	v0 =	vshll.u32 v0, $0x4  }
0x108: {  	(v2sf) =	vpush v0, $0x0  }
0x109: {  	(v2sf) =	vpush v0, $0x1  }
0x10a: {  	(v2sf) =	vpush v0, $0x2;
	_ =	sdelay $0x1  }
0x10b: {  	s9 =	rddreg [dreg:$0x11];
	(v2sf) =	vpush v0, $0x3  }
0x10c: {  	s10 =	rddreg [dreg:$0x10]  }
0x10d: {  	s11 =	rddreg [dreg:$0xf];
	(v2sf) =	vpush v0, $0x4  }
0x10e: {  	s12 =	rddreg [dreg:$0xe]  }
0x10f: {  	s13 =	rddreg [dreg:$0xd];
	(v2sf) =	vpush v0, $0x5  }
0x110: {  	s14 =	rddreg [dreg:$0xc]  }
0x111: {  	s15 =	rddreg [dreg:$0xb];
	(v2sf) =	vpush v0, $0x6  }
0x112: {  	s16 =	rddreg [dreg:$0xa]  }
0x113: {  	s17 =	rddreg [dreg:$0x9];
	(v2sf) =	vpush v0, $0x7  }
0x114: {  	s18 =	rddreg [dreg:$0x8]  }
0x115: {  	s19 =	rddreg [dreg:$0x7];
	(v2sf) =	vpush v0, $0x8  }
0x116: {  	s20 =	rddreg [dreg:$0x6];
	s21 =	spop (v2sf)  }
0x117: {  	s22 =	rddreg [dreg:$0x5];
	s21 =	sand.u32 $0x1FFFFFF0, s21;
	s23 =	spop (v2sf);
	(v2sf) =	vpush v0, $0x9  }
0x118: {  	s21 =	sadd.s32 s6, s21;
	s23 =	sand.u32 $0x1FFFFFF0, s23;
	s24 =	spop (v2sf)  }
0x119: {  	(v2sf) =	vpush v0, $0xA;
	[tilespmem:s4], [sflag:$0x1] =	stream.linear.gather [hbm4b:s21+s2], $0x80, $0x38;
	[tilespmem:$0x1080] =	vst v63  }
0x11a: {  	s29 =	sadd.s32 s6, s23;
	s30 =	sand.u32 $0x1FFFFFF0, s24;
	s31 =	spop (v2sf)  }
0x11b: {  	(v2sf) =	vpush v0, $0xB;
	[tilespmem:s22], [sflag:$0x1] =	stream.linear.gather [hbm4b:s29+s2], $0x80, $0x38;
	[tilespmem:$0x1080] =	vst v63  }
0x11c: {  	s25 =	sadd.s32 s6, s30;
	s26 =	sand.u32 $0x1FFFFFF0, s31;
	s28 =	spop (v2sf)  }
0x11d: {  	(v2sf) =	vpush v0, $0xC;
	[tilespmem:s20], [sflag:$0x1] =	stream.linear.gather [hbm4b:s25+s2], $0x80, $0x38;
	[tilespmem:$0x1080] =	vst v63  }
0x11e: {  	s29 =	sadd.s32 s6, s26;
	s30 =	sand.u32 $0x1FFFFFF0, s28;
	s31 =	spop (v2sf)  }
0x11f: {  	(v2sf) =	vpush v0, $0xD;
	[tilespmem:s19], [sflag:$0x1] =	stream.linear.gather [hbm4b:s29+s2], $0x80, $0x38;
	[tilespmem:$0x1080] =	vst v63  }
0x120: {  	s21 =	sadd.s32 s6, s30;
	s23 =	sand.u32 $0x1FFFFFF0, s31;
	s24 =	spop (v2sf)  }
0x121: {  	(v2sf) =	vpush v0, $0xE;
	[tilespmem:s18], [sflag:$0x1] =	stream.linear.gather [hbm4b:s21+s2], $0x80, $0x38;
	[tilespmem:$0x1080] =	vst v63  }
0x122: {  	s25 =	sadd.s32 s6, s23;
	s26 =	sand.u32 $0x1FFFFFF0, s24;
	s28 =	spop (v2sf)  }
0x123: {  	(v2sf) =	vpush v0, $0xF;
	[tilespmem:s17], [sflag:$0x1] =	stream.linear.gather [hbm4b:s25+s2], $0x80, $0x38;
	[tilespmem:$0x1080] =	vst v63  }
0x124: {  	s30 =	sand.u32 $0x1FFFFFF0, s28;
	s31 =	spop (v2sf);
	s29 =	sadd.s32 s6, s26  }
0x125: {  	[tilespmem:s16], [sflag:$0x1] =	stream.linear.gather [hbm4b:s29+s2], $0x80, $0x38;
	[tilespmem:$0x1080] =	vst v63  }
0x126: {  	s20 =	sand.u32 $0x1FFFFFF0, s31;
	s18 =	sadd.s32 s6, s30;
	s21 =	spop (v2sf)  }
0x127: {  	[tilespmem:s15], [sflag:$0x1] =	stream.linear.gather [hbm4b:s18+s2], $0x80, $0x38;
	[tilespmem:$0x1080] =	vst v63  }
0x128: {  	s22 =	sadd.s32 s6, s20;
	s23 =	sand.u32 $0x1FFFFFF0, s21;
	s24 =	spop (v2sf)  }
0x129: {  	[tilespmem:s14], [sflag:$0x1] =	stream.linear.gather [hbm4b:s22+s2], $0x80, $0x38;
	[tilespmem:$0x1080] =	vst v63  }
0x12a: {  	s25 =	sadd.s32 s6, s23;
	s26 =	sand.u32 $0x1FFFFFF0, s24;
	s28 =	spop (v2sf)  }
0x12b: {  	[tilespmem:s13], [sflag:$0x1] =	stream.linear.gather [hbm4b:s25+s2], $0x80, $0x38;
	[tilespmem:$0x1080] =	vst v63  }
0x12c: {  	s29 =	sadd.s32 s6, s26;
	s30 =	sand.u32 $0x1FFFFFF0, s28;
	s31 =	spop (v2sf)  }
0x12d: {  	[tilespmem:s12], [sflag:$0x1] =	stream.linear.gather [hbm4b:s29+s2], $0x80, $0x38;
	[tilespmem:$0x1080] =	vst v63  }
0x12e: {  	s14 =	sadd.s32 s6, s30;
	s15 =	sand.u32 $0x1FFFFFF0, s31;
	s16 =	spop (v2sf)  }
0x12f: {  	[tilespmem:s11], [sflag:$0x1] =	stream.linear.gather [hbm4b:s14+s2], $0x80, $0x38;
	[tilespmem:$0x1080] =	vst v63  }
0x130: {  	s17 =	sadd.s32 s6, s15;
	s18 =	sand.u32 $0x1FFFFFF0, s16;
	s19 =	spop (v2sf)  }
0x131: {  	[tilespmem:s10], [sflag:$0x1] =	stream.linear.gather [hbm4b:s17+s2], $0x80, $0x38;
	[tilespmem:$0x1080] =	vst v63  }
0x132: {  	s20 =	sadd.s32 s6, s18;
	s21 =	sand.u32 $0x1FFFFFF0, s19;
	s22 =	spop (v2sf)  }
0x133: {  	[tilespmem:s9], [sflag:$0x1] =	stream.linear.gather [hbm4b:s20+s2], $0x80, $0x38;
	[tilespmem:$0x1080] =	vst v63  }
0x134: {  	s8 =	rddreg [dreg:$0x12];
	s23 =	sadd.s32 s6, s21;
	s24 =	sand.u32 $0x1FFFFFF0, s22  }
0x135: {  	[tilespmem:s8], [sflag:$0x1] =	stream.linear.gather [hbm4b:s23+s2], $0x80, $0x38;
	[tilespmem:$0x1080] =	vst v63  }
0x136: {  	s25 =	rddreg [dreg:$0x13];
	s26 =	sadd.s32 s6, s24  }
0x137: {  	[tilespmem:s25], [sflag:$0x1] =	stream.linear.gather [hbm4b:s26+s2], $0x80, $0x38;
	[tilespmem:$0x1080] =	vst v63  }
0x138: {  	v62 =	vld [tilespmem:$0x10];
	_ =	sdelay $0x4  }
0x139: {  	v0 =	vadd.s32 $0xFFFFFFFF, v62  }
0x13a: {  	vm14 =	vgt.s32 v0, $0x0  }
0x13b: {  	vm15 =	veq.s32 v0, $0x15B2;
	v63 =	vnsel vm14, $0x0, v0  }
0x13c: {  	v0 =	vsel vm15, $0x2EE, v63  }
0x13d: {  	v0 =	vshll.u32 v0, $0x4  }
0x13e: {  	(v2sf) =	vpush v0, $0x0  }
0x13f: {  	(v2sf) =	vpush v0, $0x1  }
0x140: {  	s28 =	rddreg [dreg:$0x14];
	(v2sf) =	vpush v0, $0x2  }
0x141: {  	s30 =	rddreg [dreg:$0x15]  }
0x142: {  	s13 =	rddreg [dreg:$0x1d];
	(v2sf) =	vpush v0, $0x3  }
0x143: {  	s15 =	rddreg [dreg:$0x1b]  }
0x144: {  	s16 =	rddreg [dreg:$0x1a];
	(v2sf) =	vpush v0, $0x4  }
0x145: {  	s18 =	rddreg [dreg:$0x18]  }
0x146: {  	s19 =	rddreg [dreg:$0x17];
	(v2sf) =	vpush v0, $0x5  }
0x147: {  	s12 =	rddreg [dreg:$0x1e]  }
0x148: {  	s11 =	rddreg [dreg:$0x1f];
	(v2sf) =	vpush v0, $0x6  }
0x149: {  	s14 =	rddreg [dreg:$0x1c]  }
0x14a: {  	s10 =	sld [smem:$0x7FA];
	(v2sf) =	vpush v0, $0x7  }
0x14b: {  	s17 =	rddreg [dreg:$0x19]  }
0x14c: {  	s9 =	sld [smem:$0x7FB];
	(v2sf) =	vpush v0, $0x8  }
0x14d: {  	s20 =	rddreg [dreg:$0x16];
	s29 =	spop (v2sf)  }
0x14e: {  	s8 =	sld [smem:$0x7FC];
	s22 =	sand.u32 $0x1FFFFFF0, s29;
	s31 =	spop (v2sf);
	(v2sf) =	vpush v0, $0x9  }
0x14f: {  	s22 =	sadd.s32 s6, s22;
	s24 =	sand.u32 $0x1FFFFFF0, s31;
	s25 =	spop (v2sf)  }
0x150: {  	(v2sf) =	vpush v0, $0xA;
	[tilespmem:s28], [sflag:$0x1] =	stream.linear.gather [hbm4b:s22+s2], $0x80, $0x38;
	[tilespmem:$0x1080] =	vst v63  }
0x151: {  	s24 =	sadd.s32 s6, s24;
	s26 =	sand.u32 $0x1FFFFFF0, s25;
	s28 =	spop (v2sf)  }
0x152: {  	(v2sf) =	vpush v0, $0xB;
	[tilespmem:s30], [sflag:$0x1] =	stream.linear.gather [hbm4b:s24+s2], $0x80, $0x38;
	[tilespmem:$0x1080] =	vst v63  }
0x153: {  	s29 =	sadd.s32 s6, s26;
	s31 =	spop (v2sf);
	s30 =	sand.u32 $0x1FFFFFF0, s28  }
0x154: {  	(v2sf) =	vpush v0, $0xC;
	[tilespmem:s20], [sflag:$0x1] =	stream.linear.gather [hbm4b:s29+s2], $0x80, $0x38;
	[tilespmem:$0x1080] =	vst v63  }
0x155: {  	s23 =	sand.u32 $0x1FFFFFF0, s31;
	s24 =	spop (v2sf);
	s22 =	sadd.s32 s6, s30  }
0x156: {  	(v2sf) =	vpush v0, $0xD;
	[tilespmem:s19], [sflag:$0x1] =	stream.linear.gather [hbm4b:s22+s2], $0x80, $0x38;
	[tilespmem:$0x1080] =	vst v63  }
0x157: {  	s25 =	sadd.s32 s6, s23;
	s26 =	sand.u32 $0x1FFFFFF0, s24;
	s28 =	spop (v2sf)  }
0x158: {  	(v2sf) =	vpush v0, $0xE;
	[tilespmem:s18], [sflag:$0x1] =	stream.linear.gather [hbm4b:s25+s2], $0x80, $0x38;
	[tilespmem:$0x1080] =	vst v63  }
0x159: {  	s29 =	sadd.s32 s6, s26;
	s30 =	sand.u32 $0x1FFFFFF0, s28;
	s31 =	spop (v2sf)  }
0x15a: {  	(v2sf) =	vpush v0, $0xF;
	[tilespmem:s17], [sflag:$0x1] =	stream.linear.gather [hbm4b:s29+s2], $0x80, $0x38;
	[tilespmem:$0x1080] =	vst v63  }
0x15b: {  	s20 =	sand.u32 $0x1FFFFFF0, s31;
	s21 =	spop (v2sf);
	s19 =	sadd.s32 s6, s30  }
0x15c: {  	[tilespmem:s16], [sflag:$0x1] =	stream.linear.gather [hbm4b:s19+s2], $0x80, $0x38;
	[tilespmem:$0x1080] =	vst v63  }
0x15d: {  	s22 =	sadd.s32 s6, s20;
	s23 =	sand.u32 $0x1FFFFFF0, s21;
	s24 =	spop (v2sf)  }
0x15e: {  	[tilespmem:s15], [sflag:$0x1] =	stream.linear.gather [hbm4b:s22+s2], $0x80, $0x38;
	[tilespmem:$0x1080] =	vst v63  }
0x15f: {  	s25 =	sadd.s32 s6, s23;
	s26 =	sand.u32 $0x1FFFFFF0, s24;
	s28 =	spop (v2sf)  }
0x160: {  	[tilespmem:s14], [sflag:$0x1] =	stream.linear.gather [hbm4b:s25+s2], $0x80, $0x38;
	[tilespmem:$0x1080] =	vst v63  }
0x161: {  	s29 =	sadd.s32 s6, s26;
	s30 =	sand.u32 $0x1FFFFFF0, s28;
	s31 =	spop (v2sf)  }
0x162: {  	[tilespmem:s13], [sflag:$0x1] =	stream.linear.gather [hbm4b:s29+s2], $0x80, $0x38;
	[tilespmem:$0x1080] =	vst v63  }
0x163: {  	s14 =	sadd.s32 s6, s30;
	s15 =	sand.u32 $0x1FFFFFF0, s31;
	s16 =	spop (v2sf)  }
0x164: {  	[tilespmem:s12], [sflag:$0x1] =	stream.linear.gather [hbm4b:s14+s2], $0x80, $0x38;
	[tilespmem:$0x1080] =	vst v63  }
0x165: {  	s17 =	sadd.s32 s6, s15;
	s18 =	sand.u32 $0x1FFFFFF0, s16;
	s19 =	spop (v2sf)  }
0x166: {  	[tilespmem:s11], [sflag:$0x1] =	stream.linear.gather [hbm4b:s17+s2], $0x80, $0x38;
	[tilespmem:$0x1080] =	vst v63  }
0x167: {  	s20 =	sadd.s32 s6, s18;
	s21 =	sand.u32 $0x1FFFFFF0, s19;
	s22 =	spop (v2sf)  }
0x168: {  	[tilespmem:s10], [sflag:$0x1] =	stream.linear.gather [hbm4b:s20+s2], $0x80, $0x38;
	[tilespmem:$0x1080] =	vst v63  }
0x169: {  	s23 =	sadd.s32 s6, s21;
	s24 =	sand.u32 $0x1FFFFFF0, s22;
	s25 =	spop (v2sf)  }
0x16a: {  	[tilespmem:s9], [sflag:$0x1] =	stream.linear.gather [hbm4b:s23+s2], $0x80, $0x38;
	[tilespmem:$0x1080] =	vst v63  }
0x16b: {  	s29 =	sld [smem:$0x7FD];
	s26 =	sadd.s32 s6, s24;
	s28 =	sand.u32 $0x1FFFFFF0, s25  }
0x16c: {  	[tilespmem:s8], [sflag:$0x1] =	stream.linear.gather [hbm4b:s26+s2], $0x80, $0x38;
	[tilespmem:$0x1080] =	vst v63  }
0x16d: {  	s30 =	sadd.s32 s6, s28  }
0x16e: {  	[tilespmem:s29], [sflag:$0x1] =	stream.linear.gather [hbm4b:s30+s2], $0x80, $0x38;
	[tilespmem:$0x1080] =	vst v63  }
0x16f: {  	_ =	swait.ge [sflag:s5], $0x80  }
0x170: {  	[sflag:s5] =	ssyncset.done $0x0  }
0x171: {  	[sflag:s5] =	ssyncadd.s32 $0xFFFFFF80  }
0x172: {  	_ =	swait.ge [sflag:s5], $0x80  }
0x173: {  	[sflag:s5] =	ssyncset.done $0x0  }
0x174: {  	[sflag:s5] =	ssyncadd.s32 $0xFFFFFF80  }
0x175: {  	_ =	swait.ge [sflag:s5], $0x80  }
0x176: {  	[sflag:s5] =	ssyncset.done $0x0  }
0x177: {  	[sflag:s5] =	ssyncadd.s32 $0xFFFFFF80  }
0x178: {  	_ =	swait.ge [sflag:s5], $0x80  }
0x179: {  	[sflag:s5] =	ssyncset.done $0x0  }
0x17a: {  	[sflag:s5] =	ssyncadd.s32 $0xFFFFFF80  }
0x17b: {  	_ =	swait.ge [sflag:s5], $0x80  }
0x17c: {  	[sflag:s5] =	ssyncset.done $0x0  }
0x17d: {  	[sflag:s5] =	ssyncadd.s32 $0xFFFFFF80  }
0x17e: {  	_ =	swait.ge [sflag:s5], $0x80  }
0x17f: {  	[sflag:s5] =	ssyncset.done $0x0  }
0x180: {  	[sflag:s5] =	ssyncadd.s32 $0xFFFFFF80  }
0x181: {  	_ =	swait.ge [sflag:s5], $0x80  }
0x182: {  	[sflag:s5] =	ssyncset.done $0x0  }
0x183: {  	[sflag:s5] =	ssyncadd.s32 $0xFFFFFF80  }
0x184: {  	_ =	swait.ge [sflag:s5], $0x80  }
0x185: {  	[sflag:s5] =	ssyncset.done $0x0  }
0x186: {  	[sflag:s5] =	ssyncadd.s32 $0xFFFFFF80  }
0x187: {  	_ =	swait.ge [sflag:s5], $0x80  }
0x188: {  	[sflag:s5] =	ssyncset.done $0x0  }
0x189: {  	[sflag:s5] =	ssyncadd.s32 $0xFFFFFF80  }
0x18a: {  	_ =	swait.ge [sflag:s5], $0x80  }
0x18b: {  	[sflag:s5] =	ssyncset.done $0x0  }
0x18c: {  	[sflag:s5] =	ssyncadd.s32 $0xFFFFFF80  }
0x18d: {  	_ =	swait.ge [sflag:s5], $0x80  }
0x18e: {  	[sflag:s5] =	ssyncset.done $0x0  }
0x18f: {  	[sflag:s5] =	ssyncadd.s32 $0xFFFFFF80  }
0x190: {  	_ =	swait.ge [sflag:s5], $0x80  }
0x191: {  	[sflag:s5] =	ssyncset.done $0x0  }
0x192: {  	[sflag:s5] =	ssyncadd.s32 $0xFFFFFF80  }
0x193: {  	_ =	swait.ge [sflag:s5], $0x80  }
0x194: {  	[sflag:s5] =	ssyncset.done $0x0  }
0x195: {  	[sflag:s5] =	ssyncadd.s32 $0xFFFFFF80  }
0x196: {  	_ =	swait.ge [sflag:s5], $0x80  }
0x197: {  	[sflag:s5] =	ssyncset.done $0x0  }
0x198: {  	[sflag:s5] =	ssyncadd.s32 $0xFFFFFF80  }
0x199: {  	_ =	swait.ge [sflag:s5], $0x80  }
0x19a: {  	[sflag:s5] =	ssyncset.done $0x0  }
0x19b: {  	[sflag:s5] =	ssyncadd.s32 $0xFFFFFF80  }
0x19c: {  	_ =	swait.ge [sflag:s5], $0x80  }
0x19d: {  	[sflag:s5] =	ssyncset.done $0x0  }
0x19e: {  	[sflag:s5] =	ssyncadd.s32 $0xFFFFFF80  }
0x19f: {  	_ =	swait.ge [sflag:s5], $0x80  }
0x1a0: {  	[sflag:s5] =	ssyncset.done $0x0  }
0x1a1: {  	[sflag:s5] =	ssyncadd.s32 $0xFFFFFF80  }
0x1a2: {  	_ =	swait.ge [sflag:s5], $0x80  }
0x1a3: {  	[sflag:s5] =	ssyncset.done $0x0  }
0x1a4: {  	[sflag:s5] =	ssyncadd.s32 $0xFFFFFF80  }
0x1a5: {  	_ =	swait.ge [sflag:s5], $0x80  }
0x1a6: {  	[sflag:s5] =	ssyncset.done $0x0  }
0x1a7: {  	[sflag:s5] =	ssyncadd.s32 $0xFFFFFF80  }
0x1a8: {  	_ =	swait.ge [sflag:s5], $0x80  }
0x1a9: {  	[sflag:s5] =	ssyncset.done $0x0  }
0x1aa: {  	[sflag:s5] =	ssyncadd.s32 $0xFFFFFF80  }
0x1ab: {  	_ =	swait.ge [sflag:s5], $0x80  }
0x1ac: {  	[sflag:s5] =	ssyncset.done $0x0  }
0x1ad: {  	[sflag:s5] =	ssyncadd.s32 $0xFFFFFF80  }
0x1ae: {  	_ =	swait.ge [sflag:s5], $0x80  }
0x1af: {  	[sflag:s5] =	ssyncset.done $0x0  }
0x1b0: {  	[sflag:s5] =	ssyncadd.s32 $0xFFFFFF80  }
0x1b1: {  	_ =	swait.ge [sflag:s5], $0x80  }
0x1b2: {  	[sflag:s5] =	ssyncset.done $0x0  }
0x1b3: {  	[sflag:s5] =	ssyncadd.s32 $0xFFFFFF80  }
0x1b4: {  	_ =	swait.ge [sflag:s5], $0x80  }
0x1b5: {  	[sflag:s5] =	ssyncset.done $0x0  }
0x1b6: {  	[sflag:s5] =	ssyncadd.s32 $0xFFFFFF80  }
0x1b7: {  	_ =	swait.ge [sflag:s5], $0x80  }
0x1b8: {  	[sflag:s5] =	ssyncset.done $0x0  }
0x1b9: {  	[sflag:s5] =	ssyncadd.s32 $0xFFFFFF80  }
0x1ba: {  	_ =	swait.ge [sflag:s5], $0x80  }
0x1bb: {  	[sflag:s5] =	ssyncset.done $0x0  }
0x1bc: {  	[sflag:s5] =	ssyncadd.s32 $0xFFFFFF80  }
0x1bd: {  	_ =	swait.ge [sflag:s5], $0x80  }
0x1be: {  	[sflag:s5] =	ssyncset.done $0x0  }
0x1bf: {  	[sflag:s5] =	ssyncadd.s32 $0xFFFFFF80  }
0x1c0: {  	_ =	swait.ge [sflag:s5], $0x80  }
0x1c1: {  	[sflag:s5] =	ssyncset.done $0x0  }
0x1c2: {  	[sflag:s5] =	ssyncadd.s32 $0xFFFFFF80  }
0x1c3: {  	_ =	swait.ge [sflag:s5], $0x80  }
0x1c4: {  	[sflag:s5] =	ssyncset.done $0x0  }
0x1c5: {  	[sflag:s5] =	ssyncadd.s32 $0xFFFFFF80  }
0x1c6: {  	_ =	swait.ge [sflag:s5], $0x80  }
0x1c7: {  	[sflag:s5] =	ssyncset.done $0x0  }
0x1c8: {  	[sflag:s5] =	ssyncadd.s32 $0xFFFFFF80  }
0x1c9: {  	_ =	swait.ge [sflag:s5], $0x80  }
0x1ca: {  	[sflag:s5] =	ssyncset.done $0x0  }
0x1cb: {  	[sflag:s5] =	ssyncadd.s32 $0xFFFFFF80  }
0x1cc: {  	p1 =	sne.s32 s7, $0x1;
	_ =	swait.ge [sflag:s5], $0x80  }
.Ltmp2:
0x1cd: {  	[sflag:s5] =	ssyncset.done $0x0;
	(pc) =	sbr.rel @p1 .LBB2_2-.Ltmp2, $4  }
0x1ce: {  	s31 =	rddreg [dreg:$0x4];
	[sflag:s5] =	ssyncadd.s32 $0xFFFFFF80  }
0x1cf: {  	[hbm4b:s31+s2] =	stream.linear.scatter [tilespmem:s4], [sflag:$0x2], $0x1000, $0x38;
	[tilespmem:$0x1080] =	vst v63  }
0x1d0: {  	_ =	swait.ge [sflag:s3], $0x1000  }
0x1d1: {  	s7 =	sadd.s32 $0xFFFFFFFF, s7;
	s8 =	rddreg [dreg:$0x3];
	[sflag:s3] =	ssyncset.done $0x0  }
.LBB2_3:
0x1d2: {  	[sflag:s3] =	ssyncadd.s32 @p0 $0xFFFFF000  }
0x1d3: {  	[tilespmem:s2], [sflag:$0x2] =	stream.linear.gather [hbm4b:s8+s2], $0x20, $0x38;
	[tilespmem:$0x1080] =	vst v63  }
0x1d4: {  	_ =	swait.ge [sflag:s3], $0x20  }
0x1d5: {  	[sflag:s3] =	ssyncset.done $0x0  }
0x1d6: {  	[sflag:s3] =	ssyncadd.s32 $0xFFFFFFE0  }
0x1d7: {  	v0 =	vld [tilespmem:$0x0];
	_ =	sdelay $0x4  }
0x1d8: {  	v0 =	vadd.s32 $0xFFFFFFFF, v0  }
0x1d9: {  	vm0 =	vgt.s32 v0, $0x0  }
0x1da: {  	vm13 =	veq.s32 v0, $0x15B2;
	v1 =	vnsel vm0, $0x0, v0  }
0x1db: {  	v0 =	vsel vm13, $0x2EE, v1  }
0x1dc: {  	v0 =	vshll.u32 v0, $0x4  }
0x1dd: {  	(v2sf) =	vpush v0, $0x0  }
0x1de: {  	(v2sf) =	vpush v0, $0x1  }
0x1df: {  	(v2sf) =	vpush v0, $0x2;
	_ =	sdelay $0x1  }
0x1e0: {  	s8 =	rddreg [dreg:$0x11];
	(v2sf) =	vpush v0, $0x3  }
0x1e1: {  	s9 =	rddreg [dreg:$0x10]  }
0x1e2: {  	s10 =	rddreg [dreg:$0xf];
	(v2sf) =	vpush v0, $0x4  }
0x1e3: {  	s11 =	rddreg [dreg:$0xe]  }
0x1e4: {  	s12 =	rddreg [dreg:$0xd];
	(v2sf) =	vpush v0, $0x5  }
0x1e5: {  	s13 =	rddreg [dreg:$0xc]  }
0x1e6: {  	s14 =	rddreg [dreg:$0xb];
	(v2sf) =	vpush v0, $0x6  }
0x1e7: {  	s15 =	rddreg [dreg:$0xa]  }
0x1e8: {  	s16 =	rddreg [dreg:$0x9];
	(v2sf) =	vpush v0, $0x7  }
0x1e9: {  	s17 =	rddreg [dreg:$0x8]  }
0x1ea: {  	s18 =	rddreg [dreg:$0x7];
	(v2sf) =	vpush v0, $0x8  }
0x1eb: {  	s19 =	rddreg [dreg:$0x6];
	s20 =	spop (v2sf)  }
0x1ec: {  	s21 =	rddreg [dreg:$0x5];
	s20 =	sand.u32 $0x1FFFFFF0, s20;
	s22 =	spop (v2sf);
	(v2sf) =	vpush v0, $0x9  }
0x1ed: {  	s20 =	sadd.s32 s6, s20;
	s22 =	sand.u32 $0x1FFFFFF0, s22;
	s23 =	spop (v2sf)  }
0x1ee: {  	(v2sf) =	vpush v0, $0xA;
	[tilespmem:s4], [sflag:$0x1] =	stream.linear.gather [hbm4b:s20+s2], $0x80, $0x38;
	[tilespmem:$0x1080] =	vst v63  }
0x1ef: {  	s22 =	sadd.s32 s6, s22;
	s23 =	sand.u32 $0x1FFFFFF0, s23;
	s24 =	spop (v2sf)  }
0x1f0: {  	(v2sf) =	vpush v0, $0xB;
	[tilespmem:s21], [sflag:$0x1] =	stream.linear.gather [hbm4b:s22+s2], $0x80, $0x38;
	[tilespmem:$0x1080] =	vst v63  }
0x1f1: {  	s25 =	sadd.s32 s6, s23;
	s26 =	sand.u32 $0x1FFFFFF0, s24;
	s28 =	spop (v2sf)  }
0x1f2: {  	(v2sf) =	vpush v0, $0xC;
	[tilespmem:s19], [sflag:$0x1] =	stream.linear.gather [hbm4b:s25+s2], $0x80, $0x38;
	[tilespmem:$0x1080] =	vst v63  }
0x1f3: {  	s29 =	sadd.s32 s6, s26;
	s30 =	sand.u32 $0x1FFFFFF0, s28;
	s31 =	spop (v2sf)  }
0x1f4: {  	(v2sf) =	vpush v0, $0xD;
	[tilespmem:s18], [sflag:$0x1] =	stream.linear.gather [hbm4b:s29+s2], $0x80, $0x38;
	[tilespmem:$0x1080] =	vst v63  }
0x1f5: {  	s22 =	sadd.s32 s6, s30;
	s23 =	sand.u32 $0x1FFFFFF0, s31;
	s24 =	spop (v2sf)  }
0x1f6: {  	(v2sf) =	vpush v0, $0xE;
	[tilespmem:s17], [sflag:$0x1] =	stream.linear.gather [hbm4b:s22+s2], $0x80, $0x38;
	[tilespmem:$0x1080] =	vst v63  }
0x1f7: {  	s25 =	sadd.s32 s6, s23;
	s26 =	sand.u32 $0x1FFFFFF0, s24;
	s28 =	spop (v2sf)  }
0x1f8: {  	(v2sf) =	vpush v0, $0xF;
	[tilespmem:s16], [sflag:$0x1] =	stream.linear.gather [hbm4b:s25+s2], $0x80, $0x38;
	[tilespmem:$0x1080] =	vst v63  }
0x1f9: {  	s30 =	sand.u32 $0x1FFFFFF0, s28;
	s31 =	spop (v2sf);
	s29 =	sadd.s32 s6, s26  }
0x1fa: {  	[tilespmem:s15], [sflag:$0x1] =	stream.linear.gather [hbm4b:s29+s2], $0x80, $0x38;
	[tilespmem:$0x1080] =	vst v63  }
0x1fb: {  	s19 =	sadd.s32 s6, s30;
	s20 =	sand.u32 $0x1FFFFFF0, s31;
	s21 =	spop (v2sf)  }
0x1fc: {  	[tilespmem:s14], [sflag:$0x1] =	stream.linear.gather [hbm4b:s19+s2], $0x80, $0x38;
	[tilespmem:$0x1080] =	vst v63  }
0x1fd: {  	s22 =	sadd.s32 s6, s20;
	s23 =	sand.u32 $0x1FFFFFF0, s21;
	s24 =	spop (v2sf)  }
0x1fe: {  	[tilespmem:s13], [sflag:$0x1] =	stream.linear.gather [hbm4b:s22+s2], $0x80, $0x38;
	[tilespmem:$0x1080] =	vst v63  }
0x1ff: {  	s25 =	sadd.s32 s6, s23;
	s26 =	sand.u32 $0x1FFFFFF0, s24;
	s28 =	spop (v2sf)  }
0x200: {  	[tilespmem:s12], [sflag:$0x1] =	stream.linear.gather [hbm4b:s25+s2], $0x80, $0x38;
	[tilespmem:$0x1080] =	vst v63  }
0x201: {  	s29 =	sadd.s32 s6, s26;
	s30 =	sand.u32 $0x1FFFFFF0, s28;
	s31 =	spop (v2sf)  }
0x202: {  	[tilespmem:s11], [sflag:$0x1] =	stream.linear.gather [hbm4b:s29+s2], $0x80, $0x38;
	[tilespmem:$0x1080] =	vst v63  }
0x203: {  	s15 =	sadd.s32 s6, s30;
	s16 =	sand.u32 $0x1FFFFFF0, s31;
	s17 =	spop (v2sf)  }
0x204: {  	[tilespmem:s10], [sflag:$0x1] =	stream.linear.gather [hbm4b:s15+s2], $0x80, $0x38;
	[tilespmem:$0x1080] =	vst v63  }
0x205: {  	s18 =	sadd.s32 s6, s16;
	s19 =	sand.u32 $0x1FFFFFF0, s17;
	s20 =	spop (v2sf)  }
0x206: {  	[tilespmem:s9], [sflag:$0x1] =	stream.linear.gather [hbm4b:s18+s2], $0x80, $0x38;
	[tilespmem:$0x1080] =	vst v63  }
0x207: {  	s21 =	sadd.s32 s6, s19;
	s22 =	sand.u32 $0x1FFFFFF0, s20;
	s23 =	spop (v2sf)  }
0x208: {  	[tilespmem:s8], [sflag:$0x1] =	stream.linear.gather [hbm4b:s21+s2], $0x80, $0x38;
	[tilespmem:$0x1080] =	vst v63  }
0x209: {  	s7 =	rddreg [dreg:$0x12];
	s24 =	sadd.s32 s6, s22;
	s25 =	sand.u32 $0x1FFFFFF0, s23  }
0x20a: {  	[tilespmem:s7], [sflag:$0x1] =	stream.linear.gather [hbm4b:s24+s2], $0x80, $0x38;
	[tilespmem:$0x1080] =	vst v63  }
0x20b: {  	s26 =	rddreg [dreg:$0x13];
	s28 =	sadd.s32 s6, s25  }
0x20c: {  	[tilespmem:s26], [sflag:$0x1] =	stream.linear.gather [hbm4b:s28+s2], $0x80, $0x38;
	[tilespmem:$0x1080] =	vst v63  }
0x20d: {  	v62 =	vld [tilespmem:$0x10];
	_ =	sdelay $0x4  }
0x20e: {  	v0 =	vadd.s32 $0xFFFFFFFF, v62  }
0x20f: {  	vm14 =	vgt.s32 v0, $0x0  }
0x210: {  	vm15 =	veq.s32 v0, $0x15B2;
	v63 =	vnsel vm14, $0x0, v0  }
0x211: {  	v0 =	vsel vm15, $0x2EE, v63  }
0x212: {  	v0 =	vshll.u32 v0, $0x4  }
0x213: {  	(v2sf) =	vpush v0, $0x0  }
0x214: {  	(v2sf) =	vpush v0, $0x1  }
0x215: {  	s14 =	rddreg [dreg:$0x1b];
	(v2sf) =	vpush v0, $0x2  }
0x216: {  	s13 =	rddreg [dreg:$0x1c]  }
0x217: {  	s31 =	rddreg [dreg:$0x15];
	(v2sf) =	vpush v0, $0x3  }
0x218: {  	s12 =	rddreg [dreg:$0x1d]  }
0x219: {  	s16 =	rddreg [dreg:$0x19];
	(v2sf) =	vpush v0, $0x4  }
0x21a: {  	s17 =	rddreg [dreg:$0x18]  }
0x21b: {  	s19 =	rddreg [dreg:$0x16];
	(v2sf) =	vpush v0, $0x5  }
0x21c: {  	s11 =	rddreg [dreg:$0x1e]  }
0x21d: {  	s29 =	rddreg [dreg:$0x14];
	(v2sf) =	vpush v0, $0x6  }
0x21e: {  	s10 =	rddreg [dreg:$0x1f]  }
0x21f: {  	s15 =	rddreg [dreg:$0x1a];
	(v2sf) =	vpush v0, $0x7  }
0x220: {  	s9 =	sld [smem:$0x7FA]  }
0x221: {  	s18 =	rddreg [dreg:$0x17];
	(v2sf) =	vpush v0, $0x8  }
0x222: {  	s8 =	sld [smem:$0x7FB];
	s30 =	spop (v2sf)  }
0x223: {  	s7 =	sld [smem:$0x7FC];
	(v2sf) =	vpush v0, $0x9;
	s21 =	sand.u32 $0x1FFFFFF0, s30;
	s24 =	spop (v2sf)  }
0x224: {  	s21 =	sadd.s32 s6, s21;
	s23 =	sand.u32 $0x1FFFFFF0, s24;
	s24 =	spop (v2sf)  }
0x225: {  	(v2sf) =	vpush v0, $0xA;
	[tilespmem:s29], [sflag:$0x1] =	stream.linear.gather [hbm4b:s21+s2], $0x80, $0x38;
	[tilespmem:$0x1080] =	vst v63  }
0x226: {  	s25 =	sadd.s32 s6, s23;
	s26 =	sand.u32 $0x1FFFFFF0, s24;
	s28 =	spop (v2sf)  }
0x227: {  	(v2sf) =	vpush v0, $0xB;
	[tilespmem:s31], [sflag:$0x1] =	stream.linear.gather [hbm4b:s25+s2], $0x80, $0x38;
	[tilespmem:$0x1080] =	vst v63  }
0x228: {  	s29 =	sadd.s32 s6, s26;
	s30 =	sand.u32 $0x1FFFFFF0, s28;
	s31 =	spop (v2sf)  }
0x229: {  	(v2sf) =	vpush v0, $0xC;
	[tilespmem:s19], [sflag:$0x1] =	stream.linear.gather [hbm4b:s29+s2], $0x80, $0x38;
	[tilespmem:$0x1080] =	vst v63  }
0x22a: {  	s21 =	sadd.s32 s6, s30;
	s23 =	sand.u32 $0x1FFFFFF0, s31;
	s24 =	spop (v2sf)  }
0x22b: {  	(v2sf) =	vpush v0, $0xD;
	[tilespmem:s18], [sflag:$0x1] =	stream.linear.gather [hbm4b:s21+s2], $0x80, $0x38;
	[tilespmem:$0x1080] =	vst v63  }
0x22c: {  	s25 =	sadd.s32 s6, s23;
	s26 =	sand.u32 $0x1FFFFFF0, s24;
	s28 =	spop (v2sf)  }
0x22d: {  	(v2sf) =	vpush v0, $0xE;
	[tilespmem:s17], [sflag:$0x1] =	stream.linear.gather [hbm4b:s25+s2], $0x80, $0x38;
	[tilespmem:$0x1080] =	vst v63  }
0x22e: {  	s29 =	sadd.s32 s6, s26;
	s30 =	sand.u32 $0x1FFFFFF0, s28;
	s31 =	spop (v2sf)  }
0x22f: {  	(v2sf) =	vpush v0, $0xF;
	[tilespmem:s16], [sflag:$0x1] =	stream.linear.gather [hbm4b:s29+s2], $0x80, $0x38;
	[tilespmem:$0x1080] =	vst v63  }
0x230: {  	s18 =	sadd.s32 s6, s30;
	s20 =	sand.u32 $0x1FFFFFF0, s31;
	s21 =	spop (v2sf)  }
0x231: {  	[tilespmem:s15], [sflag:$0x1] =	stream.linear.gather [hbm4b:s18+s2], $0x80, $0x38;
	[tilespmem:$0x1080] =	vst v63  }
0x232: {  	s22 =	sadd.s32 s6, s20;
	s23 =	sand.u32 $0x1FFFFFF0, s21;
	s24 =	spop (v2sf)  }
0x233: {  	[tilespmem:s14], [sflag:$0x1] =	stream.linear.gather [hbm4b:s22+s2], $0x80, $0x38;
	[tilespmem:$0x1080] =	vst v63  }
0x234: {  	s25 =	sadd.s32 s6, s23;
	s26 =	sand.u32 $0x1FFFFFF0, s24;
	s28 =	spop (v2sf)  }
0x235: {  	[tilespmem:s13], [sflag:$0x1] =	stream.linear.gather [hbm4b:s25+s2], $0x80, $0x38;
	[tilespmem:$0x1080] =	vst v63  }
0x236: {  	s29 =	sadd.s32 s6, s26;
	s30 =	sand.u32 $0x1FFFFFF0, s28;
	s31 =	spop (v2sf)  }
0x237: {  	[tilespmem:s12], [sflag:$0x1] =	stream.linear.gather [hbm4b:s29+s2], $0x80, $0x38;
	[tilespmem:$0x1080] =	vst v63  }
0x238: {  	s14 =	sadd.s32 s6, s30;
	s15 =	sand.u32 $0x1FFFFFF0, s31;
	s16 =	spop (v2sf)  }
0x239: {  	[tilespmem:s11], [sflag:$0x1] =	stream.linear.gather [hbm4b:s14+s2], $0x80, $0x38;
	[tilespmem:$0x1080] =	vst v63  }
0x23a: {  	s17 =	sadd.s32 s6, s15;
	s18 =	sand.u32 $0x1FFFFFF0, s16;
	s19 =	spop (v2sf)  }
0x23b: {  	[tilespmem:s10], [sflag:$0x1] =	stream.linear.gather [hbm4b:s17+s2], $0x80, $0x38;
	[tilespmem:$0x1080] =	vst v63  }
0x23c: {  	s20 =	sadd.s32 s6, s18;
	s21 =	sand.u32 $0x1FFFFFF0, s19;
	s22 =	spop (v2sf)  }
0x23d: {  	[tilespmem:s9], [sflag:$0x1] =	stream.linear.gather [hbm4b:s20+s2], $0x80, $0x38;
	[tilespmem:$0x1080] =	vst v63  }
0x23e: {  	s23 =	sadd.s32 s6, s21;
	s24 =	sand.u32 $0x1FFFFFF0, s22;
	s25 =	spop (v2sf)  }
0x23f: {  	[tilespmem:s8], [sflag:$0x1] =	stream.linear.gather [hbm4b:s23+s2], $0x80, $0x38;
	[tilespmem:$0x1080] =	vst v63  }
0x240: {  	s29 =	sld [smem:$0x7FD];
	s26 =	sadd.s32 s6, s24;
	s28 =	sand.u32 $0x1FFFFFF0, s25  }
0x241: {  	[tilespmem:s7], [sflag:$0x1] =	stream.linear.gather [hbm4b:s26+s2], $0x80, $0x38;
	[tilespmem:$0x1080] =	vst v63  }
0x242: {  	s30 =	sadd.s32 s6, s28  }
0x243: {  	[tilespmem:s29], [sflag:$0x1] =	stream.linear.gather [hbm4b:s30+s2], $0x80, $0x38;
	[tilespmem:$0x1080] =	vst v63  }
0x244: {  	_ =	swait.ge [sflag:s5], $0x80  }
0x245: {  	[sflag:s5] =	ssyncset.done $0x0  }
0x246: {  	[sflag:s5] =	ssyncadd.s32 $0xFFFFFF80  }
0x247: {  	_ =	swait.ge [sflag:s5], $0x80  }
0x248: {  	[sflag:s5] =	ssyncset.done $0x0  }
0x249: {  	[sflag:s5] =	ssyncadd.s32 $0xFFFFFF80  }
0x24a: {  	_ =	swait.ge [sflag:s5], $0x80  }
0x24b: {  	[sflag:s5] =	ssyncset.done $0x0  }
0x24c: {  	[sflag:s5] =	ssyncadd.s32 $0xFFFFFF80  }
0x24d: {  	_ =	swait.ge [sflag:s5], $0x80  }
0x24e: {  	[sflag:s5] =	ssyncset.done $0x0  }
0x24f: {  	[sflag:s5] =	ssyncadd.s32 $0xFFFFFF80  }
0x250: {  	_ =	swait.ge [sflag:s5], $0x80  }
0x251: {  	[sflag:s5] =	ssyncset.done $0x0  }
0x252: {  	[sflag:s5] =	ssyncadd.s32 $0xFFFFFF80  }
0x253: {  	_ =	swait.ge [sflag:s5], $0x80  }
0x254: {  	[sflag:s5] =	ssyncset.done $0x0  }
0x255: {  	[sflag:s5] =	ssyncadd.s32 $0xFFFFFF80  }
0x256: {  	_ =	swait.ge [sflag:s5], $0x80  }
0x257: {  	[sflag:s5] =	ssyncset.done $0x0  }
0x258: {  	[sflag:s5] =	ssyncadd.s32 $0xFFFFFF80  }
0x259: {  	_ =	swait.ge [sflag:s5], $0x80  }
0x25a: {  	[sflag:s5] =	ssyncset.done $0x0  }
0x25b: {  	[sflag:s5] =	ssyncadd.s32 $0xFFFFFF80  }
0x25c: {  	_ =	swait.ge [sflag:s5], $0x80  }
0x25d: {  	[sflag:s5] =	ssyncset.done $0x0  }
0x25e: {  	[sflag:s5] =	ssyncadd.s32 $0xFFFFFF80  }
0x25f: {  	_ =	swait.ge [sflag:s5], $0x80  }
0x260: {  	[sflag:s5] =	ssyncset.done $0x0  }
0x261: {  	[sflag:s5] =	ssyncadd.s32 $0xFFFFFF80  }
0x262: {  	_ =	swait.ge [sflag:s5], $0x80  }
0x263: {  	[sflag:s5] =	ssyncset.done $0x0  }
0x264: {  	[sflag:s5] =	ssyncadd.s32 $0xFFFFFF80  }
0x265: {  	_ =	swait.ge [sflag:s5], $0x80  }
0x266: {  	[sflag:s5] =	ssyncset.done $0x0  }
0x267: {  	[sflag:s5] =	ssyncadd.s32 $0xFFFFFF80  }
0x268: {  	_ =	swait.ge [sflag:s5], $0x80  }
0x269: {  	[sflag:s5] =	ssyncset.done $0x0  }
0x26a: {  	[sflag:s5] =	ssyncadd.s32 $0xFFFFFF80  }
0x26b: {  	_ =	swait.ge [sflag:s5], $0x80  }
0x26c: {  	[sflag:s5] =	ssyncset.done $0x0  }
0x26d: {  	[sflag:s5] =	ssyncadd.s32 $0xFFFFFF80  }
0x26e: {  	_ =	swait.ge [sflag:s5], $0x80  }
0x26f: {  	[sflag:s5] =	ssyncset.done $0x0  }
0x270: {  	[sflag:s5] =	ssyncadd.s32 $0xFFFFFF80  }
0x271: {  	_ =	swait.ge [sflag:s5], $0x80  }
0x272: {  	[sflag:s5] =	ssyncset.done $0x0  }
0x273: {  	[sflag:s5] =	ssyncadd.s32 $0xFFFFFF80  }
0x274: {  	_ =	swait.ge [sflag:s5], $0x80  }
0x275: {  	[sflag:s5] =	ssyncset.done $0x0  }
0x276: {  	[sflag:s5] =	ssyncadd.s32 $0xFFFFFF80  }
0x277: {  	_ =	swait.ge [sflag:s5], $0x80  }
0x278: {  	[sflag:s5] =	ssyncset.done $0x0  }
0x279: {  	[sflag:s5] =	ssyncadd.s32 $0xFFFFFF80  }
0x27a: {  	_ =	swait.ge [sflag:s5], $0x80  }
0x27b: {  	[sflag:s5] =	ssyncset.done $0x0  }
0x27c: {  	[sflag:s5] =	ssyncadd.s32 $0xFFFFFF80  }
0x27d: {  	_ =	swait.ge [sflag:s5], $0x80  }
0x27e: {  	[sflag:s5] =	ssyncset.done $0x0  }
0x27f: {  	[sflag:s5] =	ssyncadd.s32 $0xFFFFFF80  }
0x280: {  	_ =	swait.ge [sflag:s5], $0x80  }
0x281: {  	[sflag:s5] =	ssyncset.done $0x0  }
0x282: {  	[sflag:s5] =	ssyncadd.s32 $0xFFFFFF80  }
0x283: {  	_ =	swait.ge [sflag:s5], $0x80  }
0x284: {  	[sflag:s5] =	ssyncset.done $0x0  }
0x285: {  	[sflag:s5] =	ssyncadd.s32 $0xFFFFFF80  }
0x286: {  	_ =	swait.ge [sflag:s5], $0x80  }
0x287: {  	[sflag:s5] =	ssyncset.done $0x0  }
0x288: {  	[sflag:s5] =	ssyncadd.s32 $0xFFFFFF80  }
0x289: {  	_ =	swait.ge [sflag:s5], $0x80  }
0x28a: {  	[sflag:s5] =	ssyncset.done $0x0  }
0x28b: {  	[sflag:s5] =	ssyncadd.s32 $0xFFFFFF80  }
0x28c: {  	_ =	swait.ge [sflag:s5], $0x80  }
0x28d: {  	[sflag:s5] =	ssyncset.done $0x0  }
0x28e: {  	[sflag:s5] =	ssyncadd.s32 $0xFFFFFF80  }
0x28f: {  	_ =	swait.ge [sflag:s5], $0x80  }
0x290: {  	[sflag:s5] =	ssyncset.done $0x0  }
0x291: {  	[sflag:s5] =	ssyncadd.s32 $0xFFFFFF80  }
0x292: {  	_ =	swait.ge [sflag:s5], $0x80  }
0x293: {  	[sflag:s5] =	ssyncset.done $0x0  }
0x294: {  	[sflag:s5] =	ssyncadd.s32 $0xFFFFFF80  }
0x295: {  	_ =	swait.ge [sflag:s5], $0x80  }
0x296: {  	[sflag:s5] =	ssyncset.done $0x0  }
0x297: {  	[sflag:s5] =	ssyncadd.s32 $0xFFFFFF80  }
0x298: {  	_ =	swait.ge [sflag:s5], $0x80  }
0x299: {  	[sflag:s5] =	ssyncset.done $0x0  }
0x29a: {  	[sflag:s5] =	ssyncadd.s32 $0xFFFFFF80  }
0x29b: {  	_ =	swait.ge [sflag:s5], $0x80  }
0x29c: {  	[sflag:s5] =	ssyncset.done $0x0  }
0x29d: {  	[sflag:s5] =	ssyncadd.s32 $0xFFFFFF80  }
0x29e: {  	_ =	swait.ge [sflag:s5], $0x80  }
0x29f: {  	[sflag:s5] =	ssyncset.done $0x0  }
0x2a0: {  	[sflag:s5] =	ssyncadd.s32 $0xFFFFFF80  }
0x2a1: {  	_ =	swait.ge [sflag:s5], $0x80  }
0x2a2: {  	[sflag:s5] =	ssyncset.done $0x0  }
0x2a3: {  	s31 =	rddreg [dreg:$0x4];
	[sflag:s5] =	ssyncadd.s32 $0xFFFFFF80  }
0x2a4: {  	[hbm4b:s31+s2] =	stream.linear.scatter [tilespmem:s4], [sflag:$0x2], $0x1000, $0x38;
	[tilespmem:$0x1080] =	vst v63  }
0x2a5: {  	_ =	swait.ge [sflag:s3], $0x1000  }
0x2a6: {  	[sflag:s3] =	ssyncset.done $0x0  }
0x2a7: {  	[sflag:s3] =	ssyncadd.s32 $0xFFFFF000  }
0x2a8: {  	_ =	sfence.sel $0x180000  }
0x2a9: {  	[bflag:$0x0] =	sbarrier.arrive $0xFFFF  }
0x2aa: {  	p0 =	sne.s32 s0, $0x0;
	_ =	strace $0x90000047  }
0x2ab: {  	s0 =	sadd.s32 @!p0 $0x100000, s1;
	[bflag:$0x2] =	sbarrier.arrive $0xFFFF  }
0x2ac: {  	[sflag:s0] =	ssyncadd.tile.s32 @!p0 $0x1;
	_ =	shalt  }
.Lfunc_end2:
_tile_overlayer_lowered:
.L_overlay_start_2:
0x2ad: {  	(tag) =	ssettag $0x2  }
0x2ae: {  	s0 =	rddreg [dreg:$0x0];
	s2 =	stileid.u32  }
0x2af: {  	s1 =	rddreg [dreg:$0x1];
	p0 =	sne.s32 s2, $0x0  }
0x2b0: {  	s3 =	rddreg [dreg:$0x2];
	[bflag:$0x3] =	sbarrier.arrive $0xFFFF;
	s2 =	simm.s32 @!p0 $0x1C02  }
0x2b1: {  	[timem:s3], [sflag:s2] =	dma.local @!p0 [hbm:s0], s1  }
0x2b2: {  	s0 =	simm.s32 @!p0 $0x2  }
0x2b3: {  	_ =	swait.ge @!p0 [sflag:s0], s1  }
0x2b4: {  	s1 =	ssub.s32 @!p0 $0x0, s1;
	[sflag:s0] =	ssyncset.done @!p0 $0x0  }
0x2b5: {  	[sflag:s0] =	ssyncadd.s32 @!p0 s1  }
0x2b6: {  	[bflag:$0x3] =	sbarrier.arrive $0xFFFF  }
0x2b7: {  	_ =	shalt  }

</sc_bundles>
